<compile_context>
chip_gen: v7x
topology: tpu7x:2x2x1
jax: 0.10.2.dev20260603
libtpu: 0.0.44.dev20260713+nightly
codegen_flags: <defaults>
</compile_context>

<pallas_src>
import functools

import jax
import jax.numpy as jnp
from jax import lax
from jax.experimental import pallas as pl
from jax.experimental.pallas import tpu as pltpu
from jax.experimental.pallas import tpu_sc as plsc

NC = 2
NS = 16
NW = NC * NS
LANES = 16



EC = 128


GR = 8
TRASH = 128


def _zero_spmem(buf, sh, n, d, sid, cid_unused=None):
    nfull = n // EC
    ntail = n - nfull * EC
    kmax = (nfull + NS - 1) // NS
    for k in range(kmax):
        idx = k * NS + sid
        @pl.when(idx < nfull)
        def _():
            pltpu.sync_copy(buf, sh.at[pl.ds(idx * EC, EC)])
    if ntail:
        @pl.when(sid == NS - 1)
        def _():
            pltpu.sync_copy(buf.at[pl.ds(0, ntail)], sh.at[pl.ds(nfull * EC, ntail)])


def _dump_spmem(buf, sh, out, n, d, sid, cid):
    nfull = n // EC
    ntail = n - nfull * EC
    kmax = (nfull + NS - 1) // NS
    for k in range(kmax):
        idx = k * NS + sid
        @pl.when(idx < nfull)
        def _():
            r0 = idx * EC
            pltpu.sync_copy(sh.at[pl.ds(r0, EC)], buf)
            pltpu.sync_copy(buf, out.at[cid, pl.ds(r0, EC)])
    if ntail:
        @pl.when(sid == NS - 1)
        def _():
            r0 = nfull * EC
            pltpu.sync_copy(sh.at[pl.ds(r0, ntail)], buf.at[pl.ds(0, ntail)])
            pltpu.sync_copy(buf.at[pl.ds(0, ntail)], out.at[cid, pl.ds(r0, ntail)])


@functools.partial(jax.jit, static_argnames=("n", "d", "nch"))
def _agg_call(h, src3d, dst3d, *, n, d, nch):
    ngr = nch // GR
    assert ngr * GR == nch

    mesh = plsc.VectorSubcoreMesh(core_axis_name="c", subcore_axis_name="s")

    scratch = [
        pltpu.VMEM((3, GR, EC), jnp.int32),
        pltpu.VMEM((3, GR, EC), jnp.int32),
        pltpu.VMEM((2, EC, d), jnp.float32),
        pltpu.VMEM_SHARED((n + TRASH, d), jnp.float32),
        pltpu.SemaphoreType.DMA,
        pltpu.SemaphoreType.DMA,
        pltpu.SemaphoreType.DMA,
        pltpu.SemaphoreType.DMA,
        pltpu.SemaphoreType.DMA,
        pltpu.SemaphoreType.DMA,
        pltpu.SemaphoreType.DMA,
    ]

    def body(h_hbm, src_hbm, dst_hbm, agg_out,
             src_v, dst_v, rows_v, agg_sh, si0, si1, si2, sg0, sg1, ss0, ss1):
        si = [si0, si1, si2]
        sg = [sg0, sg1]
        ss = [ss0, ss1]
        cid = lax.axis_index("c")
        sid = lax.axis_index("s")
        wid = sid * NC + cid

        zeros = jnp.zeros((LANES,), jnp.float32)
        zbuf = rows_v.at[0]

        def zfill(i, _):
            for s in range(d // LANES):
                zbuf[i, pl.ds(s * LANES, LANES)] = zeros
            return 0
        lax.fori_loop(0, EC, zfill, 0)
        _zero_spmem(zbuf, agg_sh, n, d, sid)
        plsc.subcore_barrier()

        def issue_idx(g):
            gb = g % 3
            pltpu.async_copy(src_hbm.at[wid, pl.ds(g * GR, GR)], src_v.at[gb], si[gb])
            pltpu.async_copy(dst_hbm.at[wid, pl.ds(g * GR, GR)], dst_v.at[gb], si[gb])

        def wait_idx(g):
            gb = g % 3
            pltpu.make_async_copy(src_hbm.at[wid, pl.ds(g * GR, GR)], src_v.at[gb], si[gb]).wait()
            pltpu.make_async_copy(dst_hbm.at[wid, pl.ds(g * GR, GR)], dst_v.at[gb], si[gb]).wait()

        def _kgb(j):
            if isinstance(j, int):
                return j % GR, (j // GR) % 3
            return lax.rem(j, GR), lax.rem(lax.div(j, GR), 3)

        def issue_gather(j, b):
            k, gb = _kgb(j)
            pltpu.async_copy(h_hbm.at[src_v.at[gb, k]], rows_v.at[b], sg[b])

        def wait_gather(j, b):
            k, gb = _kgb(j)
            pltpu.make_async_copy(h_hbm.at[src_v.at[gb, k]], rows_v.at[b], sg[b]).wait()

        def issue_scatter(j, b):
            k, gb = _kgb(j)
            pltpu.async_copy(rows_v.at[b], agg_sh.at[dst_v.at[gb, k]], ss[b], add=True)

        def wait_scatter(j, b):
            k, gb = _kgb(j)
            pltpu.make_async_copy(rows_v.at[b], agg_sh.at[dst_v.at[gb, k]], ss[b]).wait()

        issue_idx(0)
        wait_idx(0)
        issue_gather(0, 0)
        npair = GR // 2
        for g in range(ngr):
            if g + 1 < ngr:
                issue_idx(g + 1)

            def pair_body(u, _, g=g):
                j0 = g * GR + 2 * u
                wait_gather(j0, 0)
                issue_scatter(j0, 0)

                @pl.when(j0 > 0)
                def _():
                    wait_scatter(j0 - 1, 1)
                issue_gather(j0 + 1, 1)
                wait_gather(j0 + 1, 1)
                issue_scatter(j0 + 1, 1)
                wait_scatter(j0, 0)

                @pl.when(u < npair - 1)
                def _():
                    issue_gather(j0 + 2, 0)
                return 0
            lax.fori_loop(0, npair, pair_body, 0)
            if g + 1 < ngr:
                wait_idx(g + 1)
                issue_gather((g + 1) * GR, 0)
        wait_scatter(nch - 1, 1)

        plsc.subcore_barrier()
        _dump_spmem(zbuf, agg_sh, agg_out, n, d, sid, cid)

    fn = pl.kernel(body,
                   out_type=jax.ShapeDtypeStruct((NC, n, d), jnp.float32),
                   mesh=mesh, scratch_types=scratch)
    return fn(h, src3d, dst3d)


@functools.partial(jax.jit, static_argnames=("n", "d", "nch"))
def _deg_call(dst3d, *, n, d, nch):
    ngr = nch // GR
    assert ngr * GR == nch

    mesh = plsc.VectorSubcoreMesh(core_axis_name="c", subcore_axis_name="s")

    scratch = [
        pltpu.VMEM((3, GR, EC), jnp.int32),
        pltpu.VMEM((EC, d), jnp.float32),
        pltpu.VMEM_SHARED((n + TRASH, d), jnp.float32),
        pltpu.SemaphoreType.DMA,
        pltpu.SemaphoreType.DMA,
        pltpu.SemaphoreType.DMA,
        pltpu.SemaphoreType.DMA,
        pltpu.SemaphoreType.DMA,
        pltpu.SemaphoreType.DMA,
        pltpu.SemaphoreType.DMA,
    ]

    def body(dst_hbm, deg_out, dst_v, ones_v, deg_sh, si0, si1, si2, s0, s1, s2, s3):
        si = [si0, si1, si2]
        ssem = [s0, s1, s2, s3]
        cid = lax.axis_index("c")
        sid = lax.axis_index("s")
        wid = sid * NC + cid

        zeros = jnp.zeros((LANES,), jnp.float32)

        def zfill(i, _):
            for s in range(d // LANES):
                ones_v[i, pl.ds(s * LANES, LANES)] = zeros
            return 0
        lax.fori_loop(0, EC, zfill, 0)
        _zero_spmem(ones_v, deg_sh, n, d, sid)

        def ofill(i, _):
            for s in range(d // LANES):
                ones_v[i, pl.ds(s * LANES, LANES)] = zeros + 1.0
            return 0
        lax.fori_loop(0, EC, ofill, 0)
        plsc.subcore_barrier()

        def issue_idx(g):
            gb = g % 3
            pltpu.async_copy(dst_hbm.at[wid, pl.ds(g * GR, GR)], dst_v.at[gb], si[gb])

        def wait_idx(g):
            gb = g % 3
            pltpu.make_async_copy(dst_hbm.at[wid, pl.ds(g * GR, GR)], dst_v.at[gb], si[gb]).wait()

        def _kgb(j):
            if isinstance(j, int):
                return j % GR, (j // GR) % 3
            return lax.rem(j, GR), lax.rem(lax.div(j, GR), 3)

        def issue_sc(j, q):
            k, gb = _kgb(j)
            pltpu.async_copy(ones_v, deg_sh.at[dst_v.at[gb, k]], ssem[q], add=True)

        def wait_sc(j, q):
            k, gb = _kgb(j)
            pltpu.make_async_copy(ones_v, deg_sh.at[dst_v.at[gb, k]], ssem[q]).wait()

        issue_idx(0)
        wait_idx(0)
        for g in range(ngr):
            if g + 1 < ngr:
                issue_idx(g + 1)

            def qbody(u, _, g=g):
                base = g * GR + 4 * u
                for q in range(4):
                    j = base + q
                    @pl.when(j >= 4)
                    def _():
                        wait_sc(j - 4, q)
                    issue_sc(j, q)
                return 0
            lax.fori_loop(0, GR // 4, qbody, 0)
            if g + 1 < ngr:
                wait_idx(g + 1)
        for q in range(4):
            wait_sc(nch - 4 + q, q)

        plsc.subcore_barrier()
        _dump_spmem(ones_v, deg_sh, deg_out, n, d, sid, cid)

    fn = pl.kernel(body,
                   out_type=jax.ShapeDtypeStruct((NC, n, d), jnp.float32),
                   mesh=mesh, scratch_types=scratch)
    return fn(dst3d)




def _layer_body(h_ref, aggp_ref, degp_ref, ws_ref, wn_ref, b_ref, out_ref):
    agg = aggp_ref[0] + aggp_ref[1]
    deg = degp_ref[0, :, 0] + degp_ref[1, :, 0]
    invd = 1.0 / jnp.maximum(deg, 1.0)
    m = agg * invd[:, None]
    z = (jnp.dot(h_ref[...], ws_ref[...], preferred_element_type=jnp.float32)
         + jnp.dot(m, wn_ref[...], preferred_element_type=jnp.float32)
         + b_ref[...])
    z = jnp.where(z >= 0, z, 0.2 * z)
    nrm = jnp.sqrt(jnp.sum(z * z, axis=-1, keepdims=True)) + 1e-12
    out_ref[...] = z / nrm


@functools.partial(jax.jit, static_argnames=("n", "d", "bn"))
def _layer_call(h, aggp, degp, ws, wn, b, *, n, d, bn):
    grid = (n // bn,)
    return pl.pallas_call(
        _layer_body,
        grid=grid,
        in_specs=[
            pl.BlockSpec((bn, d), lambda i: (i, 0)),
            pl.BlockSpec((NC, bn, d), lambda i: (0, i, 0)),
            pl.BlockSpec((NC, bn, d), lambda i: (0, i, 0)),
            pl.BlockSpec((d, d), lambda i: (0, 0)),
            pl.BlockSpec((d, d), lambda i: (0, 0)),
            pl.BlockSpec((1, d), lambda i: (0, 0)),
        ],
        out_specs=pl.BlockSpec((bn, d), lambda i: (i, 0)),
        out_shape=jax.ShapeDtypeStruct((n, d), jnp.float32),
    )(h, aggp, degp, ws, wn, b.reshape(1, d))




@functools.partial(jax.jit, static_argnames=("n", "d", "ptot"))
def _scores_call(h, a2d, b2d, *, n, d, ptot):
    CS = 128
    ppw = ptot // NW
    nch = ppw // CS
    assert ppw * NW == ptot and nch * CS == ppw

    mesh = plsc.VectorSubcoreMesh(core_axis_name="c", subcore_axis_name="s")

    def body(h_hbm, a_hbm, b_hbm, out_hbm, a_v, b_v, ra_v, rb_v, out_v,
             sa0, sa1, sb0, sb1):
        sa = [sa0, sa1]
        sb = [sb0, sb1]
        cid = lax.axis_index("c")
        sid = lax.axis_index("s")
        wid = sid * NC + cid

        pltpu.sync_copy(a_hbm.at[wid], a_v)
        pltpu.sync_copy(b_hbm.at[wid], b_v)

        def issue(j, b):
            pltpu.async_copy(h_hbm.at[a_v.at[j]], ra_v.at[b], sa[b])
            pltpu.async_copy(h_hbm.at[b_v.at[j]], rb_v.at[b], sb[b])

        def wait(j, b):
            pltpu.make_async_copy(h_hbm.at[a_v.at[j]], ra_v.at[b], sa[b]).wait()
            pltpu.make_async_copy(h_hbm.at[b_v.at[j]], rb_v.at[b], sb[b]).wait()

        def compute(j, b):
            ra = ra_v.at[b]
            rb = rb_v.at[b]

            def row8(r, _):
                for q in range(8):
                    p = r * 8 + q
                    acc = ra[p, pl.ds(0, LANES)] * rb[p, pl.ds(0, LANES)]
                    for s in range(1, d // LANES):
                        acc = acc + (ra[p, pl.ds(s * LANES, LANES)]
                                     * rb[p, pl.ds(s * LANES, LANES)])
                    out_v[r, pl.ds(q * LANES, LANES)] = acc
                return 0
            lax.fori_loop(0, CS // 8, row8, 0, unroll=2)
            pltpu.sync_copy(out_v, out_hbm.at[pl.ds((wid * nch + j) * (CS // 8), CS // 8)])

        issue(0, 0)

        def chunk_pair(t, _):
            j0 = 2 * t
            issue(j0 + 1, 1)
            wait(j0, 0)
            compute(j0, 0)

            @pl.when(j0 + 2 < nch)
            def _():
                issue(j0 + 2, 0)
            wait(j0 + 1, 1)
            compute(j0 + 1, 1)
            return 0
        lax.fori_loop(0, nch // 2, chunk_pair, 0)

    fn = pl.kernel(
        body,
        out_type=jax.ShapeDtypeStruct((ptot // 8, d), jnp.float32),
        mesh=mesh,
        scratch_types=[
            pltpu.VMEM((nch, CS), jnp.int32),
            pltpu.VMEM((nch, CS), jnp.int32),
            pltpu.VMEM((2, CS, d), jnp.float32),
            pltpu.VMEM((2, CS, d), jnp.float32),
            pltpu.VMEM((CS // 8, d), jnp.float32),
            pltpu.SemaphoreType.DMA,
            pltpu.SemaphoreType.DMA,
            pltpu.SemaphoreType.DMA,
            pltpu.SemaphoreType.DMA,
        ],
    )
    return fn(h, a2d, b2d)


def _score_reduce_body(part_ref, out_ref):
    d = part_ref.shape[1]
    ng = d // LANES
    l = lax.broadcasted_iota(jnp.int32, (d, ng), 0)
    g = lax.broadcasted_iota(jnp.int32, (d, ng), 1)
    m = (l // LANES == g).astype(jnp.float32)
    out_ref[...] = jnp.dot(part_ref[...], m, preferred_element_type=jnp.float32)


@functools.partial(jax.jit, static_argnames=("ptot", "bp", "d"))
def _score_reduce(part, *, ptot, bp, d):
    rows = ptot // 8
    return pl.pallas_call(
        _score_reduce_body,
        grid=(rows // bp,),
        in_specs=[pl.BlockSpec((bp, d), lambda i: (i, 0))],
        out_specs=pl.BlockSpec((bp, d // LANES), lambda i: (i, 0)),
        out_shape=jax.ShapeDtypeStruct((rows, d // LANES), jnp.float32),
    )(part)




def kernel(x, edge_index, pos_edge_index, neg_edge_index,
           W_self_0, W_neigh_0, b_0,
           W_self_1, W_neigh_1, b_1,
           W_self_2, W_neigh_2, b_2):
    n, d = x.shape
    e = edge_index.shape[1]
    npair = pos_edge_index.shape[1]

    equant = NW * EC * GR
    epad = ((e + equant - 1) // equant) * equant
    nch = epad // (NW * EC)
    pidx = jnp.arange(epad - e, dtype=jnp.int32)
    src_p = jnp.concatenate([edge_index[0], pidx % n])
    dst_p = jnp.concatenate([edge_index[1], n + pidx % TRASH])
    src3d = src_p.reshape(NW, nch, EC)
    dst3d = dst_p.reshape(NW, nch, EC)

    ws = [(W_self_0, W_neigh_0, b_0), (W_self_1, W_neigh_1, b_1), (W_self_2, W_neigh_2, b_2)]
    degp = _deg_call(dst3d, n=n, d=d, nch=nch)
    h = x
    for (wself, wneigh, bb) in ws:
        aggp = _agg_call(h, src3d, dst3d, n=n, d=d, nch=nch)
        h = _layer_call(h, aggp, degp, wself, wneigh, bb, n=n, d=d, bn=1000)
    h3 = h

    CS = 128
    quant = NW * CS
    npad = ((npair + quant - 1) // quant) * quant
    pz = npad - npair

    sidx = jnp.arange(pz, dtype=jnp.int32)

    def padcat(row):
        return jnp.concatenate([row, sidx % n])

    a_all = jnp.concatenate([padcat(pos_edge_index[0]), padcat(neg_edge_index[0])])
    b_all = jnp.concatenate([padcat(pos_edge_index[1]), padcat(neg_edge_index[1])])
    nchs = 2 * npad // (NW * CS)
    part = _scores_call(h3, a_all.reshape(NW, nchs, CS), b_all.reshape(NW, nchs, CS),
                        n=n, d=d, ptot=2 * npad)
    scores = _score_reduce(part, ptot=2 * npad, bp=1600, d=d).reshape(-1)
    pos_score = scores[:npair]
    neg_score = scores[npad:npad + npair]
    return (h3, pos_score, neg_score)

# --- scband reference (transcript-rebuilt; emitter-appended) ---
"""Pipeline reference for scband-mpnnconv-model-15264313770095 (READ-ONLY COPY).

The authoritative reference and input builder live on the scoring server;
editing this copy changes nothing except your own understanding.
"""

import jax, jax.numpy as jnp
import numpy as np

N = 10000
E = 320000
D = 128
NP = 100000


def setup_inputs(seed: int = 0) -> dict:
    key = jax.random.key(seed)
    ks = jax.random.split(key, 16)
    inp = {}
    inp["x"] = jax.random.normal(ks[0], (N, D), dtype=jnp.float32)
    inp["edge_index"] = jax.random.randint(ks[1], (2, E), 0, N, dtype=jnp.int32)
    inp["pos_edge_index"] = jax.random.randint(ks[2], (2, NP), 0, N, dtype=jnp.int32)
    inp["neg_edge_index"] = jax.random.randint(ks[3], (2, NP), 0, N, dtype=jnp.int32)
    # 3 ConvLayers: (node->hidden), (hidden->hidden), (hidden->out); all dims = 128
    for i in range(3):
        s = 1.0 / np.sqrt(D)
        inp[f"W_self_{i}"] = jax.random.uniform(ks[4 + 3 * i], (D, D), dtype=jnp.float32, minval=-s, maxval=s)
        inp[f"W_neigh_{i}"] = jax.random.uniform(ks[5 + 3 * i], (D, D), dtype=jnp.float32, minval=-s, maxval=s)
        inp[f"b_{i}"] = jnp.zeros((D,), dtype=jnp.float32)
    return inp


def _l2norm(h):
    return h / (jnp.linalg.norm(h, axis=-1, keepdims=True) + 1e-12)


def _conv_layer(h, edge_index, W_self, W_neigh, b, norm=True):
    # message: linear transform of source node features
    src = edge_index[0]
    dst = edge_index[1]
    msg = h[src] @ W_neigh  # gather + matmul
    agg = jax.ops.segment_sum(msg, dst, num_segments=h.shape[0])  # scatter-add aggregation
    deg = jax.ops.segment_sum(jnp.ones((edge_index.shape[1],), dtype=h.dtype), dst, num_segments=h.shape[0])
    agg = agg / jnp.clip(deg, 1.0, None)[:, None]  # mean aggregation
    out = h @ W_self + agg + b
    out = jax.nn.leaky_relu(out, negative_slope=0.2)
    if norm:
        out = _l2norm(out)
    return out


def _cosine_prediction(h, edge_index):
    nh = _l2norm(h)
    return jnp.sum(nh[edge_index[0]] * nh[edge_index[1]], axis=-1)


def reference(x, edge_index, pos_edge_index, neg_edge_index,
              W_self_0, W_neigh_0, b_0,
              W_self_1, W_neigh_1, b_1,
              W_self_2, W_neigh_2, b_2):
    h = x
    h = _conv_layer(h, edge_index, W_self_0, W_neigh_0, b_0)
    h = _conv_layer(h, edge_index, W_self_1, W_neigh_1, b_1)
    h = _conv_layer(h, edge_index, W_self_2, W_neigh_2, b_2)
    pos_score = _cosine_prediction(h, pos_edge_index)
    neg_score = _cosine_prediction(h, neg_edge_index)
    return (h, pos_score, neg_score)

if __name__ == "__main__":
    import jax
    _d = setup_inputs()
    print(jax.jit(kernel)(*tuple(_d.values())))

</pallas_src>

<mosaic_0001>
#map = affine_map<(d0, d1) -> (0, 0, 0)>
module attributes {stable_mosaic.version = 14 : i64} {
  func.func @body(%arg0: i32, %arg1: i32, %arg2: memref<32x80x128xi32, #tpu.memory_space<hbm>>, %arg3: memref<2x10000x128xf32, #tpu.memory_space<hbm>>, %arg4: memref<3x8x128xi32, #tpu.memory_space<vmem>>, %arg5: memref<128x128xf32, #tpu.memory_space<vmem>>, %arg6: memref<10128x128xf32, #tpu.memory_space<vmem_shared>>, %arg7: memref<!tpu.dma_semaphore, #tpu.memory_space<semaphore_mem>>, %arg8: memref<!tpu.dma_semaphore, #tpu.memory_space<semaphore_mem>>, %arg9: memref<!tpu.dma_semaphore, #tpu.memory_space<semaphore_mem>>, %arg10: memref<!tpu.dma_semaphore, #tpu.memory_space<semaphore_mem>>, %arg11: memref<!tpu.dma_semaphore, #tpu.memory_space<semaphore_mem>>, %arg12: memref<!tpu.dma_semaphore, #tpu.memory_space<semaphore_mem>>, %arg13: memref<!tpu.dma_semaphore, #tpu.memory_space<semaphore_mem>>) attributes {dimension_semantics = [#tpu.dimension_semantics<core_parallel>, #tpu.dimension_semantics<subcore_parallel>], iteration_bounds = array<i64: 2, 16>, scalar_prefetch = 0 : i64, scratch_operands = 10 : i64, tpu.core_type = #tpu.core_type<sc_vector_subcore>, window_params = [{transform_indices = #map}, {transform_indices = #map}]} {
    %mul3A = arith.constant 2 : i32
    %mul3A_0 = arith.muli %arg1, %mul3A : i32
    %add3A = arith.addi %mul3A_0, %arg0 : i32
    %broadcast_in_dim3A = arith.constant 0.000000e+00 : f32
    %broadcast_in_dim3A_1 = vector.broadcast %broadcast_in_dim3A : f32 to vector<16xf32>
    %scan3A = arith.constant 0 : i32
    %scan3A_2 = arith.constant 0 : i32
    %scan3A_3 = arith.constant 128 : i32
    %scan3A_4 = arith.addi %scan3A_2, %scan3A_3 : i32
    %scan3A_5 = arith.constant 1 : i32
    %scan3A_6 = scf.for %scan3A_532 = %scan3A_2 to %scan3A_4 step %scan3A_5 iter_args(%scan3A_533 = %scan3A) -> (i32)  : i32 {
      %swap3A = arith.index_cast %scan3A_532 : i32 to index
      %swap3A_534 = arith.constant 0 : index
      %swap3A_535 = tpu.vector_load %arg5[%swap3A, %swap3A_534] {strides = array<i32>} : memref<128x128xf32, #tpu.memory_space<vmem>>, vector<1x16xf32>,
      %swap3A_536 = vector.shape_cast %swap3A_535 : vector<1x16xf32> to vector<16xf32>
      %swap3A_537 = vector.shape_cast %broadcast_in_dim3A_1 : vector<16xf32> to vector<1x16xf32>
      tpu.vector_store %arg5[%swap3A, %swap3A_534], %swap3A_537 {strides = array<i32>} : memref<128x128xf32, #tpu.memory_space<vmem>>, vector<1x16xf32>,
      %swap3A_538 = arith.index_cast %scan3A_532 : i32 to index
      %swap3A_539 = arith.constant 16 : index
      %swap3A_540 = tpu.vector_load %arg5[%swap3A_538, %swap3A_539] {strides = array<i32>} : memref<128x128xf32, #tpu.memory_space<vmem>>, vector<1x16xf32>,
      %swap3A_541 = vector.shape_cast %swap3A_540 : vector<1x16xf32> to vector<16xf32>
      %swap3A_542 = vector.shape_cast %broadcast_in_dim3A_1 : vector<16xf32> to vector<1x16xf32>
      tpu.vector_store %arg5[%swap3A_538, %swap3A_539], %swap3A_542 {strides = array<i32>} : memref<128x128xf32, #tpu.memory_space<vmem>>, vector<1x16xf32>,
      %swap3A_543 = arith.index_cast %scan3A_532 : i32 to index
      %swap3A_544 = arith.constant 32 : index
      %swap3A_545 = tpu.vector_load %arg5[%swap3A_543, %swap3A_544] {strides = array<i32>} : memref<128x128xf32, #tpu.memory_space<vmem>>, vector<1x16xf32>,
      %swap3A_546 = vector.shape_cast %swap3A_545 : vector<1x16xf32> to vector<16xf32>
      %swap3A_547 = vector.shape_cast %broadcast_in_dim3A_1 : vector<16xf32> to vector<1x16xf32>
      tpu.vector_store %arg5[%swap3A_543, %swap3A_544], %swap3A_547 {strides = array<i32>} : memref<128x128xf32, #tpu.memory_space<vmem>>, vector<1x16xf32>,
      %swap3A_548 = arith.index_cast %scan3A_532 : i32 to index
      %swap3A_549 = arith.constant 48 : index
      %swap3A_550 = tpu.vector_load %arg5[%swap3A_548, %swap3A_549] {strides = array<i32>} : memref<128x128xf32, #tpu.memory_space<vmem>>, vector<1x16xf32>,
      %swap3A_551 = vector.shape_cast %swap3A_550 : vector<1x16xf32> to vector<16xf32>
      %swap3A_552 = vector.shape_cast %broadcast_in_dim3A_1 : vector<16xf32> to vector<1x16xf32>
      tpu.vector_store %arg5[%swap3A_548, %swap3A_549], %swap3A_552 {strides = array<i32>} : memref<128x128xf32, #tpu.memory_space<vmem>>, vector<1x16xf32>,
      %swap3A_553 = arith.index_cast %scan3A_532 : i32 to index
      %swap3A_554 = arith.constant 64 : index
      %swap3A_555 = tpu.vector_load %arg5[%swap3A_553, %swap3A_554] {strides = array<i32>} : memref<128x128xf32, #tpu.memory_space<vmem>>, vector<1x16xf32>,
      %swap3A_556 = vector.shape_cast %swap3A_555 : vector<1x16xf32> to vector<16xf32>
      %swap3A_557 = vector.shape_cast %broadcast_in_dim3A_1 : vector<16xf32> to vector<1x16xf32>
      tpu.vector_store %arg5[%swap3A_553, %swap3A_554], %swap3A_557 {strides = array<i32>} : memref<128x128xf32, #tpu.memory_space<vmem>>, vector<1x16xf32>,
      %swap3A_558 = arith.index_cast %scan3A_532 : i32 to index
      %swap3A_559 = arith.constant 80 : index
      %swap3A_560 = tpu.vector_load %arg5[%swap3A_558, %swap3A_559] {strides = array<i32>} : memref<128x128xf32, #tpu.memory_space<vmem>>, vector<1x16xf32>,
      %swap3A_561 = vector.shape_cast %swap3A_560 : vector<1x16xf32> to vector<16xf32>
      %swap3A_562 = vector.shape_cast %broadcast_in_dim3A_1 : vector<16xf32> to vector<1x16xf32>
      tpu.vector_store %arg5[%swap3A_558, %swap3A_559], %swap3A_562 {strides = array<i32>} : memref<128x128xf32, #tpu.memory_space<vmem>>, vector<1x16xf32>,
      %swap3A_563 = arith.index_cast %scan3A_532 : i32 to index
      %swap3A_564 = arith.constant 96 : index
      %swap3A_565 = tpu.vector_load %arg5[%swap3A_563, %swap3A_564] {strides = array<i32>} : memref<128x128xf32, #tpu.memory_space<vmem>>, vector<1x16xf32>,
      %swap3A_566 = vector.shape_cast %swap3A_565 : vector<1x16xf32> to vector<16xf32>
      %swap3A_567 = vector.shape_cast %broadcast_in_dim3A_1 : vector<16xf32> to vector<1x16xf32>
      tpu.vector_store %arg5[%swap3A_563, %swap3A_564], %swap3A_567 {strides = array<i32>} : memref<128x128xf32, #tpu.memory_space<vmem>>, vector<1x16xf32>,
      %swap3A_568 = arith.index_cast %scan3A_532 : i32 to index
      %swap3A_569 = arith.constant 112 : index
      %swap3A_570 = tpu.vector_load %arg5[%swap3A_568, %swap3A_569] {strides = array<i32>} : memref<128x128xf32, #tpu.memory_space<vmem>>, vector<1x16xf32>,
      %swap3A_571 = vector.shape_cast %swap3A_570 : vector<1x16xf32> to vector<16xf32>
      %swap3A_572 = vector.shape_cast %broadcast_in_dim3A_1 : vector<16xf32> to vector<1x16xf32>
      tpu.vector_store %arg5[%swap3A_568, %swap3A_569], %swap3A_572 {strides = array<i32>} : memref<128x128xf32, #tpu.memory_space<vmem>>, vector<1x16xf32>,
      %scan3A_573 = arith.constant 0 : i32
      scf.yield %scan3A_573 : i32
    }
    %scan3A_7 = arith.constant 128 : i32
    %add3A_8 = arith.constant 0 : i32
    %add3A_9 = arith.addi %add3A_8, %arg1 : i32
    %lt3A = arith.constant 78 : i32
    %lt3A_10 = arith.cmpi slt, %add3A_9, %lt3A : i32
    %convert_element_type3A = arith.extui %lt3A_10 : i1 to i32
    %cond3A = arith.constant 0 : i32
    %cond3A_11 = arith.cmpi ne, %convert_element_type3A, %cond3A : i32
    scf.if %cond3A_11 {
      %mul3A_532 = arith.constant 128 : i32
      %mul3A_533 = arith.muli %add3A_9, %mul3A_532 : i32
      "tpu.region"() ({
        %run_scoped3A = tpu.sem_alloc : memref<!tpu.dma_semaphore, #tpu.memory_space<semaphore_mem>>
        %dma_start3A_534 = arith.constant 0 : i32
        %dma_start3A_535 = tpu.memref_slice %arg6[%mul3A_533, %dma_start3A_534] : memref<10128x128xf32, #tpu.memory_space<vmem_shared>> -> memref<128x128xf32, #tpu.memory_space<vmem_shared>>
        %dma_start3A_536 = arith.constant 0 : i32
        %dma_start3A_537 = tpu.memref_slice %arg6[%mul3A_533, %dma_start3A_536] : memref<10128x128xf32, #tpu.memory_space<vmem_shared>> -> memref<128x128xf32, #tpu.memory_space<vmem_shared>>
        tpu.enqueue_dma source(%arg5 : memref<128x128xf32, #tpu.memory_space<vmem>>) target(%dma_start3A_537 : memref<128x128xf32, #tpu.memory_space<vmem_shared>>) target_semaphore(%run_scoped3A : memref<!tpu.dma_semaphore, #tpu.memory_space<semaphore_mem>>)
        %dma_wait3A_538 = arith.constant 0 : i32
        %dma_wait3A_539 = tpu.memref_slice %arg6[%mul3A_533, %dma_wait3A_538] : memref<10128x128xf32, #tpu.memory_space<vmem_shared>> -> memref<128x128xf32, #tpu.memory_space<vmem_shared>>
        %dma_wait3A_540 = arith.constant 0 : i32
        %dma_wait3A_541 = tpu.memref_slice %arg6[%mul3A_533, %dma_wait3A_540] : memref<10128x128xf32, #tpu.memory_space<vmem_shared>> -> memref<128x128xf32, #tpu.memory_space<vmem_shared>>
        tpu.wait_dma2 semaphore(%run_scoped3A : memref<!tpu.dma_semaphore, #tpu.memory_space<semaphore_mem>>) src(%arg5 : memref<128x128xf32, #tpu.memory_space<vmem>>) dst(%dma_wait3A_541 : memref<128x128xf32, #tpu.memory_space<vmem_shared>>)
        tpu.yield
      }) : () -> ()
    } else {
    }
    %add3A_12 = arith.constant 16 : i32
    %add3A_13 = arith.addi %add3A_12, %arg1 : i32
    %lt3A_14 = arith.constant 78 : i32
    %lt3A_15 = arith.cmpi slt, %add3A_13, %lt3A_14 : i32
    %convert_element_type3A_16 = arith.extui %lt3A_15 : i1 to i32
    %cond3A_17 = arith.constant 0 : i32
    %cond3A_18 = arith.cmpi ne, %convert_element_type3A_16, %cond3A_17 : i32
    scf.if %cond3A_18 {
      %mul3A_532 = arith.constant 128 : i32
      %mul3A_533 = arith.muli %add3A_13, %mul3A_532 : i32
      "tpu.region"() ({
        %run_scoped3A = tpu.sem_alloc : memref<!tpu.dma_semaphore, #tpu.memory_space<semaphore_mem>>
        %dma_start3A_534 = arith.constant 0 : i32
        %dma_start3A_535 = tpu.memref_slice %arg6[%mul3A_533, %dma_start3A_534] : memref<10128x128xf32, #tpu.memory_space<vmem_shared>> -> memref<128x128xf32, #tpu.memory_space<vmem_shared>>
        %dma_start3A_536 = arith.constant 0 : i32
        %dma_start3A_537 = tpu.memref_slice %arg6[%mul3A_533, %dma_start3A_536] : memref<10128x128xf32, #tpu.memory_space<vmem_shared>> -> memref<128x128xf32, #tpu.memory_space<vmem_shared>>
        tpu.enqueue_dma source(%arg5 : memref<128x128xf32, #tpu.memory_space<vmem>>) target(%dma_start3A_537 : memref<128x128xf32, #tpu.memory_space<vmem_shared>>) target_semaphore(%run_scoped3A : memref<!tpu.dma_semaphore, #tpu.memory_space<semaphore_mem>>)
        %dma_wait3A_538 = arith.constant 0 : i32
        %dma_wait3A_539 = tpu.memref_slice %arg6[%mul3A_533, %dma_wait3A_538] : memref<10128x128xf32, #tpu.memory_space<vmem_shared>> -> memref<128x128xf32, #tpu.memory_space<vmem_shared>>
        %dma_wait3A_540 = arith.constant 0 : i32
        %dma_wait3A_541 = tpu.memref_slice %arg6[%mul3A_533, %dma_wait3A_540] : memref<10128x128xf32, #tpu.memory_space<vmem_shared>> -> memref<128x128xf32, #tpu.memory_space<vmem_shared>>
        tpu.wait_dma2 semaphore(%run_scoped3A : memref<!tpu.dma_semaphore, #tpu.memory_space<semaphore_mem>>) src(%arg5 : memref<128x128xf32, #tpu.memory_space<vmem>>) dst(%dma_wait3A_541 : memref<128x128xf32, #tpu.memory_space<vmem_shared>>)
        tpu.yield
      }) : () -> ()
    } else {
    }
    %add3A_19 = arith.constant 32 : i32
    %add3A_20 = arith.addi %add3A_19, %arg1 : i32
    %lt3A_21 = arith.constant 78 : i32
    %lt3A_22 = arith.cmpi slt, %add3A_20, %lt3A_21 : i32
    %convert_element_type3A_23 = arith.extui %lt3A_22 : i1 to i32
    %cond3A_24 = arith.constant 0 : i32
    %cond3A_25 = arith.cmpi ne, %convert_element_type3A_23, %cond3A_24 : i32
    scf.if %cond3A_25 {
      %mul3A_532 = arith.constant 128 : i32
      %mul3A_533 = arith.muli %add3A_20, %mul3A_532 : i32
      "tpu.region"() ({
        %run_scoped3A = tpu.sem_alloc : memref<!tpu.dma_semaphore, #tpu.memory_space<semaphore_mem>>
        %dma_start3A_534 = arith.constant 0 : i32
        %dma_start3A_535 = tpu.memref_slice %arg6[%mul3A_533, %dma_start3A_534] : memref<10128x128xf32, #tpu.memory_space<vmem_shared>> -> memref<128x128xf32, #tpu.memory_space<vmem_shared>>
        %dma_start3A_536 = arith.constant 0 : i32
        %dma_start3A_537 = tpu.memref_slice %arg6[%mul3A_533, %dma_start3A_536] : memref<10128x128xf32, #tpu.memory_space<vmem_shared>> -> memref<128x128xf32, #tpu.memory_space<vmem_shared>>
        tpu.enqueue_dma source(%arg5 : memref<128x128xf32, #tpu.memory_space<vmem>>) target(%dma_start3A_537 : memref<128x128xf32, #tpu.memory_space<vmem_shared>>) target_semaphore(%run_scoped3A : memref<!tpu.dma_semaphore, #tpu.memory_space<semaphore_mem>>)
        %dma_wait3A_538 = arith.constant 0 : i32
        %dma_wait3A_539 = tpu.memref_slice %arg6[%mul3A_533, %dma_wait3A_538] : memref<10128x128xf32, #tpu.memory_space<vmem_shared>> -> memref<128x128xf32, #tpu.memory_space<vmem_shared>>
        %dma_wait3A_540 = arith.constant 0 : i32
        %dma_wait3A_541 = tpu.memref_slice %arg6[%mul3A_533, %dma_wait3A_540] : memref<10128x128xf32, #tpu.memory_space<vmem_shared>> -> memref<128x128xf32, #tpu.memory_space<vmem_shared>>
        tpu.wait_dma2 semaphore(%run_scoped3A : memref<!tpu.dma_semaphore, #tpu.memory_space<semaphore_mem>>) src(%arg5 : memref<128x128xf32, #tpu.memory_space<vmem>>) dst(%dma_wait3A_541 : memref<128x128xf32, #tpu.memory_space<vmem_shared>>)
        tpu.yield
      }) : () -> ()
    } else {
    }
    %add3A_26 = arith.constant 48 : i32
    %add3A_27 = arith.addi %add3A_26, %arg1 : i32
    %lt3A_28 = arith.constant 78 : i32
    %lt3A_29 = arith.cmpi slt, %add3A_27, %lt3A_28 : i32
    %convert_element_type3A_30 = arith.extui %lt3A_29 : i1 to i32
    %cond3A_31 = arith.constant 0 : i32
    %cond3A_32 = arith.cmpi ne, %convert_element_type3A_30, %cond3A_31 : i32
    scf.if %cond3A_32 {
      %mul3A_532 = arith.constant 128 : i32
      %mul3A_533 = arith.muli %add3A_27, %mul3A_532 : i32
      "tpu.region"() ({
        %run_scoped3A = tpu.sem_alloc : memref<!tpu.dma_semaphore, #tpu.memory_space<semaphore_mem>>
        %dma_start3A_534 = arith.constant 0 : i32
        %dma_start3A_535 = tpu.memref_slice %arg6[%mul3A_533, %dma_start3A_534] : memref<10128x128xf32, #tpu.memory_space<vmem_shared>> -> memref<128x128xf32, #tpu.memory_space<vmem_shared>>
        %dma_start3A_536 = arith.constant 0 : i32
        %dma_start3A_537 = tpu.memref_slice %arg6[%mul3A_533, %dma_start3A_536] : memref<10128x128xf32, #tpu.memory_space<vmem_shared>> -> memref<128x128xf32, #tpu.memory_space<vmem_shared>>
        tpu.enqueue_dma source(%arg5 : memref<128x128xf32, #tpu.memory_space<vmem>>) target(%dma_start3A_537 : memref<128x128xf32, #tpu.memory_space<vmem_shared>>) target_semaphore(%run_scoped3A : memref<!tpu.dma_semaphore, #tpu.memory_space<semaphore_mem>>)
        %dma_wait3A_538 = arith.constant 0 : i32
        %dma_wait3A_539 = tpu.memref_slice %arg6[%mul3A_533, %dma_wait3A_538] : memref<10128x128xf32, #tpu.memory_space<vmem_shared>> -> memref<128x128xf32, #tpu.memory_space<vmem_shared>>
        %dma_wait3A_540 = arith.constant 0 : i32
        %dma_wait3A_541 = tpu.memref_slice %arg6[%mul3A_533, %dma_wait3A_540] : memref<10128x128xf32, #tpu.memory_space<vmem_shared>> -> memref<128x128xf32, #tpu.memory_space<vmem_shared>>
        tpu.wait_dma2 semaphore(%run_scoped3A : memref<!tpu.dma_semaphore, #tpu.memory_space<semaphore_mem>>) src(%arg5 : memref<128x128xf32, #tpu.memory_space<vmem>>) dst(%dma_wait3A_541 : memref<128x128xf32, #tpu.memory_space<vmem_shared>>)
        tpu.yield
      }) : () -> ()
    } else {
    }
    %add3A_33 = arith.constant 64 : i32
    %add3A_34 = arith.addi %add3A_33, %arg1 : i32
    %lt3A_35 = arith.constant 78 : i32
    %lt3A_36 = arith.cmpi slt, %add3A_34, %lt3A_35 : i32
    %convert_element_type3A_37 = arith.extui %lt3A_36 : i1 to i32
    %cond3A_38 = arith.constant 0 : i32
    %cond3A_39 = arith.cmpi ne, %convert_element_type3A_37, %cond3A_38 : i32
    scf.if %cond3A_39 {
      %mul3A_532 = arith.constant 128 : i32
      %mul3A_533 = arith.muli %add3A_34, %mul3A_532 : i32
      "tpu.region"() ({
        %run_scoped3A = tpu.sem_alloc : memref<!tpu.dma_semaphore, #tpu.memory_space<semaphore_mem>>
        %dma_start3A_534 = arith.constant 0 : i32
        %dma_start3A_535 = tpu.memref_slice %arg6[%mul3A_533, %dma_start3A_534] : memref<10128x128xf32, #tpu.memory_space<vmem_shared>> -> memref<128x128xf32, #tpu.memory_space<vmem_shared>>
        %dma_start3A_536 = arith.constant 0 : i32
        %dma_start3A_537 = tpu.memref_slice %arg6[%mul3A_533, %dma_start3A_536] : memref<10128x128xf32, #tpu.memory_space<vmem_shared>> -> memref<128x128xf32, #tpu.memory_space<vmem_shared>>
        tpu.enqueue_dma source(%arg5 : memref<128x128xf32, #tpu.memory_space<vmem>>) target(%dma_start3A_537 : memref<128x128xf32, #tpu.memory_space<vmem_shared>>) target_semaphore(%run_scoped3A : memref<!tpu.dma_semaphore, #tpu.memory_space<semaphore_mem>>)
        %dma_wait3A_538 = arith.constant 0 : i32
        %dma_wait3A_539 = tpu.memref_slice %arg6[%mul3A_533, %dma_wait3A_538] : memref<10128x128xf32, #tpu.memory_space<vmem_shared>> -> memref<128x128xf32, #tpu.memory_space<vmem_shared>>
        %dma_wait3A_540 = arith.constant 0 : i32
        %dma_wait3A_541 = tpu.memref_slice %arg6[%mul3A_533, %dma_wait3A_540] : memref<10128x128xf32, #tpu.memory_space<vmem_shared>> -> memref<128x128xf32, #tpu.memory_space<vmem_shared>>
        tpu.wait_dma2 semaphore(%run_scoped3A : memref<!tpu.dma_semaphore, #tpu.memory_space<semaphore_mem>>) src(%arg5 : memref<128x128xf32, #tpu.memory_space<vmem>>) dst(%dma_wait3A_541 : memref<128x128xf32, #tpu.memory_space<vmem_shared>>)
        tpu.yield
      }) : () -> ()
    } else {
    }
    %eq3A = arith.constant 15 : i32
    %eq3A_40 = arith.cmpi eq, %arg1, %eq3A : i32
    %convert_element_type3A_41 = arith.extui %eq3A_40 : i1 to i32
    %cond3A_42 = arith.constant 0 : i32
    %cond3A_43 = arith.cmpi ne, %convert_element_type3A_41, %cond3A_42 : i32
    scf.if %cond3A_43 {
      "tpu.region"() ({
        %run_scoped3A = tpu.sem_alloc : memref<!tpu.dma_semaphore, #tpu.memory_space<semaphore_mem>>
        %dma_start3A_532 = arith.constant 0 : i32
        %dma_start3A_533 = arith.constant 0 : i32
        %dma_start3A_534 = tpu.memref_slice %arg5[%dma_start3A_532, %dma_start3A_533] : memref<128x128xf32, #tpu.memory_space<vmem>> -> memref<16x128xf32, #tpu.memory_space<vmem>>
        %dma_start3A_535 = arith.constant 9984 : i32
        %dma_start3A_536 = arith.constant 0 : i32
        %dma_start3A_537 = tpu.memref_slice %arg6[%dma_start3A_535, %dma_start3A_536] : memref<10128x128xf32, #tpu.memory_space<vmem_shared>> -> memref<16x128xf32, #tpu.memory_space<vmem_shared>>
        %dma_start3A_538 = arith.constant 9984 : i32
        %dma_start3A_539 = arith.constant 0 : i32
        %dma_start3A_540 = tpu.memref_slice %arg6[%dma_start3A_538, %dma_start3A_539] : memref<10128x128xf32, #tpu.memory_space<vmem_shared>> -> memref<16x128xf32, #tpu.memory_space<vmem_shared>>
        %dma_start3A_541 = arith.constant 0 : i32
        %dma_start3A_542 = arith.constant 0 : i32
        %dma_start3A_543 = tpu.memref_slice %arg5[%dma_start3A_541, %dma_start3A_542] : memref<128x128xf32, #tpu.memory_space<vmem>> -> memref<16x128xf32, #tpu.memory_space<vmem>>
        tpu.enqueue_dma source(%dma_start3A_543 : memref<16x128xf32, #tpu.memory_space<vmem>>) target(%dma_start3A_540 : memref<16x128xf32, #tpu.memory_space<vmem_shared>>) target_semaphore(%run_scoped3A : memref<!tpu.dma_semaphore, #tpu.memory_space<semaphore_mem>>)
        %dma_wait3A_544 = arith.constant 0 : i32
        %dma_wait3A_545 = arith.constant 0 : i32
        %dma_wait3A_546 = tpu.memref_slice %arg5[%dma_wait3A_544, %dma_wait3A_545] : memref<128x128xf32, #tpu.memory_space<vmem>> -> memref<16x128xf32, #tpu.memory_space<vmem>>
        %dma_wait3A_547 = arith.constant 9984 : i32
        %dma_wait3A_548 = arith.constant 0 : i32
        %dma_wait3A_549 = tpu.memref_slice %arg6[%dma_wait3A_547, %dma_wait3A_548] : memref<10128x128xf32, #tpu.memory_space<vmem_shared>> -> memref<16x128xf32, #tpu.memory_space<vmem_shared>>
        %dma_wait3A_550 = arith.constant 9984 : i32
        %dma_wait3A_551 = arith.constant 0 : i32
        %dma_wait3A_552 = tpu.memref_slice %arg6[%dma_wait3A_550, %dma_wait3A_551] : memref<10128x128xf32, #tpu.memory_space<vmem_shared>> -> memref<16x128xf32, #tpu.memory_space<vmem_shared>>
        %dma_wait3A_553 = arith.constant 0 : i32
        %dma_wait3A_554 = arith.constant 0 : i32
        %dma_wait3A_555 = tpu.memref_slice %arg5[%dma_wait3A_553, %dma_wait3A_554] : memref<128x128xf32, #tpu.memory_space<vmem>> -> memref<16x128xf32, #tpu.memory_space<vmem>>
        tpu.wait_dma2 semaphore(%run_scoped3A : memref<!tpu.dma_semaphore, #tpu.memory_space<semaphore_mem>>) src(%dma_wait3A_555 : memref<16x128xf32, #tpu.memory_space<vmem>>) dst(%dma_wait3A_552 : memref<16x128xf32, #tpu.memory_space<vmem_shared>>)
        tpu.yield
      }) : () -> ()
    } else {
    }
    %scan3A_44 = arith.constant 0 : i32
    %scan3A_45 = arith.constant 0 : i32
    %scan3A_46 = arith.constant 128 : i32
    %scan3A_47 = arith.addi %scan3A_45, %scan3A_46 : i32
    %scan3A_48 = arith.constant 1 : i32
    %scan3A_49 = scf.for %scan3A_532 = %scan3A_45 to %scan3A_47 step %scan3A_48 iter_args(%scan3A_533 = %scan3A_44) -> (i32)  : i32 {
      %add3A_534 = arith.constant 1.000000e+00 : f32
      %add3A_535 = vector.broadcast %add3A_534 : f32 to vector<16xf32>
      %add3A_536 = arith.addf %broadcast_in_dim3A_1, %add3A_535 : vector<16xf32>
      %swap3A = arith.index_cast %scan3A_532 : i32 to index
      %swap3A_537 = arith.constant 0 : index
      %swap3A_538 = tpu.vector_load %arg5[%swap3A, %swap3A_537] {strides = array<i32>} : memref<128x128xf32, #tpu.memory_space<vmem>>, vector<1x16xf32>,
      %swap3A_539 = vector.shape_cast %swap3A_538 : vector<1x16xf32> to vector<16xf32>
      %swap3A_540 = vector.shape_cast %add3A_536 : vector<16xf32> to vector<1x16xf32>
      tpu.vector_store %arg5[%swap3A, %swap3A_537], %swap3A_540 {strides = array<i32>} : memref<128x128xf32, #tpu.memory_space<vmem>>, vector<1x16xf32>,
      %add3A_541 = arith.constant 1.000000e+00 : f32
      %add3A_542 = vector.broadcast %add3A_541 : f32 to vector<16xf32>
      %add3A_543 = arith.addf %broadcast_in_dim3A_1, %add3A_542 : vector<16xf32>
      %swap3A_544 = arith.index_cast %scan3A_532 : i32 to index
      %swap3A_545 = arith.constant 16 : index
      %swap3A_546 = tpu.vector_load %arg5[%swap3A_544, %swap3A_545] {strides = array<i32>} : memref<128x128xf32, #tpu.memory_space<vmem>>, vector<1x16xf32>,
      %swap3A_547 = vector.shape_cast %swap3A_546 : vector<1x16xf32> to vector<16xf32>
      %swap3A_548 = vector.shape_cast %add3A_543 : vector<16xf32> to vector<1x16xf32>
      tpu.vector_store %arg5[%swap3A_544, %swap3A_545], %swap3A_548 {strides = array<i32>} : memref<128x128xf32, #tpu.memory_space<vmem>>, vector<1x16xf32>,
      %add3A_549 = arith.constant 1.000000e+00 : f32
      %add3A_550 = vector.broadcast %add3A_549 : f32 to vector<16xf32>
      %add3A_551 = arith.addf %broadcast_in_dim3A_1, %add3A_550 : vector<16xf32>
      %swap3A_552 = arith.index_cast %scan3A_532 : i32 to index
      %swap3A_553 = arith.constant 32 : index
      %swap3A_554 = tpu.vector_load %arg5[%swap3A_552, %swap3A_553] {strides = array<i32>} : memref<128x128xf32, #tpu.memory_space<vmem>>, vector<1x16xf32>,
      %swap3A_555 = vector.shape_cast %swap3A_554 : vector<1x16xf32> to vector<16xf32>
      %swap3A_556 = vector.shape_cast %add3A_551 : vector<16xf32> to vector<1x16xf32>
      tpu.vector_store %arg5[%swap3A_552, %swap3A_553], %swap3A_556 {strides = array<i32>} : memref<128x128xf32, #tpu.memory_space<vmem>>, vector<1x16xf32>,
      %add3A_557 = arith.constant 1.000000e+00 : f32
      %add3A_558 = vector.broadcast %add3A_557 : f32 to vector<16xf32>
      %add3A_559 = arith.addf %broadcast_in_dim3A_1, %add3A_558 : vector<16xf32>
      %swap3A_560 = arith.index_cast %scan3A_532 : i32 to index
      %swap3A_561 = arith.constant 48 : index
      %swap3A_562 = tpu.vector_load %arg5[%swap3A_560, %swap3A_561] {strides = array<i32>} : memref<128x128xf32, #tpu.memory_space<vmem>>, vector<1x16xf32>,
      %swap3A_563 = vector.shape_cast %swap3A_562 : vector<1x16xf32> to vector<16xf32>
      %swap3A_564 = vector.shape_cast %add3A_559 : vector<16xf32> to vector<1x16xf32>
      tpu.vector_store %arg5[%swap3A_560, %swap3A_561], %swap3A_564 {strides = array<i32>} : memref<128x128xf32, #tpu.memory_space<vmem>>, vector<1x16xf32>,
      %add3A_565 = arith.constant 1.000000e+00 : f32
      %add3A_566 = vector.broadcast %add3A_565 : f32 to vector<16xf32>
      %add3A_567 = arith.addf %broadcast_in_dim3A_1, %add3A_566 : vector<16xf32>
      %swap3A_568 = arith.index_cast %scan3A_532 : i32 to index
      %swap3A_569 = arith.constant 64 : index
      %swap3A_570 = tpu.vector_load %arg5[%swap3A_568, %swap3A_569] {strides = array<i32>} : memref<128x128xf32, #tpu.memory_space<vmem>>, vector<1x16xf32>,
      %swap3A_571 = vector.shape_cast %swap3A_570 : vector<1x16xf32> to vector<16xf32>
      %swap3A_572 = vector.shape_cast %add3A_567 : vector<16xf32> to vector<1x16xf32>
      tpu.vector_store %arg5[%swap3A_568, %swap3A_569], %swap3A_572 {strides = array<i32>} : memref<128x128xf32, #tpu.memory_space<vmem>>, vector<1x16xf32>,
      %add3A_573 = arith.constant 1.000000e+00 : f32
      %add3A_574 = vector.broadcast %add3A_573 : f32 to vector<16xf32>
      %add3A_575 = arith.addf %broadcast_in_dim3A_1, %add3A_574 : vector<16xf32>
      %swap3A_576 = arith.index_cast %scan3A_532 : i32 to index
      %swap3A_577 = arith.constant 80 : index
      %swap3A_578 = tpu.vector_load %arg5[%swap3A_576, %swap3A_577] {strides = array<i32>} : memref<128x128xf32, #tpu.memory_space<vmem>>, vector<1x16xf32>,
      %swap3A_579 = vector.shape_cast %swap3A_578 : vector<1x16xf32> to vector<16xf32>
      %swap3A_580 = vector.shape_cast %add3A_575 : vector<16xf32> to vector<1x16xf32>
      tpu.vector_store %arg5[%swap3A_576, %swap3A_577], %swap3A_580 {strides = array<i32>} : memref<128x128xf32, #tpu.memory_space<vmem>>, vector<1x16xf32>,
      %add3A_581 = arith.constant 1.000000e+00 : f32
      %add3A_582 = vector.broadcast %add3A_581 : f32 to vector<16xf32>
      %add3A_583 = arith.addf %broadcast_in_dim3A_1, %add3A_582 : vector<16xf32>
      %swap3A_584 = arith.index_cast %scan3A_532 : i32 to index
      %swap3A_585 = arith.constant 96 : index
      %swap3A_586 = tpu.vector_load %arg5[%swap3A_584, %swap3A_585] {strides = array<i32>} : memref<128x128xf32, #tpu.memory_space<vmem>>, vector<1x16xf32>,
      %swap3A_587 = vector.shape_cast %swap3A_586 : vector<1x16xf32> to vector<16xf32>
      %swap3A_588 = vector.shape_cast %add3A_583 : vector<16xf32> to vector<1x16xf32>
      tpu.vector_store %arg5[%swap3A_584, %swap3A_585], %swap3A_588 {strides = array<i32>} : memref<128x128xf32, #tpu.memory_space<vmem>>, vector<1x16xf32>,
      %add3A_589 = arith.constant 1.000000e+00 : f32
      %add3A_590 = vector.broadcast %add3A_589 : f32 to vector<16xf32>
      %add3A_591 = arith.addf %broadcast_in_dim3A_1, %add3A_590 : vector<16xf32>
      %swap3A_592 = arith.index_cast %scan3A_532 : i32 to index
      %swap3A_593 = arith.constant 112 : index
      %swap3A_594 = tpu.vector_load %arg5[%swap3A_592, %swap3A_593] {strides = array<i32>} : memref<128x128xf32, #tpu.memory_space<vmem>>, vector<1x16xf32>,
      %swap3A_595 = vector.shape_cast %swap3A_594 : vector<1x16xf32> to vector<16xf32>
      %swap3A_596 = vector.shape_cast %add3A_591 : vector<16xf32> to vector<1x16xf32>
      tpu.vector_store %arg5[%swap3A_592, %swap3A_593], %swap3A_596 {strides = array<i32>} : memref<128x128xf32, #tpu.memory_space<vmem>>, vector<1x16xf32>,
      %scan3A_597 = arith.constant 0 : i32
      scf.yield %scan3A_597 : i32
    }
    %scan3A_50 = arith.constant 128 : i32
    %barrier3A = arith.constant 0 : index
    tpu.barrier barrier_id(%barrier3A)
    %dma_start3A = arith.constant 0 : i32
    %dma_start3A_51 = arith.constant 0 : i32
    %dma_start3A_52 = arith.constant 0 : i32
    %dma_start3A_53 = tpu.memref_slice %arg4[%dma_start3A, %dma_start3A_51, %dma_start3A_52] : memref<3x8x128xi32, #tpu.memory_space<vmem>> -> memref<1x8x128xi32, #tpu.memory_space<vmem>>
    %dma_start3A_54 = tpu.memref_squeeze %dma_start3A_53 : memref<1x8x128xi32, #tpu.memory_space<vmem>> -> memref<8x128xi32, #tpu.memory_space<vmem>>
    %dma_start3A_55 = arith.constant 0 : i32
    %dma_start3A_56 = arith.constant 0 : i32
    %dma_start3A_57 = tpu.memref_slice %arg2[%add3A, %dma_start3A_55, %dma_start3A_56] : memref<32x80x128xi32, #tpu.memory_space<hbm>> -> memref<1x8x128xi32, #tpu.memory_space<hbm>>
    %dma_start3A_58 = tpu.memref_squeeze %dma_start3A_57 : memref<1x8x128xi32, #tpu.memory_space<hbm>> -> memref<8x128xi32, #tpu.memory_space<hbm>>
    %dma_start3A_59 = arith.constant 0 : i32
    %dma_start3A_60 = arith.constant 0 : i32
    %dma_start3A_61 = tpu.memref_slice %arg4[%dma_start3A, %dma_start3A_59, %dma_start3A_60] : memref<3x8x128xi32, #tpu.memory_space<vmem>> -> memref<1x8x128xi32, #tpu.memory_space<vmem>>
    %dma_start3A_62 = tpu.memref_squeeze %dma_start3A_61 : memref<1x8x128xi32, #tpu.memory_space<vmem>> -> memref<8x128xi32, #tpu.memory_space<vmem>>
    %dma_start3A_63 = arith.constant 0 : i32
    %dma_start3A_64 = arith.constant 0 : i32
    %dma_start3A_65 = tpu.memref_slice %arg2[%add3A, %dma_start3A_63, %dma_start3A_64] : memref<32x80x128xi32, #tpu.memory_space<hbm>> -> memref<1x8x128xi32, #tpu.memory_space<hbm>>
    %dma_start3A_66 = tpu.memref_squeeze %dma_start3A_65 : memref<1x8x128xi32, #tpu.memory_space<hbm>> -> memref<8x128xi32, #tpu.memory_space<hbm>>
    tpu.enqueue_dma source(%dma_start3A_66 : memref<8x128xi32, #tpu.memory_space<hbm>>) target(%dma_start3A_62 : memref<8x128xi32, #tpu.memory_space<vmem>>) target_semaphore(%arg7 : memref<!tpu.dma_semaphore, #tpu.memory_space<semaphore_mem>>)
    %dma_wait3A = arith.constant 0 : i32
    %dma_wait3A_67 = arith.constant 0 : i32
    %dma_wait3A_68 = arith.constant 0 : i32
    %dma_wait3A_69 = tpu.memref_slice %arg4[%dma_wait3A, %dma_wait3A_67, %dma_wait3A_68] : memref<3x8x128xi32, #tpu.memory_space<vmem>> -> memref<1x8x128xi32, #tpu.memory_space<vmem>>
    %dma_wait3A_70 = tpu.memref_squeeze %dma_wait3A_69 : memref<1x8x128xi32, #tpu.memory_space<vmem>> -> memref<8x128xi32, #tpu.memory_space<vmem>>
    %dma_wait3A_71 = arith.constant 0 : i32
    %dma_wait3A_72 = arith.constant 0 : i32
    %dma_wait3A_73 = tpu.memref_slice %arg2[%add3A, %dma_wait3A_71, %dma_wait3A_72] : memref<32x80x128xi32, #tpu.memory_space<hbm>> -> memref<1x8x128xi32, #tpu.memory_space<hbm>>
    %dma_wait3A_74 = tpu.memref_squeeze %dma_wait3A_73 : memref<1x8x128xi32, #tpu.memory_space<hbm>> -> memref<8x128xi32, #tpu.memory_space<hbm>>
    %dma_wait3A_75 = arith.constant 0 : i32
    %dma_wait3A_76 = arith.constant 0 : i32
    %dma_wait3A_77 = tpu.memref_slice %arg4[%dma_wait3A, %dma_wait3A_75, %dma_wait3A_76] : memref<3x8x128xi32, #tpu.memory_space<vmem>> -> memref<1x8x128xi32, #tpu.memory_space<vmem>>
    %dma_wait3A_78 = tpu.memref_squeeze %dma_wait3A_77 : memref<1x8x128xi32, #tpu.memory_space<vmem>> -> memref<8x128xi32, #tpu.memory_space<vmem>>
    %dma_wait3A_79 = arith.constant 0 : i32
    %dma_wait3A_80 = arith.constant 0 : i32
    %dma_wait3A_81 = tpu.memref_slice %arg2[%add3A, %dma_wait3A_79, %dma_wait3A_80] : memref<32x80x128xi32, #tpu.memory_space<hbm>> -> memref<1x8x128xi32, #tpu.memory_space<hbm>>
    %dma_wait3A_82 = tpu.memref_squeeze %dma_wait3A_81 : memref<1x8x128xi32, #tpu.memory_space<hbm>> -> memref<8x128xi32, #tpu.memory_space<hbm>>
    tpu.wait_dma2 semaphore(%arg7 : memref<!tpu.dma_semaphore, #tpu.memory_space<semaphore_mem>>) src(%dma_wait3A_82 : memref<8x128xi32, #tpu.memory_space<hbm>>) dst(%dma_wait3A_78 : memref<8x128xi32, #tpu.memory_space<vmem>>)
    %dma_start3A_83 = arith.constant 1 : i32
    %dma_start3A_84 = arith.constant 0 : i32
    %dma_start3A_85 = arith.constant 0 : i32
    %dma_start3A_86 = tpu.memref_slice %arg4[%dma_start3A_83, %dma_start3A_84, %dma_start3A_85] : memref<3x8x128xi32, #tpu.memory_space<vmem>> -> memref<1x8x128xi32, #tpu.memory_space<vmem>>
    %dma_start3A_87 = tpu.memref_squeeze %dma_start3A_86 : memref<1x8x128xi32, #tpu.memory_space<vmem>> -> memref<8x128xi32, #tpu.memory_space<vmem>>
    %dma_start3A_88 = arith.constant 8 : i32
    %dma_start3A_89 = arith.constant 0 : i32
    %dma_start3A_90 = tpu.memref_slice %arg2[%add3A, %dma_start3A_88, %dma_start3A_89] : memref<32x80x128xi32, #tpu.memory_space<hbm>> -> memref<1x8x128xi32, #tpu.memory_space<hbm>>
    %dma_start3A_91 = tpu.memref_squeeze %dma_start3A_90 : memref<1x8x128xi32, #tpu.memory_space<hbm>> -> memref<8x128xi32, #tpu.memory_space<hbm>>
    %dma_start3A_92 = arith.constant 0 : i32
    %dma_start3A_93 = arith.constant 0 : i32
    %dma_start3A_94 = tpu.memref_slice %arg4[%dma_start3A_83, %dma_start3A_92, %dma_start3A_93] : memref<3x8x128xi32, #tpu.memory_space<vmem>> -> memref<1x8x128xi32, #tpu.memory_space<vmem>>
    %dma_start3A_95 = tpu.memref_squeeze %dma_start3A_94 : memref<1x8x128xi32, #tpu.memory_space<vmem>> -> memref<8x128xi32, #tpu.memory_space<vmem>>
    %dma_start3A_96 = arith.constant 8 : i32
    %dma_start3A_97 = arith.constant 0 : i32
    %dma_start3A_98 = tpu.memref_slice %arg2[%add3A, %dma_start3A_96, %dma_start3A_97] : memref<32x80x128xi32, #tpu.memory_space<hbm>> -> memref<1x8x128xi32, #tpu.memory_space<hbm>>
    %dma_start3A_99 = tpu.memref_squeeze %dma_start3A_98 : memref<1x8x128xi32, #tpu.memory_space<hbm>> -> memref<8x128xi32, #tpu.memory_space<hbm>>
    tpu.enqueue_dma source(%dma_start3A_99 : memref<8x128xi32, #tpu.memory_space<hbm>>) target(%dma_start3A_95 : memref<8x128xi32, #tpu.memory_space<vmem>>) target_semaphore(%arg8 : memref<!tpu.dma_semaphore, #tpu.memory_space<semaphore_mem>>)
    %scan3A_100 = arith.constant 0 : i32
    %scan3A_101 = arith.constant 0 : i32
    %scan3A_102 = arith.constant 2 : i32
    %scan3A_103 = arith.addi %scan3A_101, %scan3A_102 : i32
    %scan3A_104 = arith.constant 1 : i32
    %scan3A_105 = scf.for %scan3A_532 = %scan3A_101 to %scan3A_103 step %scan3A_104 iter_args(%scan3A_533 = %scan3A_100) -> (i32)  : i32 {
      %mul3A_534 = arith.constant 4 : i32
      %mul3A_535 = arith.muli %mul3A_534, %scan3A_532 : i32
      %add3A_536 = arith.constant 0 : i32
      %add3A_537 = arith.addi %add3A_536, %mul3A_535 : i32
      %add3A_538 = arith.constant 0 : i32
      %add3A_539 = arith.addi %add3A_537, %add3A_538 : i32
      %ge3A = arith.constant 4 : i32
      %ge3A_540 = arith.cmpi sge, %add3A_539, %ge3A : i32
      %convert_element_type3A_541 = arith.extui %ge3A_540 : i1 to i32
      %cond3A_542 = arith.constant 0 : i32
      %cond3A_543 = arith.cmpi ne, %convert_element_type3A_541, %cond3A_542 : i32
      scf.if %cond3A_543 {
        %sub3A = arith.constant 4 : i32
        %sub3A_612 = arith.subi %add3A_539, %sub3A : i32
        %rem3A_613 = arith.constant 8 : i32
        %rem3A_614 = arith.remsi %sub3A_612, %rem3A_613 : i32
        %div3A_615 = arith.constant 8 : i32
        %div3A_616 = arith.divsi %sub3A_612, %div3A_615 : i32
        %rem3A_617 = arith.constant 3 : i32
        %rem3A_618 = arith.remsi %div3A_616, %rem3A_617 : i32
        %dma_wait3A_619 = arith.constant 0 : i32
        %dma_wait3A_620 = tpu.memref_slice %arg4[%rem3A_618, %rem3A_614, %dma_wait3A_619] : memref<3x8x128xi32, #tpu.memory_space<vmem>> -> memref<1x1x128xi32, #tpu.memory_space<vmem>>
        %dma_wait3A_621 = tpu.memref_squeeze %dma_wait3A_620 : memref<1x1x128xi32, #tpu.memory_space<vmem>> -> memref<128xi32, #tpu.memory_space<vmem>>
        %dma_wait3A_622 = arith.constant 0 : i32
        %dma_wait3A_623 = arith.constant 0 : i32
        %dma_wait3A_624 = tpu.memref_slice %arg6[%dma_wait3A_622, %dma_wait3A_623] : memref<10128x128xf32, #tpu.memory_space<vmem_shared>> -> memref<10128x128xf32, #tpu.memory_space<vmem_shared>>
        tpu.wait_indirect_dma semaphore(%arg10 : memref<!tpu.dma_semaphore, #tpu.memory_space<semaphore_mem>>) src(%arg5 : memref<128x128xf32, #tpu.memory_space<vmem>>) dst(%dma_wait3A_624 : memref<10128x128xf32, #tpu.memory_space<vmem_shared>>)
      } else {
      }
      %rem3A = arith.constant 8 : i32
      %rem3A_544 = arith.remsi %add3A_539, %rem3A : i32
      %div3A = arith.constant 8 : i32
      %div3A_545 = arith.divsi %add3A_539, %div3A : i32
      %rem3A_546 = arith.constant 3 : i32
      %rem3A_547 = arith.remsi %div3A_545, %rem3A_546 : i32
      %dma_start3A_548 = arith.constant 0 : i32
      %dma_start3A_549 = tpu.memref_slice %arg4[%rem3A_547, %rem3A_544, %dma_start3A_548] : memref<3x8x128xi32, #tpu.memory_space<vmem>> -> memref<1x1x128xi32, #tpu.memory_space<vmem>>
      %dma_start3A_550 = tpu.memref_squeeze %dma_start3A_549 : memref<1x1x128xi32, #tpu.memory_space<vmem>> -> memref<128xi32, #tpu.memory_space<vmem>>
      %dma_start3A_551 = arith.constant 0 : i32
      %dma_start3A_552 = arith.constant 0 : i32
      %dma_start3A_553 = tpu.memref_slice %arg6[%dma_start3A_551, %dma_start3A_552] : memref<10128x128xf32, #tpu.memory_space<vmem_shared>> -> memref<10128x128xf32, #tpu.memory_space<vmem_shared>>
      tpu.enqueue_indirect_dma source(%arg5 : memref<128x128xf32, #tpu.memory_space<vmem>>) target(%dma_start3A_553 : memref<10128x128xf32, #tpu.memory_space<vmem_shared>>) offsets(%dma_start3A_550 : memref<128xi32, #tpu.memory_space<vmem>>) semaphore(%arg10 : memref<!tpu.dma_semaphore, #tpu.memory_space<semaphore_mem>>) {add = true}
      %add3A_554 = arith.constant 1 : i32
      %add3A_555 = arith.addi %add3A_537, %add3A_554 : i32
      %ge3A_556 = arith.constant 4 : i32
      %ge3A_557 = arith.cmpi sge, %add3A_555, %ge3A_556 : i32
      %convert_element_type3A_558 = arith.extui %ge3A_557 : i1 to i32
      %cond3A_559 = arith.constant 0 : i32
      %cond3A_560 = arith.cmpi ne, %convert_element_type3A_558, %cond3A_559 : i32
      scf.if %cond3A_560 {
        %sub3A = arith.constant 4 : i32
        %sub3A_612 = arith.subi %add3A_555, %sub3A : i32
        %rem3A_613 = arith.constant 8 : i32
        %rem3A_614 = arith.remsi %sub3A_612, %rem3A_613 : i32
        %div3A_615 = arith.constant 8 : i32
        %div3A_616 = arith.divsi %sub3A_612, %div3A_615 : i32
        %rem3A_617 = arith.constant 3 : i32
        %rem3A_618 = arith.remsi %div3A_616, %rem3A_617 : i32
        %dma_wait3A_619 = arith.constant 0 : i32
        %dma_wait3A_620 = tpu.memref_slice %arg4[%rem3A_618, %rem3A_614, %dma_wait3A_619] : memref<3x8x128xi32, #tpu.memory_space<vmem>> -> memref<1x1x128xi32, #tpu.memory_space<vmem>>
        %dma_wait3A_621 = tpu.memref_squeeze %dma_wait3A_620 : memref<1x1x128xi32, #tpu.memory_space<vmem>> -> memref<128xi32, #tpu.memory_space<vmem>>
        %dma_wait3A_622 = arith.constant 0 : i32
        %dma_wait3A_623 = arith.constant 0 : i32
        %dma_wait3A_624 = tpu.memref_slice %arg6[%dma_wait3A_622, %dma_wait3A_623] : memref<10128x128xf32, #tpu.memory_space<vmem_shared>> -> memref<10128x128xf32, #tpu.memory_space<vmem_shared>>
        tpu.wait_indirect_dma semaphore(%arg11 : memref<!tpu.dma_semaphore, #tpu.memory_space<semaphore_mem>>) src(%arg5 : memref<128x128xf32, #tpu.memory_space<vmem>>) dst(%dma_wait3A_624 : memref<10128x128xf32, #tpu.memory_space<vmem_shared>>)
      } else {
      }
      %rem3A_561 = arith.constant 8 : i32
      %rem3A_562 = arith.remsi %add3A_555, %rem3A_561 : i32
      %div3A_563 = arith.constant 8 : i32
      %div3A_564 = arith.divsi %add3A_555, %div3A_563 : i32
      %rem3A_565 = arith.constant 3 : i32
      %rem3A_566 = arith.remsi %div3A_564, %rem3A_565 : i32
      %dma_start3A_567 = arith.constant 0 : i32
      %dma_start3A_568 = tpu.memref_slice %arg4[%rem3A_566, %rem3A_562, %dma_start3A_567] : memref<3x8x128xi32, #tpu.memory_space<vmem>> -> memref<1x1x128xi32, #tpu.memory_space<vmem>>
      %dma_start3A_569 = tpu.memref_squeeze %dma_start3A_568 : memref<1x1x128xi32, #tpu.memory_space<vmem>> -> memref<128xi32, #tpu.memory_space<vmem>>
      %dma_start3A_570 = arith.constant 0 : i32
      %dma_start3A_571 = arith.constant 0 : i32
      %dma_start3A_572 = tpu.memref_slice %arg6[%dma_start3A_570, %dma_start3A_571] : memref<10128x128xf32, #tpu.memory_space<vmem_shared>> -> memref<10128x128xf32, #tpu.memory_space<vmem_shared>>
      tpu.enqueue_indirect_dma source(%arg5 : memref<128x128xf32, #tpu.memory_space<vmem>>) target(%dma_start3A_572 : memref<10128x128xf32, #tpu.memory_space<vmem_shared>>) offsets(%dma_start3A_569 : memref<128xi32, #tpu.memory_space<vmem>>) semaphore(%arg11 : memref<!tpu.dma_semaphore, #tpu.memory_space<semaphore_mem>>) {add = true}
      %add3A_573 = arith.constant 2 : i32
      %add3A_574 = arith.addi %add3A_537, %add3A_573 : i32
      %ge3A_575 = arith.constant 4 : i32
      %ge3A_576 = arith.cmpi sge, %add3A_574, %ge3A_575 : i32
      %convert_element_type3A_577 = arith.extui %ge3A_576 : i1 to i32
      %cond3A_578 = arith.constant 0 : i32
      %cond3A_579 = arith.cmpi ne, %convert_element_type3A_577, %cond3A_578 : i32
      scf.if %cond3A_579 {
        %sub3A = arith.constant 4 : i32
        %sub3A_612 = arith.subi %add3A_574, %sub3A : i32
        %rem3A_613 = arith.constant 8 : i32
        %rem3A_614 = arith.remsi %sub3A_612, %rem3A_613 : i32
        %div3A_615 = arith.constant 8 : i32
        %div3A_616 = arith.divsi %sub3A_612, %div3A_615 : i32
        %rem3A_617 = arith.constant 3 : i32
        %rem3A_618 = arith.remsi %div3A_616, %rem3A_617 : i32
        %dma_wait3A_619 = arith.constant 0 : i32
        %dma_wait3A_620 = tpu.memref_slice %arg4[%rem3A_618, %rem3A_614, %dma_wait3A_619] : memref<3x8x128xi32, #tpu.memory_space<vmem>> -> memref<1x1x128xi32, #tpu.memory_space<vmem>>
        %dma_wait3A_621 = tpu.memref_squeeze %dma_wait3A_620 : memref<1x1x128xi32, #tpu.memory_space<vmem>> -> memref<128xi32, #tpu.memory_space<vmem>>
        %dma_wait3A_622 = arith.constant 0 : i32
        %dma_wait3A_623 = arith.constant 0 : i32
        %dma_wait3A_624 = tpu.memref_slice %arg6[%dma_wait3A_622, %dma_wait3A_623] : memref<10128x128xf32, #tpu.memory_space<vmem_shared>> -> memref<10128x128xf32, #tpu.memory_space<vmem_shared>>
        tpu.wait_indirect_dma semaphore(%arg12 : memref<!tpu.dma_semaphore, #tpu.memory_space<semaphore_mem>>) src(%arg5 : memref<128x128xf32, #tpu.memory_space<vmem>>) dst(%dma_wait3A_624 : memref<10128x128xf32, #tpu.memory_space<vmem_shared>>)
      } else {
      }
      %rem3A_580 = arith.constant 8 : i32
      %rem3A_581 = arith.remsi %add3A_574, %rem3A_580 : i32
      %div3A_582 = arith.constant 8 : i32
      %div3A_583 = arith.divsi %add3A_574, %div3A_582 : i32
      %rem3A_584 = arith.constant 3 : i32
      %rem3A_585 = arith.remsi %div3A_583, %rem3A_584 : i32
      %dma_start3A_586 = arith.constant 0 : i32
      %dma_start3A_587 = tpu.memref_slice %arg4[%rem3A_585, %rem3A_581, %dma_start3A_586] : memref<3x8x128xi32, #tpu.memory_space<vmem>> -> memref<1x1x128xi32, #tpu.memory_space<vmem>>
      %dma_start3A_588 = tpu.memref_squeeze %dma_start3A_587 : memref<1x1x128xi32, #tpu.memory_space<vmem>> -> memref<128xi32, #tpu.memory_space<vmem>>
      %dma_start3A_589 = arith.constant 0 : i32
      %dma_start3A_590 = arith.constant 0 : i32
      %dma_start3A_591 = tpu.memref_slice %arg6[%dma_start3A_589, %dma_start3A_590] : memref<10128x128xf32, #tpu.memory_space<vmem_shared>> -> memref<10128x128xf32, #tpu.memory_space<vmem_shared>>
      tpu.enqueue_indirect_dma source(%arg5 : memref<128x128xf32, #tpu.memory_space<vmem>>) target(%dma_start3A_591 : memref<10128x128xf32, #tpu.memory_space<vmem_shared>>) offsets(%dma_start3A_588 : memref<128xi32, #tpu.memory_space<vmem>>) semaphore(%arg12 : memref<!tpu.dma_semaphore, #tpu.memory_space<semaphore_mem>>) {add = true}
      %add3A_592 = arith.constant 3 : i32
      %add3A_593 = arith.addi %add3A_537, %add3A_592 : i32
      %ge3A_594 = arith.constant 4 : i32
      %ge3A_595 = arith.cmpi sge, %add3A_593, %ge3A_594 : i32
      %convert_element_type3A_596 = arith.extui %ge3A_595 : i1 to i32
      %cond3A_597 = arith.constant 0 : i32
      %cond3A_598 = arith.cmpi ne, %convert_element_type3A_596, %cond3A_597 : i32
      scf.if %cond3A_598 {
        %sub3A = arith.constant 4 : i32
        %sub3A_612 = arith.subi %add3A_593, %sub3A : i32
        %rem3A_613 = arith.constant 8 : i32
        %rem3A_614 = arith.remsi %sub3A_612, %rem3A_613 : i32
        %div3A_615 = arith.constant 8 : i32
        %div3A_616 = arith.divsi %sub3A_612, %div3A_615 : i32
        %rem3A_617 = arith.constant 3 : i32
        %rem3A_618 = arith.remsi %div3A_616, %rem3A_617 : i32
        %dma_wait3A_619 = arith.constant 0 : i32
        %dma_wait3A_620 = tpu.memref_slice %arg4[%rem3A_618, %rem3A_614, %dma_wait3A_619] : memref<3x8x128xi32, #tpu.memory_space<vmem>> -> memref<1x1x128xi32, #tpu.memory_space<vmem>>
        %dma_wait3A_621 = tpu.memref_squeeze %dma_wait3A_620 : memref<1x1x128xi32, #tpu.memory_space<vmem>> -> memref<128xi32, #tpu.memory_space<vmem>>
        %dma_wait3A_622 = arith.constant 0 : i32
        %dma_wait3A_623 = arith.constant 0 : i32
        %dma_wait3A_624 = tpu.memref_slice %arg6[%dma_wait3A_622, %dma_wait3A_623] : memref<10128x128xf32, #tpu.memory_space<vmem_shared>> -> memref<10128x128xf32, #tpu.memory_space<vmem_shared>>
        tpu.wait_indirect_dma semaphore(%arg13 : memref<!tpu.dma_semaphore, #tpu.memory_space<semaphore_mem>>) src(%arg5 : memref<128x128xf32, #tpu.memory_space<vmem>>) dst(%dma_wait3A_624 : memref<10128x128xf32, #tpu.memory_space<vmem_shared>>)
      } else {
      }
      %rem3A_599 = arith.constant 8 : i32
      %rem3A_600 = arith.remsi %add3A_593, %rem3A_599 : i32
      %div3A_601 = arith.constant 8 : i32
      %div3A_602 = arith.divsi %add3A_593, %div3A_601 : i32
      %rem3A_603 = arith.constant 3 : i32
      %rem3A_604 = arith.remsi %div3A_602, %rem3A_603 : i32
      %dma_start3A_605 = arith.constant 0 : i32
      %dma_start3A_606 = tpu.memref_slice %arg4[%rem3A_604, %rem3A_600, %dma_start3A_605] : memref<3x8x128xi32, #tpu.memory_space<vmem>> -> memref<1x1x128xi32, #tpu.memory_space<vmem>>
      %dma_start3A_607 = tpu.memref_squeeze %dma_start3A_606 : memref<1x1x128xi32, #tpu.memory_space<vmem>> -> memref<128xi32, #tpu.memory_space<vmem>>
      %dma_start3A_608 = arith.constant 0 : i32
      %dma_start3A_609 = arith.constant 0 : i32
      %dma_start3A_610 = tpu.memref_slice %arg6[%dma_start3A_608, %dma_start3A_609] : memref<10128x128xf32, #tpu.memory_space<vmem_shared>> -> memref<10128x128xf32, #tpu.memory_space<vmem_shared>>
      tpu.enqueue_indirect_dma source(%arg5 : memref<128x128xf32, #tpu.memory_space<vmem>>) target(%dma_start3A_610 : memref<10128x128xf32, #tpu.memory_space<vmem_shared>>) offsets(%dma_start3A_607 : memref<128xi32, #tpu.memory_space<vmem>>) semaphore(%arg13 : memref<!tpu.dma_semaphore, #tpu.memory_space<semaphore_mem>>) {add = true}
      %scan3A_611 = arith.constant 0 : i32
      scf.yield %scan3A_611 : i32
    }
    %scan3A_106 = arith.constant 2 : i32
    %dma_wait3A_107 = arith.constant 1 : i32
    %dma_wait3A_108 = arith.constant 0 : i32
    %dma_wait3A_109 = arith.constant 0 : i32
    %dma_wait3A_110 = tpu.memref_slice %arg4[%dma_wait3A_107, %dma_wait3A_108, %dma_wait3A_109] : memref<3x8x128xi32, #tpu.memory_space<vmem>> -> memref<1x8x128xi32, #tpu.memory_space<vmem>>
    %dma_wait3A_111 = tpu.memref_squeeze %dma_wait3A_110 : memref<1x8x128xi32, #tpu.memory_space<vmem>> -> memref<8x128xi32, #tpu.memory_space<vmem>>
    %dma_wait3A_112 = arith.constant 8 : i32
    %dma_wait3A_113 = arith.constant 0 : i32
    %dma_wait3A_114 = tpu.memref_slice %arg2[%add3A, %dma_wait3A_112, %dma_wait3A_113] : memref<32x80x128xi32, #tpu.memory_space<hbm>> -> memref<1x8x128xi32, #tpu.memory_space<hbm>>
    %dma_wait3A_115 = tpu.memref_squeeze %dma_wait3A_114 : memref<1x8x128xi32, #tpu.memory_space<hbm>> -> memref<8x128xi32, #tpu.memory_space<hbm>>
    %dma_wait3A_116 = arith.constant 0 : i32
    %dma_wait3A_117 = arith.constant 0 : i32
    %dma_wait3A_118 = tpu.memref_slice %arg4[%dma_wait3A_107, %dma_wait3A_116, %dma_wait3A_117] : memref<3x8x128xi32, #tpu.memory_space<vmem>> -> memref<1x8x128xi32, #tpu.memory_space<vmem>>
    %dma_wait3A_119 = tpu.memref_squeeze %dma_wait3A_118 : memref<1x8x128xi32, #tpu.memory_space<vmem>> -> memref<8x128xi32, #tpu.memory_space<vmem>>
    %dma_wait3A_120 = arith.constant 8 : i32
    %dma_wait3A_121 = arith.constant 0 : i32
    %dma_wait3A_122 = tpu.memref_slice %arg2[%add3A, %dma_wait3A_120, %dma_wait3A_121] : memref<32x80x128xi32, #tpu.memory_space<hbm>> -> memref<1x8x128xi32, #tpu.memory_space<hbm>>
    %dma_wait3A_123 = tpu.memref_squeeze %dma_wait3A_122 : memref<1x8x128xi32, #tpu.memory_space<hbm>> -> memref<8x128xi32, #tpu.memory_space<hbm>>
    tpu.wait_dma2 semaphore(%arg8 : memref<!tpu.dma_semaphore, #tpu.memory_space<semaphore_mem>>) src(%dma_wait3A_123 : memref<8x128xi32, #tpu.memory_space<hbm>>) dst(%dma_wait3A_119 : memref<8x128xi32, #tpu.memory_space<vmem>>)
    %dma_start3A_124 = arith.constant 2 : i32
    %dma_start3A_125 = arith.constant 0 : i32
    %dma_start3A_126 = arith.constant 0 : i32
    %dma_start3A_127 = tpu.memref_slice %arg4[%dma_start3A_124, %dma_start3A_125, %dma_start3A_126] : memref<3x8x128xi32, #tpu.memory_space<vmem>> -> memref<1x8x128xi32, #tpu.memory_space<vmem>>
    %dma_start3A_128 = tpu.memref_squeeze %dma_start3A_127 : memref<1x8x128xi32, #tpu.memory_space<vmem>> -> memref<8x128xi32, #tpu.memory_space<vmem>>
    %dma_start3A_129 = arith.constant 16 : i32
    %dma_start3A_130 = arith.constant 0 : i32
    %dma_start3A_131 = tpu.memref_slice %arg2[%add3A, %dma_start3A_129, %dma_start3A_130] : memref<32x80x128xi32, #tpu.memory_space<hbm>> -> memref<1x8x128xi32, #tpu.memory_space<hbm>>
    %dma_start3A_132 = tpu.memref_squeeze %dma_start3A_131 : memref<1x8x128xi32, #tpu.memory_space<hbm>> -> memref<8x128xi32, #tpu.memory_space<hbm>>
    %dma_start3A_133 = arith.constant 0 : i32
    %dma_start3A_134 = arith.constant 0 : i32
    %dma_start3A_135 = tpu.memref_slice %arg4[%dma_start3A_124, %dma_start3A_133, %dma_start3A_134] : memref<3x8x128xi32, #tpu.memory_space<vmem>> -> memref<1x8x128xi32, #tpu.memory_space<vmem>>
    %dma_start3A_136 = tpu.memref_squeeze %dma_start3A_135 : memref<1x8x128xi32, #tpu.memory_space<vmem>> -> memref<8x128xi32, #tpu.memory_space<vmem>>
    %dma_start3A_137 = arith.constant 16 : i32
    %dma_start3A_138 = arith.constant 0 : i32
    %dma_start3A_139 = tpu.memref_slice %arg2[%add3A, %dma_start3A_137, %dma_start3A_138] : memref<32x80x128xi32, #tpu.memory_space<hbm>> -> memref<1x8x128xi32, #tpu.memory_space<hbm>>
    %dma_start3A_140 = tpu.memref_squeeze %dma_start3A_139 : memref<1x8x128xi32, #tpu.memory_space<hbm>> -> memref<8x128xi32, #tpu.memory_space<hbm>>
    tpu.enqueue_dma source(%dma_start3A_140 : memref<8x128xi32, #tpu.memory_space<hbm>>) target(%dma_start3A_136 : memref<8x128xi32, #tpu.memory_space<vmem>>) target_semaphore(%arg9 : memref<!tpu.dma_semaphore, #tpu.memory_space<semaphore_mem>>)
    %scan3A_141 = arith.constant 0 : i32
    %scan3A_142 = arith.constant 0 : i32
    %scan3A_143 = arith.constant 2 : i32
    %scan3A_144 = arith.addi %scan3A_142, %scan3A_143 : i32
    %scan3A_145 = arith.constant 1 : i32
    %scan3A_146 = scf.for %scan3A_532 = %scan3A_142 to %scan3A_144 step %scan3A_145 iter_args(%scan3A_533 = %scan3A_141) -> (i32)  : i32 {
      %mul3A_534 = arith.constant 4 : i32
      %mul3A_535 = arith.muli %mul3A_534, %scan3A_532 : i32
      %add3A_536 = arith.constant 8 : i32
      %add3A_537 = arith.addi %add3A_536, %mul3A_535 : i32
      %add3A_538 = arith.constant 0 : i32
      %add3A_539 = arith.addi %add3A_537, %add3A_538 : i32
      %ge3A = arith.constant 4 : i32
      %ge3A_540 = arith.cmpi sge, %add3A_539, %ge3A : i32
      %convert_element_type3A_541 = arith.extui %ge3A_540 : i1 to i32
      %cond3A_542 = arith.constant 0 : i32
      %cond3A_543 = arith.cmpi ne, %convert_element_type3A_541, %cond3A_542 : i32
      scf.if %cond3A_543 {
        %sub3A = arith.constant 4 : i32
        %sub3A_612 = arith.subi %add3A_539, %sub3A : i32
        %rem3A_613 = arith.constant 8 : i32
        %rem3A_614 = arith.remsi %sub3A_612, %rem3A_613 : i32
        %div3A_615 = arith.constant 8 : i32
        %div3A_616 = arith.divsi %sub3A_612, %div3A_615 : i32
        %rem3A_617 = arith.constant 3 : i32
        %rem3A_618 = arith.remsi %div3A_616, %rem3A_617 : i32
        %dma_wait3A_619 = arith.constant 0 : i32
        %dma_wait3A_620 = tpu.memref_slice %arg4[%rem3A_618, %rem3A_614, %dma_wait3A_619] : memref<3x8x128xi32, #tpu.memory_space<vmem>> -> memref<1x1x128xi32, #tpu.memory_space<vmem>>
        %dma_wait3A_621 = tpu.memref_squeeze %dma_wait3A_620 : memref<1x1x128xi32, #tpu.memory_space<vmem>> -> memref<128xi32, #tpu.memory_space<vmem>>
        %dma_wait3A_622 = arith.constant 0 : i32
        %dma_wait3A_623 = arith.constant 0 : i32
        %dma_wait3A_624 = tpu.memref_slice %arg6[%dma_wait3A_622, %dma_wait3A_623] : memref<10128x128xf32, #tpu.memory_space<vmem_shared>> -> memref<10128x128xf32, #tpu.memory_space<vmem_shared>>
        tpu.wait_indirect_dma semaphore(%arg10 : memref<!tpu.dma_semaphore, #tpu.memory_space<semaphore_mem>>) src(%arg5 : memref<128x128xf32, #tpu.memory_space<vmem>>) dst(%dma_wait3A_624 : memref<10128x128xf32, #tpu.memory_space<vmem_shared>>)
      } else {
      }
      %rem3A = arith.constant 8 : i32
      %rem3A_544 = arith.remsi %add3A_539, %rem3A : i32
      %div3A = arith.constant 8 : i32
      %div3A_545 = arith.divsi %add3A_539, %div3A : i32
      %rem3A_546 = arith.constant 3 : i32
      %rem3A_547 = arith.remsi %div3A_545, %rem3A_546 : i32
      %dma_start3A_548 = arith.constant 0 : i32
      %dma_start3A_549 = tpu.memref_slice %arg4[%rem3A_547, %rem3A_544, %dma_start3A_548] : memref<3x8x128xi32, #tpu.memory_space<vmem>> -> memref<1x1x128xi32, #tpu.memory_space<vmem>>
      %dma_start3A_550 = tpu.memref_squeeze %dma_start3A_549 : memref<1x1x128xi32, #tpu.memory_space<vmem>> -> memref<128xi32, #tpu.memory_space<vmem>>
      %dma_start3A_551 = arith.constant 0 : i32
      %dma_start3A_552 = arith.constant 0 : i32
      %dma_start3A_553 = tpu.memref_slice %arg6[%dma_start3A_551, %dma_start3A_552] : memref<10128x128xf32, #tpu.memory_space<vmem_shared>> -> memref<10128x128xf32, #tpu.memory_space<vmem_shared>>
      tpu.enqueue_indirect_dma source(%arg5 : memref<128x128xf32, #tpu.memory_space<vmem>>) target(%dma_start3A_553 : memref<10128x128xf32, #tpu.memory_space<vmem_shared>>) offsets(%dma_start3A_550 : memref<128xi32, #tpu.memory_space<vmem>>) semaphore(%arg10 : memref<!tpu.dma_semaphore, #tpu.memory_space<semaphore_mem>>) {add = true}
      %add3A_554 = arith.constant 1 : i32
      %add3A_555 = arith.addi %add3A_537, %add3A_554 : i32
      %ge3A_556 = arith.constant 4 : i32
      %ge3A_557 = arith.cmpi sge, %add3A_555, %ge3A_556 : i32
      %convert_element_type3A_558 = arith.extui %ge3A_557 : i1 to i32
      %cond3A_559 = arith.constant 0 : i32
      %cond3A_560 = arith.cmpi ne, %convert_element_type3A_558, %cond3A_559 : i32
      scf.if %cond3A_560 {
        %sub3A = arith.constant 4 : i32
        %sub3A_612 = arith.subi %add3A_555, %sub3A : i32
        %rem3A_613 = arith.constant 8 : i32
        %rem3A_614 = arith.remsi %sub3A_612, %rem3A_613 : i32
        %div3A_615 = arith.constant 8 : i32
        %div3A_616 = arith.divsi %sub3A_612, %div3A_615 : i32
        %rem3A_617 = arith.constant 3 : i32
        %rem3A_618 = arith.remsi %div3A_616, %rem3A_617 : i32
        %dma_wait3A_619 = arith.constant 0 : i32
        %dma_wait3A_620 = tpu.memref_slice %arg4[%rem3A_618, %rem3A_614, %dma_wait3A_619] : memref<3x8x128xi32, #tpu.memory_space<vmem>> -> memref<1x1x128xi32, #tpu.memory_space<vmem>>
        %dma_wait3A_621 = tpu.memref_squeeze %dma_wait3A_620 : memref<1x1x128xi32, #tpu.memory_space<vmem>> -> memref<128xi32, #tpu.memory_space<vmem>>
        %dma_wait3A_622 = arith.constant 0 : i32
        %dma_wait3A_623 = arith.constant 0 : i32
        %dma_wait3A_624 = tpu.memref_slice %arg6[%dma_wait3A_622, %dma_wait3A_623] : memref<10128x128xf32, #tpu.memory_space<vmem_shared>> -> memref<10128x128xf32, #tpu.memory_space<vmem_shared>>
        tpu.wait_indirect_dma semaphore(%arg11 : memref<!tpu.dma_semaphore, #tpu.memory_space<semaphore_mem>>) src(%arg5 : memref<128x128xf32, #tpu.memory_space<vmem>>) dst(%dma_wait3A_624 : memref<10128x128xf32, #tpu.memory_space<vmem_shared>>)
      } else {
      }
      %rem3A_561 = arith.constant 8 : i32
      %rem3A_562 = arith.remsi %add3A_555, %rem3A_561 : i32
      %div3A_563 = arith.constant 8 : i32
      %div3A_564 = arith.divsi %add3A_555, %div3A_563 : i32
      %rem3A_565 = arith.constant 3 : i32
      %rem3A_566 = arith.remsi %div3A_564, %rem3A_565 : i32
      %dma_start3A_567 = arith.constant 0 : i32
      %dma_start3A_568 = tpu.memref_slice %arg4[%rem3A_566, %rem3A_562, %dma_start3A_567] : memref<3x8x128xi32, #tpu.memory_space<vmem>> -> memref<1x1x128xi32, #tpu.memory_space<vmem>>
      %dma_start3A_569 = tpu.memref_squeeze %dma_start3A_568 : memref<1x1x128xi32, #tpu.memory_space<vmem>> -> memref<128xi32, #tpu.memory_space<vmem>>
      %dma_start3A_570 = arith.constant 0 : i32
      %dma_start3A_571 = arith.constant 0 : i32
      %dma_start3A_572 = tpu.memref_slice %arg6[%dma_start3A_570, %dma_start3A_571] : memref<10128x128xf32, #tpu.memory_space<vmem_shared>> -> memref<10128x128xf32, #tpu.memory_space<vmem_shared>>
      tpu.enqueue_indirect_dma source(%arg5 : memref<128x128xf32, #tpu.memory_space<vmem>>) target(%dma_start3A_572 : memref<10128x128xf32, #tpu.memory_space<vmem_shared>>) offsets(%dma_start3A_569 : memref<128xi32, #tpu.memory_space<vmem>>) semaphore(%arg11 : memref<!tpu.dma_semaphore, #tpu.memory_space<semaphore_mem>>) {add = true}
      %add3A_573 = arith.constant 2 : i32
      %add3A_574 = arith.addi %add3A_537, %add3A_573 : i32
      %ge3A_575 = arith.constant 4 : i32
      %ge3A_576 = arith.cmpi sge, %add3A_574, %ge3A_575 : i32
      %convert_element_type3A_577 = arith.extui %ge3A_576 : i1 to i32
      %cond3A_578 = arith.constant 0 : i32
      %cond3A_579 = arith.cmpi ne, %convert_element_type3A_577, %cond3A_578 : i32
      scf.if %cond3A_579 {
        %sub3A = arith.constant 4 : i32
        %sub3A_612 = arith.subi %add3A_574, %sub3A : i32
        %rem3A_613 = arith.constant 8 : i32
        %rem3A_614 = arith.remsi %sub3A_612, %rem3A_613 : i32
        %div3A_615 = arith.constant 8 : i32
        %div3A_616 = arith.divsi %sub3A_612, %div3A_615 : i32
        %rem3A_617 = arith.constant 3 : i32
        %rem3A_618 = arith.remsi %div3A_616, %rem3A_617 : i32
        %dma_wait3A_619 = arith.constant 0 : i32
        %dma_wait3A_620 = tpu.memref_slice %arg4[%rem3A_618, %rem3A_614, %dma_wait3A_619] : memref<3x8x128xi32, #tpu.memory_space<vmem>> -> memref<1x1x128xi32, #tpu.memory_space<vmem>>
        %dma_wait3A_621 = tpu.memref_squeeze %dma_wait3A_620 : memref<1x1x128xi32, #tpu.memory_space<vmem>> -> memref<128xi32, #tpu.memory_space<vmem>>
        %dma_wait3A_622 = arith.constant 0 : i32
        %dma_wait3A_623 = arith.constant 0 : i32
        %dma_wait3A_624 = tpu.memref_slice %arg6[%dma_wait3A_622, %dma_wait3A_623] : memref<10128x128xf32, #tpu.memory_space<vmem_shared>> -> memref<10128x128xf32, #tpu.memory_space<vmem_shared>>
        tpu.wait_indirect_dma semaphore(%arg12 : memref<!tpu.dma_semaphore, #tpu.memory_space<semaphore_mem>>) src(%arg5 : memref<128x128xf32, #tpu.memory_space<vmem>>) dst(%dma_wait3A_624 : memref<10128x128xf32, #tpu.memory_space<vmem_shared>>)
      } else {
      }
      %rem3A_580 = arith.constant 8 : i32
      %rem3A_581 = arith.remsi %add3A_574, %rem3A_580 : i32
      %div3A_582 = arith.constant 8 : i32
      %div3A_583 = arith.divsi %add3A_574, %div3A_582 : i32
      %rem3A_584 = arith.constant 3 : i32
      %rem3A_585 = arith.remsi %div3A_583, %rem3A_584 : i32
      %dma_start3A_586 = arith.constant 0 : i32
      %dma_start3A_587 = tpu.memref_slice %arg4[%rem3A_585, %rem3A_581, %dma_start3A_586] : memref<3x8x128xi32, #tpu.memory_space<vmem>> -> memref<1x1x128xi32, #tpu.memory_space<vmem>>
      %dma_start3A_588 = tpu.memref_squeeze %dma_start3A_587 : memref<1x1x128xi32, #tpu.memory_space<vmem>> -> memref<128xi32, #tpu.memory_space<vmem>>
      %dma_start3A_589 = arith.constant 0 : i32
      %dma_start3A_590 = arith.constant 0 : i32
      %dma_start3A_591 = tpu.memref_slice %arg6[%dma_start3A_589, %dma_start3A_590] : memref<10128x128xf32, #tpu.memory_space<vmem_shared>> -> memref<10128x128xf32, #tpu.memory_space<vmem_shared>>
      tpu.enqueue_indirect_dma source(%arg5 : memref<128x128xf32, #tpu.memory_space<vmem>>) target(%dma_start3A_591 : memref<10128x128xf32, #tpu.memory_space<vmem_shared>>) offsets(%dma_start3A_588 : memref<128xi32, #tpu.memory_space<vmem>>) semaphore(%arg12 : memref<!tpu.dma_semaphore, #tpu.memory_space<semaphore_mem>>) {add = true}
      %add3A_592 = arith.constant 3 : i32
      %add3A_593 = arith.addi %add3A_537, %add3A_592 : i32
      %ge3A_594 = arith.constant 4 : i32
      %ge3A_595 = arith.cmpi sge, %add3A_593, %ge3A_594 : i32
      %convert_element_type3A_596 = arith.extui %ge3A_595 : i1 to i32
      %cond3A_597 = arith.constant 0 : i32
      %cond3A_598 = arith.cmpi ne, %convert_element_type3A_596, %cond3A_597 : i32
      scf.if %cond3A_598 {
        %sub3A = arith.constant 4 : i32
        %sub3A_612 = arith.subi %add3A_593, %sub3A : i32
        %rem3A_613 = arith.constant 8 : i32
        %rem3A_614 = arith.remsi %sub3A_612, %rem3A_613 : i32
        %div3A_615 = arith.constant 8 : i32
        %div3A_616 = arith.divsi %sub3A_612, %div3A_615 : i32
        %rem3A_617 = arith.constant 3 : i32
        %rem3A_618 = arith.remsi %div3A_616, %rem3A_617 : i32
        %dma_wait3A_619 = arith.constant 0 : i32
        %dma_wait3A_620 = tpu.memref_slice %arg4[%rem3A_618, %rem3A_614, %dma_wait3A_619] : memref<3x8x128xi32, #tpu.memory_space<vmem>> -> memref<1x1x128xi32, #tpu.memory_space<vmem>>
        %dma_wait3A_621 = tpu.memref_squeeze %dma_wait3A_620 : memref<1x1x128xi32, #tpu.memory_space<vmem>> -> memref<128xi32, #tpu.memory_space<vmem>>
        %dma_wait3A_622 = arith.constant 0 : i32
        %dma_wait3A_623 = arith.constant 0 : i32
        %dma_wait3A_624 = tpu.memref_slice %arg6[%dma_wait3A_622, %dma_wait3A_623] : memref<10128x128xf32, #tpu.memory_space<vmem_shared>> -> memref<10128x128xf32, #tpu.memory_space<vmem_shared>>
        tpu.wait_indirect_dma semaphore(%arg13 : memref<!tpu.dma_semaphore, #tpu.memory_space<semaphore_mem>>) src(%arg5 : memref<128x128xf32, #tpu.memory_space<vmem>>) dst(%dma_wait3A_624 : memref<10128x128xf32, #tpu.memory_space<vmem_shared>>)
      } else {
      }
      %rem3A_599 = arith.constant 8 : i32
      %rem3A_600 = arith.remsi %add3A_593, %rem3A_599 : i32
      %div3A_601 = arith.constant 8 : i32
      %div3A_602 = arith.divsi %add3A_593, %div3A_601 : i32
      %rem3A_603 = arith.constant 3 : i32
      %rem3A_604 = arith.remsi %div3A_602, %rem3A_603 : i32
      %dma_start3A_605 = arith.constant 0 : i32
      %dma_start3A_606 = tpu.memref_slice %arg4[%rem3A_604, %rem3A_600, %dma_start3A_605] : memref<3x8x128xi32, #tpu.memory_space<vmem>> -> memref<1x1x128xi32, #tpu.memory_space<vmem>>
      %dma_start3A_607 = tpu.memref_squeeze %dma_start3A_606 : memref<1x1x128xi32, #tpu.memory_space<vmem>> -> memref<128xi32, #tpu.memory_space<vmem>>
      %dma_start3A_608 = arith.constant 0 : i32
      %dma_start3A_609 = arith.constant 0 : i32
      %dma_start3A_610 = tpu.memref_slice %arg6[%dma_start3A_608, %dma_start3A_609] : memref<10128x128xf32, #tpu.memory_space<vmem_shared>> -> memref<10128x128xf32, #tpu.memory_space<vmem_shared>>
      tpu.enqueue_indirect_dma source(%arg5 : memref<128x128xf32, #tpu.memory_space<vmem>>) target(%dma_start3A_610 : memref<10128x128xf32, #tpu.memory_space<vmem_shared>>) offsets(%dma_start3A_607 : memref<128xi32, #tpu.memory_space<vmem>>) semaphore(%arg13 : memref<!tpu.dma_semaphore, #tpu.memory_space<semaphore_mem>>) {add = true}
      %scan3A_611 = arith.constant 0 : i32
      scf.yield %scan3A_611 : i32
    }
    %scan3A_147 = arith.constant 2 : i32
    %dma_wait3A_148 = arith.constant 2 : i32
    %dma_wait3A_149 = arith.constant 0 : i32
    %dma_wait3A_150 = arith.constant 0 : i32
    %dma_wait3A_151 = tpu.memref_slice %arg4[%dma_wait3A_148, %dma_wait3A_149, %dma_wait3A_150] : memref<3x8x128xi32, #tpu.memory_space<vmem>> -> memref<1x8x128xi32, #tpu.memory_space<vmem>>
    %dma_wait3A_152 = tpu.memref_squeeze %dma_wait3A_151 : memref<1x8x128xi32, #tpu.memory_space<vmem>> -> memref<8x128xi32, #tpu.memory_space<vmem>>
    %dma_wait3A_153 = arith.constant 16 : i32
    %dma_wait3A_154 = arith.constant 0 : i32
    %dma_wait3A_155 = tpu.memref_slice %arg2[%add3A, %dma_wait3A_153, %dma_wait3A_154] : memref<32x80x128xi32, #tpu.memory_space<hbm>> -> memref<1x8x128xi32, #tpu.memory_space<hbm>>
    %dma_wait3A_156 = tpu.memref_squeeze %dma_wait3A_155 : memref<1x8x128xi32, #tpu.memory_space<hbm>> -> memref<8x128xi32, #tpu.memory_space<hbm>>
    %dma_wait3A_157 = arith.constant 0 : i32
    %dma_wait3A_158 = arith.constant 0 : i32
    %dma_wait3A_159 = tpu.memref_slice %arg4[%dma_wait3A_148, %dma_wait3A_157, %dma_wait3A_158] : memref<3x8x128xi32, #tpu.memory_space<vmem>> -> memref<1x8x128xi32, #tpu.memory_space<vmem>>
    %dma_wait3A_160 = tpu.memref_squeeze %dma_wait3A_159 : memref<1x8x128xi32, #tpu.memory_space<vmem>> -> memref<8x128xi32, #tpu.memory_space<vmem>>
    %dma_wait3A_161 = arith.constant 16 : i32
    %dma_wait3A_162 = arith.constant 0 : i32
    %dma_wait3A_163 = tpu.memref_slice %arg2[%add3A, %dma_wait3A_161, %dma_wait3A_162] : memref<32x80x128xi32, #tpu.memory_space<hbm>> -> memref<1x8x128xi32, #tpu.memory_space<hbm>>
    %dma_wait3A_164 = tpu.memref_squeeze %dma_wait3A_163 : memref<1x8x128xi32, #tpu.memory_space<hbm>> -> memref<8x128xi32, #tpu.memory_space<hbm>>
    tpu.wait_dma2 semaphore(%arg9 : memref<!tpu.dma_semaphore, #tpu.memory_space<semaphore_mem>>) src(%dma_wait3A_164 : memref<8x128xi32, #tpu.memory_space<hbm>>) dst(%dma_wait3A_160 : memref<8x128xi32, #tpu.memory_space<vmem>>)
    %dma_start3A_165 = arith.constant 0 : i32
    %dma_start3A_166 = arith.constant 0 : i32
    %dma_start3A_167 = arith.constant 0 : i32
    %dma_start3A_168 = tpu.memref_slice %arg4[%dma_start3A_165, %dma_start3A_166, %dma_start3A_167] : memref<3x8x128xi32, #tpu.memory_space<vmem>> -> memref<1x8x128xi32, #tpu.memory_space<vmem>>
    %dma_start3A_169 = tpu.memref_squeeze %dma_start3A_168 : memref<1x8x128xi32, #tpu.memory_space<vmem>> -> memref<8x128xi32, #tpu.memory_space<vmem>>
    %dma_start3A_170 = arith.constant 24 : i32
    %dma_start3A_171 = arith.constant 0 : i32
    %dma_start3A_172 = tpu.memref_slice %arg2[%add3A, %dma_start3A_170, %dma_start3A_171] : memref<32x80x128xi32, #tpu.memory_space<hbm>> -> memref<1x8x128xi32, #tpu.memory_space<hbm>>
    %dma_start3A_173 = tpu.memref_squeeze %dma_start3A_172 : memref<1x8x128xi32, #tpu.memory_space<hbm>> -> memref<8x128xi32, #tpu.memory_space<hbm>>
    %dma_start3A_174 = arith.constant 0 : i32
    %dma_start3A_175 = arith.constant 0 : i32
    %dma_start3A_176 = tpu.memref_slice %arg4[%dma_start3A_165, %dma_start3A_174, %dma_start3A_175] : memref<3x8x128xi32, #tpu.memory_space<vmem>> -> memref<1x8x128xi32, #tpu.memory_space<vmem>>
    %dma_start3A_177 = tpu.memref_squeeze %dma_start3A_176 : memref<1x8x128xi32, #tpu.memory_space<vmem>> -> memref<8x128xi32, #tpu.memory_space<vmem>>
    %dma_start3A_178 = arith.constant 24 : i32
    %dma_start3A_179 = arith.constant 0 : i32
    %dma_start3A_180 = tpu.memref_slice %arg2[%add3A, %dma_start3A_178, %dma_start3A_179] : memref<32x80x128xi32, #tpu.memory_space<hbm>> -> memref<1x8x128xi32, #tpu.memory_space<hbm>>
    %dma_start3A_181 = tpu.memref_squeeze %dma_start3A_180 : memref<1x8x128xi32, #tpu.memory_space<hbm>> -> memref<8x128xi32, #tpu.memory_space<hbm>>
    tpu.enqueue_dma source(%dma_start3A_181 : memref<8x128xi32, #tpu.memory_space<hbm>>) target(%dma_start3A_177 : memref<8x128xi32, #tpu.memory_space<vmem>>) target_semaphore(%arg7 : memref<!tpu.dma_semaphore, #tpu.memory_space<semaphore_mem>>)
    %scan3A_182 = arith.constant 0 : i32
    %scan3A_183 = arith.constant 0 : i32
    %scan3A_184 = arith.constant 2 : i32
    %scan3A_185 = arith.addi %scan3A_183, %scan3A_184 : i32
    %scan3A_186 = arith.constant 1 : i32
    %scan3A_187 = scf.for %scan3A_532 = %scan3A_183 to %scan3A_185 step %scan3A_186 iter_args(%scan3A_533 = %scan3A_182) -> (i32)  : i32 {
      %mul3A_534 = arith.constant 4 : i32
      %mul3A_535 = arith.muli %mul3A_534, %scan3A_532 : i32
      %add3A_536 = arith.constant 16 : i32
      %add3A_537 = arith.addi %add3A_536, %mul3A_535 : i32
      %add3A_538 = arith.constant 0 : i32
      %add3A_539 = arith.addi %add3A_537, %add3A_538 : i32
      %ge3A = arith.constant 4 : i32
      %ge3A_540 = arith.cmpi sge, %add3A_539, %ge3A : i32
      %convert_element_type3A_541 = arith.extui %ge3A_540 : i1 to i32
      %cond3A_542 = arith.constant 0 : i32
      %cond3A_543 = arith.cmpi ne, %convert_element_type3A_541, %cond3A_542 : i32
      scf.if %cond3A_543 {
        %sub3A = arith.constant 4 : i32
        %sub3A_612 = arith.subi %add3A_539, %sub3A : i32
        %rem3A_613 = arith.constant 8 : i32
        %rem3A_614 = arith.remsi %sub3A_612, %rem3A_613 : i32
        %div3A_615 = arith.constant 8 : i32
        %div3A_616 = arith.divsi %sub3A_612, %div3A_615 : i32
        %rem3A_617 = arith.constant 3 : i32
        %rem3A_618 = arith.remsi %div3A_616, %rem3A_617 : i32
        %dma_wait3A_619 = arith.constant 0 : i32
        %dma_wait3A_620 = tpu.memref_slice %arg4[%rem3A_618, %rem3A_614, %dma_wait3A_619] : memref<3x8x128xi32, #tpu.memory_space<vmem>> -> memref<1x1x128xi32, #tpu.memory_space<vmem>>
        %dma_wait3A_621 = tpu.memref_squeeze %dma_wait3A_620 : memref<1x1x128xi32, #tpu.memory_space<vmem>> -> memref<128xi32, #tpu.memory_space<vmem>>
        %dma_wait3A_622 = arith.constant 0 : i32
        %dma_wait3A_623 = arith.constant 0 : i32
        %dma_wait3A_624 = tpu.memref_slice %arg6[%dma_wait3A_622, %dma_wait3A_623] : memref<10128x128xf32, #tpu.memory_space<vmem_shared>> -> memref<10128x128xf32, #tpu.memory_space<vmem_shared>>
        tpu.wait_indirect_dma semaphore(%arg10 : memref<!tpu.dma_semaphore, #tpu.memory_space<semaphore_mem>>) src(%arg5 : memref<128x128xf32, #tpu.memory_space<vmem>>) dst(%dma_wait3A_624 : memref<10128x128xf32, #tpu.memory_space<vmem_shared>>)
      } else {
      }
      %rem3A = arith.constant 8 : i32
      %rem3A_544 = arith.remsi %add3A_539, %rem3A : i32
      %div3A = arith.constant 8 : i32
      %div3A_545 = arith.divsi %add3A_539, %div3A : i32
      %rem3A_546 = arith.constant 3 : i32
      %rem3A_547 = arith.remsi %div3A_545, %rem3A_546 : i32
      %dma_start3A_548 = arith.constant 0 : i32
      %dma_start3A_549 = tpu.memref_slice %arg4[%rem3A_547, %rem3A_544, %dma_start3A_548] : memref<3x8x128xi32, #tpu.memory_space<vmem>> -> memref<1x1x128xi32, #tpu.memory_space<vmem>>
      %dma_start3A_550 = tpu.memref_squeeze %dma_start3A_549 : memref<1x1x128xi32, #tpu.memory_space<vmem>> -> memref<128xi32, #tpu.memory_space<vmem>>
      %dma_start3A_551 = arith.constant 0 : i32
      %dma_start3A_552 = arith.constant 0 : i32
      %dma_start3A_553 = tpu.memref_slice %arg6[%dma_start3A_551, %dma_start3A_552] : memref<10128x128xf32, #tpu.memory_space<vmem_shared>> -> memref<10128x128xf32, #tpu.memory_space<vmem_shared>>
      tpu.enqueue_indirect_dma source(%arg5 : memref<128x128xf32, #tpu.memory_space<vmem>>) target(%dma_start3A_553 : memref<10128x128xf32, #tpu.memory_space<vmem_shared>>) offsets(%dma_start3A_550 : memref<128xi32, #tpu.memory_space<vmem>>) semaphore(%arg10 : memref<!tpu.dma_semaphore, #tpu.memory_space<semaphore_mem>>) {add = true}
      %add3A_554 = arith.constant 1 : i32
      %add3A_555 = arith.addi %add3A_537, %add3A_554 : i32
      %ge3A_556 = arith.constant 4 : i32
      %ge3A_557 = arith.cmpi sge, %add3A_555, %ge3A_556 : i32
      %convert_element_type3A_558 = arith.extui %ge3A_557 : i1 to i32
      %cond3A_559 = arith.constant 0 : i32
      %cond3A_560 = arith.cmpi ne, %convert_element_type3A_558, %cond3A_559 : i32
      scf.if %cond3A_560 {
        %sub3A = arith.constant 4 : i32
        %sub3A_612 = arith.subi %add3A_555, %sub3A : i32
        %rem3A_613 = arith.constant 8 : i32
        %rem3A_614 = arith.remsi %sub3A_612, %rem3A_613 : i32
        %div3A_615 = arith.constant 8 : i32
        %div3A_616 = arith.divsi %sub3A_612, %div3A_615 : i32
        %rem3A_617 = arith.constant 3 : i32
        %rem3A_618 = arith.remsi %div3A_616, %rem3A_617 : i32
        %dma_wait3A_619 = arith.constant 0 : i32
        %dma_wait3A_620 = tpu.memref_slice %arg4[%rem3A_618, %rem3A_614, %dma_wait3A_619] : memref<3x8x128xi32, #tpu.memory_space<vmem>> -> memref<1x1x128xi32, #tpu.memory_space<vmem>>
        %dma_wait3A_621 = tpu.memref_squeeze %dma_wait3A_620 : memref<1x1x128xi32, #tpu.memory_space<vmem>> -> memref<128xi32, #tpu.memory_space<vmem>>
        %dma_wait3A_622 = arith.constant 0 : i32
        %dma_wait3A_623 = arith.constant 0 : i32
        %dma_wait3A_624 = tpu.memref_slice %arg6[%dma_wait3A_622, %dma_wait3A_623] : memref<10128x128xf32, #tpu.memory_space<vmem_shared>> -> memref<10128x128xf32, #tpu.memory_space<vmem_shared>>
        tpu.wait_indirect_dma semaphore(%arg11 : memref<!tpu.dma_semaphore, #tpu.memory_space<semaphore_mem>>) src(%arg5 : memref<128x128xf32, #tpu.memory_space<vmem>>) dst(%dma_wait3A_624 : memref<10128x128xf32, #tpu.memory_space<vmem_shared>>)
      } else {
      }
      %rem3A_561 = arith.constant 8 : i32
      %rem3A_562 = arith.remsi %add3A_555, %rem3A_561 : i32
      %div3A_563 = arith.constant 8 : i32
      %div3A_564 = arith.divsi %add3A_555, %div3A_563 : i32
      %rem3A_565 = arith.constant 3 : i32
      %rem3A_566 = arith.remsi %div3A_564, %rem3A_565 : i32
      %dma_start3A_567 = arith.constant 0 : i32
      %dma_start3A_568 = tpu.memref_slice %arg4[%rem3A_566, %rem3A_562, %dma_start3A_567] : memref<3x8x128xi32, #tpu.memory_space<vmem>> -> memref<1x1x128xi32, #tpu.memory_space<vmem>>
      %dma_start3A_569 = tpu.memref_squeeze %dma_start3A_568 : memref<1x1x128xi32, #tpu.memory_space<vmem>> -> memref<128xi32, #tpu.memory_space<vmem>>
      %dma_start3A_570 = arith.constant 0 : i32
      %dma_start3A_571 = arith.constant 0 : i32
      %dma_start3A_572 = tpu.memref_slice %arg6[%dma_start3A_570, %dma_start3A_571] : memref<10128x128xf32, #tpu.memory_space<vmem_shared>> -> memref<10128x128xf32, #tpu.memory_space<vmem_shared>>
      tpu.enqueue_indirect_dma source(%arg5 : memref<128x128xf32, #tpu.memory_space<vmem>>) target(%dma_start3A_572 : memref<10128x128xf32, #tpu.memory_space<vmem_shared>>) offsets(%dma_start3A_569 : memref<128xi32, #tpu.memory_space<vmem>>) semaphore(%arg11 : memref<!tpu.dma_semaphore, #tpu.memory_space<semaphore_mem>>) {add = true}
      %add3A_573 = arith.constant 2 : i32
      %add3A_574 = arith.addi %add3A_537, %add3A_573 : i32
      %ge3A_575 = arith.constant 4 : i32
      %ge3A_576 = arith.cmpi sge, %add3A_574, %ge3A_575 : i32
      %convert_element_type3A_577 = arith.extui %ge3A_576 : i1 to i32
      %cond3A_578 = arith.constant 0 : i32
      %cond3A_579 = arith.cmpi ne, %convert_element_type3A_577, %cond3A_578 : i32
      scf.if %cond3A_579 {
        %sub3A = arith.constant 4 : i32
        %sub3A_612 = arith.subi %add3A_574, %sub3A : i32
        %rem3A_613 = arith.constant 8 : i32
        %rem3A_614 = arith.remsi %sub3A_612, %rem3A_613 : i32
        %div3A_615 = arith.constant 8 : i32
        %div3A_616 = arith.divsi %sub3A_612, %div3A_615 : i32
        %rem3A_617 = arith.constant 3 : i32
        %rem3A_618 = arith.remsi %div3A_616, %rem3A_617 : i32
        %dma_wait3A_619 = arith.constant 0 : i32
        %dma_wait3A_620 = tpu.memref_slice %arg4[%rem3A_618, %rem3A_614, %dma_wait3A_619] : memref<3x8x128xi32, #tpu.memory_space<vmem>> -> memref<1x1x128xi32, #tpu.memory_space<vmem>>
        %dma_wait3A_621 = tpu.memref_squeeze %dma_wait3A_620 : memref<1x1x128xi32, #tpu.memory_space<vmem>> -> memref<128xi32, #tpu.memory_space<vmem>>
        %dma_wait3A_622 = arith.constant 0 : i32
        %dma_wait3A_623 = arith.constant 0 : i32
        %dma_wait3A_624 = tpu.memref_slice %arg6[%dma_wait3A_622, %dma_wait3A_623] : memref<10128x128xf32, #tpu.memory_space<vmem_shared>> -> memref<10128x128xf32, #tpu.memory_space<vmem_shared>>
        tpu.wait_indirect_dma semaphore(%arg12 : memref<!tpu.dma_semaphore, #tpu.memory_space<semaphore_mem>>) src(%arg5 : memref<128x128xf32, #tpu.memory_space<vmem>>) dst(%dma_wait3A_624 : memref<10128x128xf32, #tpu.memory_space<vmem_shared>>)
      } else {
      }
      %rem3A_580 = arith.constant 8 : i32
      %rem3A_581 = arith.remsi %add3A_574, %rem3A_580 : i32
      %div3A_582 = arith.constant 8 : i32
      %div3A_583 = arith.divsi %add3A_574, %div3A_582 : i32
      %rem3A_584 = arith.constant 3 : i32
      %rem3A_585 = arith.remsi %div3A_583, %rem3A_584 : i32
      %dma_start3A_586 = arith.constant 0 : i32
      %dma_start3A_587 = tpu.memref_slice %arg4[%rem3A_585, %rem3A_581, %dma_start3A_586] : memref<3x8x128xi32, #tpu.memory_space<vmem>> -> memref<1x1x128xi32, #tpu.memory_space<vmem>>
      %dma_start3A_588 = tpu.memref_squeeze %dma_start3A_587 : memref<1x1x128xi32, #tpu.memory_space<vmem>> -> memref<128xi32, #tpu.memory_space<vmem>>
      %dma_start3A_589 = arith.constant 0 : i32
      %dma_start3A_590 = arith.constant 0 : i32
      %dma_start3A_591 = tpu.memref_slice %arg6[%dma_start3A_589, %dma_start3A_590] : memref<10128x128xf32, #tpu.memory_space<vmem_shared>> -> memref<10128x128xf32, #tpu.memory_space<vmem_shared>>
      tpu.enqueue_indirect_dma source(%arg5 : memref<128x128xf32, #tpu.memory_space<vmem>>) target(%dma_start3A_591 : memref<10128x128xf32, #tpu.memory_space<vmem_shared>>) offsets(%dma_start3A_588 : memref<128xi32, #tpu.memory_space<vmem>>) semaphore(%arg12 : memref<!tpu.dma_semaphore, #tpu.memory_space<semaphore_mem>>) {add = true}
      %add3A_592 = arith.constant 3 : i32
      %add3A_593 = arith.addi %add3A_537, %add3A_592 : i32
      %ge3A_594 = arith.constant 4 : i32
      %ge3A_595 = arith.cmpi sge, %add3A_593, %ge3A_594 : i32
      %convert_element_type3A_596 = arith.extui %ge3A_595 : i1 to i32
      %cond3A_597 = arith.constant 0 : i32
      %cond3A_598 = arith.cmpi ne, %convert_element_type3A_596, %cond3A_597 : i32
      scf.if %cond3A_598 {
        %sub3A = arith.constant 4 : i32
        %sub3A_612 = arith.subi %add3A_593, %sub3A : i32
        %rem3A_613 = arith.constant 8 : i32
        %rem3A_614 = arith.remsi %sub3A_612, %rem3A_613 : i32
        %div3A_615 = arith.constant 8 : i32
        %div3A_616 = arith.divsi %sub3A_612, %div3A_615 : i32
        %rem3A_617 = arith.constant 3 : i32
        %rem3A_618 = arith.remsi %div3A_616, %rem3A_617 : i32
        %dma_wait3A_619 = arith.constant 0 : i32
        %dma_wait3A_620 = tpu.memref_slice %arg4[%rem3A_618, %rem3A_614, %dma_wait3A_619] : memref<3x8x128xi32, #tpu.memory_space<vmem>> -> memref<1x1x128xi32, #tpu.memory_space<vmem>>
        %dma_wait3A_621 = tpu.memref_squeeze %dma_wait3A_620 : memref<1x1x128xi32, #tpu.memory_space<vmem>> -> memref<128xi32, #tpu.memory_space<vmem>>
        %dma_wait3A_622 = arith.constant 0 : i32
        %dma_wait3A_623 = arith.constant 0 : i32
        %dma_wait3A_624 = tpu.memref_slice %arg6[%dma_wait3A_622, %dma_wait3A_623] : memref<10128x128xf32, #tpu.memory_space<vmem_shared>> -> memref<10128x128xf32, #tpu.memory_space<vmem_shared>>
        tpu.wait_indirect_dma semaphore(%arg13 : memref<!tpu.dma_semaphore, #tpu.memory_space<semaphore_mem>>) src(%arg5 : memref<128x128xf32, #tpu.memory_space<vmem>>) dst(%dma_wait3A_624 : memref<10128x128xf32, #tpu.memory_space<vmem_shared>>)
      } else {
      }
      %rem3A_599 = arith.constant 8 : i32
      %rem3A_600 = arith.remsi %add3A_593, %rem3A_599 : i32
      %div3A_601 = arith.constant 8 : i32
      %div3A_602 = arith.divsi %add3A_593, %div3A_601 : i32
      %rem3A_603 = arith.constant 3 : i32
      %rem3A_604 = arith.remsi %div3A_602, %rem3A_603 : i32
      %dma_start3A_605 = arith.constant 0 : i32
      %dma_start3A_606 = tpu.memref_slice %arg4[%rem3A_604, %rem3A_600, %dma_start3A_605] : memref<3x8x128xi32, #tpu.memory_space<vmem>> -> memref<1x1x128xi32, #tpu.memory_space<vmem>>
      %dma_start3A_607 = tpu.memref_squeeze %dma_start3A_606 : memref<1x1x128xi32, #tpu.memory_space<vmem>> -> memref<128xi32, #tpu.memory_space<vmem>>
      %dma_start3A_608 = arith.constant 0 : i32
      %dma_start3A_609 = arith.constant 0 : i32
      %dma_start3A_610 = tpu.memref_slice %arg6[%dma_start3A_608, %dma_start3A_609] : memref<10128x128xf32, #tpu.memory_space<vmem_shared>> -> memref<10128x128xf32, #tpu.memory_space<vmem_shared>>
      tpu.enqueue_indirect_dma source(%arg5 : memref<128x128xf32, #tpu.memory_space<vmem>>) target(%dma_start3A_610 : memref<10128x128xf32, #tpu.memory_space<vmem_shared>>) offsets(%dma_start3A_607 : memref<128xi32, #tpu.memory_space<vmem>>) semaphore(%arg13 : memref<!tpu.dma_semaphore, #tpu.memory_space<semaphore_mem>>) {add = true}
      %scan3A_611 = arith.constant 0 : i32
      scf.yield %scan3A_611 : i32
    }
    %scan3A_188 = arith.constant 2 : i32
    %dma_wait3A_189 = arith.constant 0 : i32
    %dma_wait3A_190 = arith.constant 0 : i32
    %dma_wait3A_191 = arith.constant 0 : i32
    %dma_wait3A_192 = tpu.memref_slice %arg4[%dma_wait3A_189, %dma_wait3A_190, %dma_wait3A_191] : memref<3x8x128xi32, #tpu.memory_space<vmem>> -> memref<1x8x128xi32, #tpu.memory_space<vmem>>
    %dma_wait3A_193 = tpu.memref_squeeze %dma_wait3A_192 : memref<1x8x128xi32, #tpu.memory_space<vmem>> -> memref<8x128xi32, #tpu.memory_space<vmem>>
    %dma_wait3A_194 = arith.constant 24 : i32
    %dma_wait3A_195 = arith.constant 0 : i32
    %dma_wait3A_196 = tpu.memref_slice %arg2[%add3A, %dma_wait3A_194, %dma_wait3A_195] : memref<32x80x128xi32, #tpu.memory_space<hbm>> -> memref<1x8x128xi32, #tpu.memory_space<hbm>>
    %dma_wait3A_197 = tpu.memref_squeeze %dma_wait3A_196 : memref<1x8x128xi32, #tpu.memory_space<hbm>> -> memref<8x128xi32, #tpu.memory_space<hbm>>
    %dma_wait3A_198 = arith.constant 0 : i32
    %dma_wait3A_199 = arith.constant 0 : i32
    %dma_wait3A_200 = tpu.memref_slice %arg4[%dma_wait3A_189, %dma_wait3A_198, %dma_wait3A_199] : memref<3x8x128xi32, #tpu.memory_space<vmem>> -> memref<1x8x128xi32, #tpu.memory_space<vmem>>
    %dma_wait3A_201 = tpu.memref_squeeze %dma_wait3A_200 : memref<1x8x128xi32, #tpu.memory_space<vmem>> -> memref<8x128xi32, #tpu.memory_space<vmem>>
    %dma_wait3A_202 = arith.constant 24 : i32
    %dma_wait3A_203 = arith.constant 0 : i32
    %dma_wait3A_204 = tpu.memref_slice %arg2[%add3A, %dma_wait3A_202, %dma_wait3A_203] : memref<32x80x128xi32, #tpu.memory_space<hbm>> -> memref<1x8x128xi32, #tpu.memory_space<hbm>>
    %dma_wait3A_205 = tpu.memref_squeeze %dma_wait3A_204 : memref<1x8x128xi32, #tpu.memory_space<hbm>> -> memref<8x128xi32, #tpu.memory_space<hbm>>
    tpu.wait_dma2 semaphore(%arg7 : memref<!tpu.dma_semaphore, #tpu.memory_space<semaphore_mem>>) src(%dma_wait3A_205 : memref<8x128xi32, #tpu.memory_space<hbm>>) dst(%dma_wait3A_201 : memref<8x128xi32, #tpu.memory_space<vmem>>)
    %dma_start3A_206 = arith.constant 1 : i32
    %dma_start3A_207 = arith.constant 0 : i32
    %dma_start3A_208 = arith.constant 0 : i32
    %dma_start3A_209 = tpu.memref_slice %arg4[%dma_start3A_206, %dma_start3A_207, %dma_start3A_208] : memref<3x8x128xi32, #tpu.memory_space<vmem>> -> memref<1x8x128xi32, #tpu.memory_space<vmem>>
    %dma_start3A_210 = tpu.memref_squeeze %dma_start3A_209 : memref<1x8x128xi32, #tpu.memory_space<vmem>> -> memref<8x128xi32, #tpu.memory_space<vmem>>
    %dma_start3A_211 = arith.constant 32 : i32
    %dma_start3A_212 = arith.constant 0 : i32
    %dma_start3A_213 = tpu.memref_slice %arg2[%add3A, %dma_start3A_211, %dma_start3A_212] : memref<32x80x128xi32, #tpu.memory_space<hbm>> -> memref<1x8x128xi32, #tpu.memory_space<hbm>>
    %dma_start3A_214 = tpu.memref_squeeze %dma_start3A_213 : memref<1x8x128xi32, #tpu.memory_space<hbm>> -> memref<8x128xi32, #tpu.memory_space<hbm>>
    %dma_start3A_215 = arith.constant 0 : i32
    %dma_start3A_216 = arith.constant 0 : i32
    %dma_start3A_217 = tpu.memref_slice %arg4[%dma_start3A_206, %dma_start3A_215, %dma_start3A_216] : memref<3x8x128xi32, #tpu.memory_space<vmem>> -> memref<1x8x128xi32, #tpu.memory_space<vmem>>
    %dma_start3A_218 = tpu.memref_squeeze %dma_start3A_217 : memref<1x8x128xi32, #tpu.memory_space<vmem>> -> memref<8x128xi32, #tpu.memory_space<vmem>>
    %dma_start3A_219 = arith.constant 32 : i32
    %dma_start3A_220 = arith.constant 0 : i32
    %dma_start3A_221 = tpu.memref_slice %arg2[%add3A, %dma_start3A_219, %dma_start3A_220] : memref<32x80x128xi32, #tpu.memory_space<hbm>> -> memref<1x8x128xi32, #tpu.memory_space<hbm>>
    %dma_start3A_222 = tpu.memref_squeeze %dma_start3A_221 : memref<1x8x128xi32, #tpu.memory_space<hbm>> -> memref<8x128xi32, #tpu.memory_space<hbm>>
    tpu.enqueue_dma source(%dma_start3A_222 : memref<8x128xi32, #tpu.memory_space<hbm>>) target(%dma_start3A_218 : memref<8x128xi32, #tpu.memory_space<vmem>>) target_semaphore(%arg8 : memref<!tpu.dma_semaphore, #tpu.memory_space<semaphore_mem>>)
    %scan3A_223 = arith.constant 0 : i32
    %scan3A_224 = arith.constant 0 : i32
    %scan3A_225 = arith.constant 2 : i32
    %scan3A_226 = arith.addi %scan3A_224, %scan3A_225 : i32
    %scan3A_227 = arith.constant 1 : i32
    %scan3A_228 = scf.for %scan3A_532 = %scan3A_224 to %scan3A_226 step %scan3A_227 iter_args(%scan3A_533 = %scan3A_223) -> (i32)  : i32 {
      %mul3A_534 = arith.constant 4 : i32
      %mul3A_535 = arith.muli %mul3A_534, %scan3A_532 : i32
      %add3A_536 = arith.constant 24 : i32
      %add3A_537 = arith.addi %add3A_536, %mul3A_535 : i32
      %add3A_538 = arith.constant 0 : i32
      %add3A_539 = arith.addi %add3A_537, %add3A_538 : i32
      %ge3A = arith.constant 4 : i32
      %ge3A_540 = arith.cmpi sge, %add3A_539, %ge3A : i32
      %convert_element_type3A_541 = arith.extui %ge3A_540 : i1 to i32
      %cond3A_542 = arith.constant 0 : i32
      %cond3A_543 = arith.cmpi ne, %convert_element_type3A_541, %cond3A_542 : i32
      scf.if %cond3A_543 {
        %sub3A = arith.constant 4 : i32
        %sub3A_612 = arith.subi %add3A_539, %sub3A : i32
        %rem3A_613 = arith.constant 8 : i32
        %rem3A_614 = arith.remsi %sub3A_612, %rem3A_613 : i32
        %div3A_615 = arith.constant 8 : i32
        %div3A_616 = arith.divsi %sub3A_612, %div3A_615 : i32
        %rem3A_617 = arith.constant 3 : i32
        %rem3A_618 = arith.remsi %div3A_616, %rem3A_617 : i32
        %dma_wait3A_619 = arith.constant 0 : i32
        %dma_wait3A_620 = tpu.memref_slice %arg4[%rem3A_618, %rem3A_614, %dma_wait3A_619] : memref<3x8x128xi32, #tpu.memory_space<vmem>> -> memref<1x1x128xi32, #tpu.memory_space<vmem>>
        %dma_wait3A_621 = tpu.memref_squeeze %dma_wait3A_620 : memref<1x1x128xi32, #tpu.memory_space<vmem>> -> memref<128xi32, #tpu.memory_space<vmem>>
        %dma_wait3A_622 = arith.constant 0 : i32
        %dma_wait3A_623 = arith.constant 0 : i32
        %dma_wait3A_624 = tpu.memref_slice %arg6[%dma_wait3A_622, %dma_wait3A_623] : memref<10128x128xf32, #tpu.memory_space<vmem_shared>> -> memref<10128x128xf32, #tpu.memory_space<vmem_shared>>
        tpu.wait_indirect_dma semaphore(%arg10 : memref<!tpu.dma_semaphore, #tpu.memory_space<semaphore_mem>>) src(%arg5 : memref<128x128xf32, #tpu.memory_space<vmem>>) dst(%dma_wait3A_624 : memref<10128x128xf32, #tpu.memory_space<vmem_shared>>)
      } else {
      }
      %rem3A = arith.constant 8 : i32
      %rem3A_544 = arith.remsi %add3A_539, %rem3A : i32
      %div3A = arith.constant 8 : i32
      %div3A_545 = arith.divsi %add3A_539, %div3A : i32
      %rem3A_546 = arith.constant 3 : i32
      %rem3A_547 = arith.remsi %div3A_545, %rem3A_546 : i32
      %dma_start3A_548 = arith.constant 0 : i32
      %dma_start3A_549 = tpu.memref_slice %arg4[%rem3A_547, %rem3A_544, %dma_start3A_548] : memref<3x8x128xi32, #tpu.memory_space<vmem>> -> memref<1x1x128xi32, #tpu.memory_space<vmem>>
      %dma_start3A_550 = tpu.memref_squeeze %dma_start3A_549 : memref<1x1x128xi32, #tpu.memory_space<vmem>> -> memref<128xi32, #tpu.memory_space<vmem>>
      %dma_start3A_551 = arith.constant 0 : i32
      %dma_start3A_552 = arith.constant 0 : i32
      %dma_start3A_553 = tpu.memref_slice %arg6[%dma_start3A_551, %dma_start3A_552] : memref<10128x128xf32, #tpu.memory_space<vmem_shared>> -> memref<10128x128xf32, #tpu.memory_space<vmem_shared>>
      tpu.enqueue_indirect_dma source(%arg5 : memref<128x128xf32, #tpu.memory_space<vmem>>) target(%dma_start3A_553 : memref<10128x128xf32, #tpu.memory_space<vmem_shared>>) offsets(%dma_start3A_550 : memref<128xi32, #tpu.memory_space<vmem>>) semaphore(%arg10 : memref<!tpu.dma_semaphore, #tpu.memory_space<semaphore_mem>>) {add = true}
      %add3A_554 = arith.constant 1 : i32
      %add3A_555 = arith.addi %add3A_537, %add3A_554 : i32
      %ge3A_556 = arith.constant 4 : i32
      %ge3A_557 = arith.cmpi sge, %add3A_555, %ge3A_556 : i32
      %convert_element_type3A_558 = arith.extui %ge3A_557 : i1 to i32
      %cond3A_559 = arith.constant 0 : i32
      %cond3A_560 = arith.cmpi ne, %convert_element_type3A_558, %cond3A_559 : i32
      scf.if %cond3A_560 {
        %sub3A = arith.constant 4 : i32
        %sub3A_612 = arith.subi %add3A_555, %sub3A : i32
        %rem3A_613 = arith.constant 8 : i32
        %rem3A_614 = arith.remsi %sub3A_612, %rem3A_613 : i32
        %div3A_615 = arith.constant 8 : i32
        %div3A_616 = arith.divsi %sub3A_612, %div3A_615 : i32
        %rem3A_617 = arith.constant 3 : i32
        %rem3A_618 = arith.remsi %div3A_616, %rem3A_617 : i32
        %dma_wait3A_619 = arith.constant 0 : i32
        %dma_wait3A_620 = tpu.memref_slice %arg4[%rem3A_618, %rem3A_614, %dma_wait3A_619] : memref<3x8x128xi32, #tpu.memory_space<vmem>> -> memref<1x1x128xi32, #tpu.memory_space<vmem>>
        %dma_wait3A_621 = tpu.memref_squeeze %dma_wait3A_620 : memref<1x1x128xi32, #tpu.memory_space<vmem>> -> memref<128xi32, #tpu.memory_space<vmem>>
        %dma_wait3A_622 = arith.constant 0 : i32
        %dma_wait3A_623 = arith.constant 0 : i32
        %dma_wait3A_624 = tpu.memref_slice %arg6[%dma_wait3A_622, %dma_wait3A_623] : memref<10128x128xf32, #tpu.memory_space<vmem_shared>> -> memref<10128x128xf32, #tpu.memory_space<vmem_shared>>
        tpu.wait_indirect_dma semaphore(%arg11 : memref<!tpu.dma_semaphore, #tpu.memory_space<semaphore_mem>>) src(%arg5 : memref<128x128xf32, #tpu.memory_space<vmem>>) dst(%dma_wait3A_624 : memref<10128x128xf32, #tpu.memory_space<vmem_shared>>)
      } else {
      }
      %rem3A_561 = arith.constant 8 : i32
      %rem3A_562 = arith.remsi %add3A_555, %rem3A_561 : i32
      %div3A_563 = arith.constant 8 : i32
      %div3A_564 = arith.divsi %add3A_555, %div3A_563 : i32
      %rem3A_565 = arith.constant 3 : i32
      %rem3A_566 = arith.remsi %div3A_564, %rem3A_565 : i32
      %dma_start3A_567 = arith.constant 0 : i32
      %dma_start3A_568 = tpu.memref_slice %arg4[%rem3A_566, %rem3A_562, %dma_start3A_567] : memref<3x8x128xi32, #tpu.memory_space<vmem>> -> memref<1x1x128xi32, #tpu.memory_space<vmem>>
      %dma_start3A_569 = tpu.memref_squeeze %dma_start3A_568 : memref<1x1x128xi32, #tpu.memory_space<vmem>> -> memref<128xi32, #tpu.memory_space<vmem>>
      %dma_start3A_570 = arith.constant 0 : i32
      %dma_start3A_571 = arith.constant 0 : i32
      %dma_start3A_572 = tpu.memref_slice %arg6[%dma_start3A_570, %dma_start3A_571] : memref<10128x128xf32, #tpu.memory_space<vmem_shared>> -> memref<10128x128xf32, #tpu.memory_space<vmem_shared>>
      tpu.enqueue_indirect_dma source(%arg5 : memref<128x128xf32, #tpu.memory_space<vmem>>) target(%dma_start3A_572 : memref<10128x128xf32, #tpu.memory_space<vmem_shared>>) offsets(%dma_start3A_569 : memref<128xi32, #tpu.memory_space<vmem>>) semaphore(%arg11 : memref<!tpu.dma_semaphore, #tpu.memory_space<semaphore_mem>>) {add = true}
      %add3A_573 = arith.constant 2 : i32
      %add3A_574 = arith.addi %add3A_537, %add3A_573 : i32
      %ge3A_575 = arith.constant 4 : i32
      %ge3A_576 = arith.cmpi sge, %add3A_574, %ge3A_575 : i32
      %convert_element_type3A_577 = arith.extui %ge3A_576 : i1 to i32
      %cond3A_578 = arith.constant 0 : i32
      %cond3A_579 = arith.cmpi ne, %convert_element_type3A_577, %cond3A_578 : i32
      scf.if %cond3A_579 {
        %sub3A = arith.constant 4 : i32
        %sub3A_612 = arith.subi %add3A_574, %sub3A : i32
        %rem3A_613 = arith.constant 8 : i32
        %rem3A_614 = arith.remsi %sub3A_612, %rem3A_613 : i32
        %div3A_615 = arith.constant 8 : i32
        %div3A_616 = arith.divsi %sub3A_612, %div3A_615 : i32
        %rem3A_617 = arith.constant 3 : i32
        %rem3A_618 = arith.remsi %div3A_616, %rem3A_617 : i32
        %dma_wait3A_619 = arith.constant 0 : i32
        %dma_wait3A_620 = tpu.memref_slice %arg4[%rem3A_618, %rem3A_614, %dma_wait3A_619] : memref<3x8x128xi32, #tpu.memory_space<vmem>> -> memref<1x1x128xi32, #tpu.memory_space<vmem>>
        %dma_wait3A_621 = tpu.memref_squeeze %dma_wait3A_620 : memref<1x1x128xi32, #tpu.memory_space<vmem>> -> memref<128xi32, #tpu.memory_space<vmem>>
        %dma_wait3A_622 = arith.constant 0 : i32
        %dma_wait3A_623 = arith.constant 0 : i32
        %dma_wait3A_624 = tpu.memref_slice %arg6[%dma_wait3A_622, %dma_wait3A_623] : memref<10128x128xf32, #tpu.memory_space<vmem_shared>> -> memref<10128x128xf32, #tpu.memory_space<vmem_shared>>
        tpu.wait_indirect_dma semaphore(%arg12 : memref<!tpu.dma_semaphore, #tpu.memory_space<semaphore_mem>>) src(%arg5 : memref<128x128xf32, #tpu.memory_space<vmem>>) dst(%dma_wait3A_624 : memref<10128x128xf32, #tpu.memory_space<vmem_shared>>)
      } else {
      }
      %rem3A_580 = arith.constant 8 : i32
      %rem3A_581 = arith.remsi %add3A_574, %rem3A_580 : i32
      %div3A_582 = arith.constant 8 : i32
      %div3A_583 = arith.divsi %add3A_574, %div3A_582 : i32
      %rem3A_584 = arith.constant 3 : i32
      %rem3A_585 = arith.remsi %div3A_583, %rem3A_584 : i32
      %dma_start3A_586 = arith.constant 0 : i32
      %dma_start3A_587 = tpu.memref_slice %arg4[%rem3A_585, %rem3A_581, %dma_start3A_586] : memref<3x8x128xi32, #tpu.memory_space<vmem>> -> memref<1x1x128xi32, #tpu.memory_space<vmem>>
      %dma_start3A_588 = tpu.memref_squeeze %dma_start3A_587 : memref<1x1x128xi32, #tpu.memory_space<vmem>> -> memref<128xi32, #tpu.memory_space<vmem>>
      %dma_start3A_589 = arith.constant 0 : i32
      %dma_start3A_590 = arith.constant 0 : i32
      %dma_start3A_591 = tpu.memref_slice %arg6[%dma_start3A_589, %dma_start3A_590] : memref<10128x128xf32, #tpu.memory_space<vmem_shared>> -> memref<10128x128xf32, #tpu.memory_space<vmem_shared>>
      tpu.enqueue_indirect_dma source(%arg5 : memref<128x128xf32, #tpu.memory_space<vmem>>) target(%dma_start3A_591 : memref<10128x128xf32, #tpu.memory_space<vmem_shared>>) offsets(%dma_start3A_588 : memref<128xi32, #tpu.memory_space<vmem>>) semaphore(%arg12 : memref<!tpu.dma_semaphore, #tpu.memory_space<semaphore_mem>>) {add = true}
      %add3A_592 = arith.constant 3 : i32
      %add3A_593 = arith.addi %add3A_537, %add3A_592 : i32
      %ge3A_594 = arith.constant 4 : i32
      %ge3A_595 = arith.cmpi sge, %add3A_593, %ge3A_594 : i32
      %convert_element_type3A_596 = arith.extui %ge3A_595 : i1 to i32
      %cond3A_597 = arith.constant 0 : i32
      %cond3A_598 = arith.cmpi ne, %convert_element_type3A_596, %cond3A_597 : i32
      scf.if %cond3A_598 {
        %sub3A = arith.constant 4 : i32
        %sub3A_612 = arith.subi %add3A_593, %sub3A : i32
        %rem3A_613 = arith.constant 8 : i32
        %rem3A_614 = arith.remsi %sub3A_612, %rem3A_613 : i32
        %div3A_615 = arith.constant 8 : i32
        %div3A_616 = arith.divsi %sub3A_612, %div3A_615 : i32
        %rem3A_617 = arith.constant 3 : i32
        %rem3A_618 = arith.remsi %div3A_616, %rem3A_617 : i32
        %dma_wait3A_619 = arith.constant 0 : i32
        %dma_wait3A_620 = tpu.memref_slice %arg4[%rem3A_618, %rem3A_614, %dma_wait3A_619] : memref<3x8x128xi32, #tpu.memory_space<vmem>> -> memref<1x1x128xi32, #tpu.memory_space<vmem>>
        %dma_wait3A_621 = tpu.memref_squeeze %dma_wait3A_620 : memref<1x1x128xi32, #tpu.memory_space<vmem>> -> memref<128xi32, #tpu.memory_space<vmem>>
        %dma_wait3A_622 = arith.constant 0 : i32
        %dma_wait3A_623 = arith.constant 0 : i32
        %dma_wait3A_624 = tpu.memref_slice %arg6[%dma_wait3A_622, %dma_wait3A_623] : memref<10128x128xf32, #tpu.memory_space<vmem_shared>> -> memref<10128x128xf32, #tpu.memory_space<vmem_shared>>
        tpu.wait_indirect_dma semaphore(%arg13 : memref<!tpu.dma_semaphore, #tpu.memory_space<semaphore_mem>>) src(%arg5 : memref<128x128xf32, #tpu.memory_space<vmem>>) dst(%dma_wait3A_624 : memref<10128x128xf32, #tpu.memory_space<vmem_shared>>)
      } else {
      }
      %rem3A_599 = arith.constant 8 : i32
      %rem3A_600 = arith.remsi %add3A_593, %rem3A_599 : i32
      %div3A_601 = arith.constant 8 : i32
      %div3A_602 = arith.divsi %add3A_593, %div3A_601 : i32
      %rem3A_603 = arith.constant 3 : i32
      %rem3A_604 = arith.remsi %div3A_602, %rem3A_603 : i32
      %dma_start3A_605 = arith.constant 0 : i32
      %dma_start3A_606 = tpu.memref_slice %arg4[%rem3A_604, %rem3A_600, %dma_start3A_605] : memref<3x8x128xi32, #tpu.memory_space<vmem>> -> memref<1x1x128xi32, #tpu.memory_space<vmem>>
      %dma_start3A_607 = tpu.memref_squeeze %dma_start3A_606 : memref<1x1x128xi32, #tpu.memory_space<vmem>> -> memref<128xi32, #tpu.memory_space<vmem>>
      %dma_start3A_608 = arith.constant 0 : i32
      %dma_start3A_609 = arith.constant 0 : i32
      %dma_start3A_610 = tpu.memref_slice %arg6[%dma_start3A_608, %dma_start3A_609] : memref<10128x128xf32, #tpu.memory_space<vmem_shared>> -> memref<10128x128xf32, #tpu.memory_space<vmem_shared>>
      tpu.enqueue_indirect_dma source(%arg5 : memref<128x128xf32, #tpu.memory_space<vmem>>) target(%dma_start3A_610 : memref<10128x128xf32, #tpu.memory_space<vmem_shared>>) offsets(%dma_start3A_607 : memref<128xi32, #tpu.memory_space<vmem>>) semaphore(%arg13 : memref<!tpu.dma_semaphore, #tpu.memory_space<semaphore_mem>>) {add = true}
      %scan3A_611 = arith.constant 0 : i32
      scf.yield %scan3A_611 : i32
    }
    %scan3A_229 = arith.constant 2 : i32
    %dma_wait3A_230 = arith.constant 1 : i32
    %dma_wait3A_231 = arith.constant 0 : i32
    %dma_wait3A_232 = arith.constant 0 : i32
    %dma_wait3A_233 = tpu.memref_slice %arg4[%dma_wait3A_230, %dma_wait3A_231, %dma_wait3A_232] : memref<3x8x128xi32, #tpu.memory_space<vmem>> -> memref<1x8x128xi32, #tpu.memory_space<vmem>>
    %dma_wait3A_234 = tpu.memref_squeeze %dma_wait3A_233 : memref<1x8x128xi32, #tpu.memory_space<vmem>> -> memref<8x128xi32, #tpu.memory_space<vmem>>
    %dma_wait3A_235 = arith.constant 32 : i32
    %dma_wait3A_236 = arith.constant 0 : i32
    %dma_wait3A_237 = tpu.memref_slice %arg2[%add3A, %dma_wait3A_235, %dma_wait3A_236] : memref<32x80x128xi32, #tpu.memory_space<hbm>> -> memref<1x8x128xi32, #tpu.memory_space<hbm>>
    %dma_wait3A_238 = tpu.memref_squeeze %dma_wait3A_237 : memref<1x8x128xi32, #tpu.memory_space<hbm>> -> memref<8x128xi32, #tpu.memory_space<hbm>>
    %dma_wait3A_239 = arith.constant 0 : i32
    %dma_wait3A_240 = arith.constant 0 : i32
    %dma_wait3A_241 = tpu.memref_slice %arg4[%dma_wait3A_230, %dma_wait3A_239, %dma_wait3A_240] : memref<3x8x128xi32, #tpu.memory_space<vmem>> -> memref<1x8x128xi32, #tpu.memory_space<vmem>>
    %dma_wait3A_242 = tpu.memref_squeeze %dma_wait3A_241 : memref<1x8x128xi32, #tpu.memory_space<vmem>> -> memref<8x128xi32, #tpu.memory_space<vmem>>
    %dma_wait3A_243 = arith.constant 32 : i32
    %dma_wait3A_244 = arith.constant 0 : i32
    %dma_wait3A_245 = tpu.memref_slice %arg2[%add3A, %dma_wait3A_243, %dma_wait3A_244] : memref<32x80x128xi32, #tpu.memory_space<hbm>> -> memref<1x8x128xi32, #tpu.memory_space<hbm>>
    %dma_wait3A_246 = tpu.memref_squeeze %dma_wait3A_245 : memref<1x8x128xi32, #tpu.memory_space<hbm>> -> memref<8x128xi32, #tpu.memory_space<hbm>>
    tpu.wait_dma2 semaphore(%arg8 : memref<!tpu.dma_semaphore, #tpu.memory_space<semaphore_mem>>) src(%dma_wait3A_246 : memref<8x128xi32, #tpu.memory_space<hbm>>) dst(%dma_wait3A_242 : memref<8x128xi32, #tpu.memory_space<vmem>>)
    %dma_start3A_247 = arith.constant 2 : i32
    %dma_start3A_248 = arith.constant 0 : i32
    %dma_start3A_249 = arith.constant 0 : i32
    %dma_start3A_250 = tpu.memref_slice %arg4[%dma_start3A_247, %dma_start3A_248, %dma_start3A_249] : memref<3x8x128xi32, #tpu.memory_space<vmem>> -> memref<1x8x128xi32, #tpu.memory_space<vmem>>
    %dma_start3A_251 = tpu.memref_squeeze %dma_start3A_250 : memref<1x8x128xi32, #tpu.memory_space<vmem>> -> memref<8x128xi32, #tpu.memory_space<vmem>>
    %dma_start3A_252 = arith.constant 40 : i32
    %dma_start3A_253 = arith.constant 0 : i32
    %dma_start3A_254 = tpu.memref_slice %arg2[%add3A, %dma_start3A_252, %dma_start3A_253] : memref<32x80x128xi32, #tpu.memory_space<hbm>> -> memref<1x8x128xi32, #tpu.memory_space<hbm>>
    %dma_start3A_255 = tpu.memref_squeeze %dma_start3A_254 : memref<1x8x128xi32, #tpu.memory_space<hbm>> -> memref<8x128xi32, #tpu.memory_space<hbm>>
    %dma_start3A_256 = arith.constant 0 : i32
    %dma_start3A_257 = arith.constant 0 : i32
    %dma_start3A_258 = tpu.memref_slice %arg4[%dma_start3A_247, %dma_start3A_256, %dma_start3A_257] : memref<3x8x128xi32, #tpu.memory_space<vmem>> -> memref<1x8x128xi32, #tpu.memory_space<vmem>>
    %dma_start3A_259 = tpu.memref_squeeze %dma_start3A_258 : memref<1x8x128xi32, #tpu.memory_space<vmem>> -> memref<8x128xi32, #tpu.memory_space<vmem>>
    %dma_start3A_260 = arith.constant 40 : i32
    %dma_start3A_261 = arith.constant 0 : i32
    %dma_start3A_262 = tpu.memref_slice %arg2[%add3A, %dma_start3A_260, %dma_start3A_261] : memref<32x80x128xi32, #tpu.memory_space<hbm>> -> memref<1x8x128xi32, #tpu.memory_space<hbm>>
    %dma_start3A_263 = tpu.memref_squeeze %dma_start3A_262 : memref<1x8x128xi32, #tpu.memory_space<hbm>> -> memref<8x128xi32, #tpu.memory_space<hbm>>
    tpu.enqueue_dma source(%dma_start3A_263 : memref<8x128xi32, #tpu.memory_space<hbm>>) target(%dma_start3A_259 : memref<8x128xi32, #tpu.memory_space<vmem>>) target_semaphore(%arg9 : memref<!tpu.dma_semaphore, #tpu.memory_space<semaphore_mem>>)
    %scan3A_264 = arith.constant 0 : i32
    %scan3A_265 = arith.constant 0 : i32
    %scan3A_266 = arith.constant 2 : i32
    %scan3A_267 = arith.addi %scan3A_265, %scan3A_266 : i32
    %scan3A_268 = arith.constant 1 : i32
    %scan3A_269 = scf.for %scan3A_532 = %scan3A_265 to %scan3A_267 step %scan3A_268 iter_args(%scan3A_533 = %scan3A_264) -> (i32)  : i32 {
      %mul3A_534 = arith.constant 4 : i32
      %mul3A_535 = arith.muli %mul3A_534, %scan3A_532 : i32
      %add3A_536 = arith.constant 32 : i32
      %add3A_537 = arith.addi %add3A_536, %mul3A_535 : i32
      %add3A_538 = arith.constant 0 : i32
      %add3A_539 = arith.addi %add3A_537, %add3A_538 : i32
      %ge3A = arith.constant 4 : i32
      %ge3A_540 = arith.cmpi sge, %add3A_539, %ge3A : i32
      %convert_element_type3A_541 = arith.extui %ge3A_540 : i1 to i32
      %cond3A_542 = arith.constant 0 : i32
      %cond3A_543 = arith.cmpi ne, %convert_element_type3A_541, %cond3A_542 : i32
      scf.if %cond3A_543 {
        %sub3A = arith.constant 4 : i32
        %sub3A_612 = arith.subi %add3A_539, %sub3A : i32
        %rem3A_613 = arith.constant 8 : i32
        %rem3A_614 = arith.remsi %sub3A_612, %rem3A_613 : i32
        %div3A_615 = arith.constant 8 : i32
        %div3A_616 = arith.divsi %sub3A_612, %div3A_615 : i32
        %rem3A_617 = arith.constant 3 : i32
        %rem3A_618 = arith.remsi %div3A_616, %rem3A_617 : i32
        %dma_wait3A_619 = arith.constant 0 : i32
        %dma_wait3A_620 = tpu.memref_slice %arg4[%rem3A_618, %rem3A_614, %dma_wait3A_619] : memref<3x8x128xi32, #tpu.memory_space<vmem>> -> memref<1x1x128xi32, #tpu.memory_space<vmem>>
        %dma_wait3A_621 = tpu.memref_squeeze %dma_wait3A_620 : memref<1x1x128xi32, #tpu.memory_space<vmem>> -> memref<128xi32, #tpu.memory_space<vmem>>
        %dma_wait3A_622 = arith.constant 0 : i32
        %dma_wait3A_623 = arith.constant 0 : i32
        %dma_wait3A_624 = tpu.memref_slice %arg6[%dma_wait3A_622, %dma_wait3A_623] : memref<10128x128xf32, #tpu.memory_space<vmem_shared>> -> memref<10128x128xf32, #tpu.memory_space<vmem_shared>>
        tpu.wait_indirect_dma semaphore(%arg10 : memref<!tpu.dma_semaphore, #tpu.memory_space<semaphore_mem>>) src(%arg5 : memref<128x128xf32, #tpu.memory_space<vmem>>) dst(%dma_wait3A_624 : memref<10128x128xf32, #tpu.memory_space<vmem_shared>>)
      } else {
      }
      %rem3A = arith.constant 8 : i32
      %rem3A_544 = arith.remsi %add3A_539, %rem3A : i32
      %div3A = arith.constant 8 : i32
      %div3A_545 = arith.divsi %add3A_539, %div3A : i32
      %rem3A_546 = arith.constant 3 : i32
      %rem3A_547 = arith.remsi %div3A_545, %rem3A_546 : i32
      %dma_start3A_548 = arith.constant 0 : i32
      %dma_start3A_549 = tpu.memref_slice %arg4[%rem3A_547, %rem3A_544, %dma_start3A_548] : memref<3x8x128xi32, #tpu.memory_space<vmem>> -> memref<1x1x128xi32, #tpu.memory_space<vmem>>
      %dma_start3A_550 = tpu.memref_squeeze %dma_start3A_549 : memref<1x1x128xi32, #tpu.memory_space<vmem>> -> memref<128xi32, #tpu.memory_space<vmem>>
      %dma_start3A_551 = arith.constant 0 : i32
      %dma_start3A_552 = arith.constant 0 : i32
      %dma_start3A_553 = tpu.memref_slice %arg6[%dma_start3A_551, %dma_start3A_552] : memref<10128x128xf32, #tpu.memory_space<vmem_shared>> -> memref<10128x128xf32, #tpu.memory_space<vmem_shared>>
      tpu.enqueue_indirect_dma source(%arg5 : memref<128x128xf32, #tpu.memory_space<vmem>>) target(%dma_start3A_553 : memref<10128x128xf32, #tpu.memory_space<vmem_shared>>) offsets(%dma_start3A_550 : memref<128xi32, #tpu.memory_space<vmem>>) semaphore(%arg10 : memref<!tpu.dma_semaphore, #tpu.memory_space<semaphore_mem>>) {add = true}
      %add3A_554 = arith.constant 1 : i32
      %add3A_555 = arith.addi %add3A_537, %add3A_554 : i32
      %ge3A_556 = arith.constant 4 : i32
      %ge3A_557 = arith.cmpi sge, %add3A_555, %ge3A_556 : i32
      %convert_element_type3A_558 = arith.extui %ge3A_557 : i1 to i32
      %cond3A_559 = arith.constant 0 : i32
      %cond3A_560 = arith.cmpi ne, %convert_element_type3A_558, %cond3A_559 : i32
      scf.if %cond3A_560 {
        %sub3A = arith.constant 4 : i32
        %sub3A_612 = arith.subi %add3A_555, %sub3A : i32
        %rem3A_613 = arith.constant 8 : i32
        %rem3A_614 = arith.remsi %sub3A_612, %rem3A_613 : i32
        %div3A_615 = arith.constant 8 : i32
        %div3A_616 = arith.divsi %sub3A_612, %div3A_615 : i32
        %rem3A_617 = arith.constant 3 : i32
        %rem3A_618 = arith.remsi %div3A_616, %rem3A_617 : i32
        %dma_wait3A_619 = arith.constant 0 : i32
        %dma_wait3A_620 = tpu.memref_slice %arg4[%rem3A_618, %rem3A_614, %dma_wait3A_619] : memref<3x8x128xi32, #tpu.memory_space<vmem>> -> memref<1x1x128xi32, #tpu.memory_space<vmem>>
        %dma_wait3A_621 = tpu.memref_squeeze %dma_wait3A_620 : memref<1x1x128xi32, #tpu.memory_space<vmem>> -> memref<128xi32, #tpu.memory_space<vmem>>
        %dma_wait3A_622 = arith.constant 0 : i32
        %dma_wait3A_623 = arith.constant 0 : i32
        %dma_wait3A_624 = tpu.memref_slice %arg6[%dma_wait3A_622, %dma_wait3A_623] : memref<10128x128xf32, #tpu.memory_space<vmem_shared>> -> memref<10128x128xf32, #tpu.memory_space<vmem_shared>>
        tpu.wait_indirect_dma semaphore(%arg11 : memref<!tpu.dma_semaphore, #tpu.memory_space<semaphore_mem>>) src(%arg5 : memref<128x128xf32, #tpu.memory_space<vmem>>) dst(%dma_wait3A_624 : memref<10128x128xf32, #tpu.memory_space<vmem_shared>>)
      } else {
      }
      %rem3A_561 = arith.constant 8 : i32
      %rem3A_562 = arith.remsi %add3A_555, %rem3A_561 : i32
      %div3A_563 = arith.constant 8 : i32
      %div3A_564 = arith.divsi %add3A_555, %div3A_563 : i32
      %rem3A_565 = arith.constant 3 : i32
      %rem3A_566 = arith.remsi %div3A_564, %rem3A_565 : i32
      %dma_start3A_567 = arith.constant 0 : i32
      %dma_start3A_568 = tpu.memref_slice %arg4[%rem3A_566, %rem3A_562, %dma_start3A_567] : memref<3x8x128xi32, #tpu.memory_space<vmem>> -> memref<1x1x128xi32, #tpu.memory_space<vmem>>
      %dma_start3A_569 = tpu.memref_squeeze %dma_start3A_568 : memref<1x1x128xi32, #tpu.memory_space<vmem>> -> memref<128xi32, #tpu.memory_space<vmem>>
      %dma_start3A_570 = arith.constant 0 : i32
      %dma_start3A_571 = arith.constant 0 : i32
      %dma_start3A_572 = tpu.memref_slice %arg6[%dma_start3A_570, %dma_start3A_571] : memref<10128x128xf32, #tpu.memory_space<vmem_shared>> -> memref<10128x128xf32, #tpu.memory_space<vmem_shared>>
      tpu.enqueue_indirect_dma source(%arg5 : memref<128x128xf32, #tpu.memory_space<vmem>>) target(%dma_start3A_572 : memref<10128x128xf32, #tpu.memory_space<vmem_shared>>) offsets(%dma_start3A_569 : memref<128xi32, #tpu.memory_space<vmem>>) semaphore(%arg11 : memref<!tpu.dma_semaphore, #tpu.memory_space<semaphore_mem>>) {add = true}
      %add3A_573 = arith.constant 2 : i32
      %add3A_574 = arith.addi %add3A_537, %add3A_573 : i32
      %ge3A_575 = arith.constant 4 : i32
      %ge3A_576 = arith.cmpi sge, %add3A_574, %ge3A_575 : i32
      %convert_element_type3A_577 = arith.extui %ge3A_576 : i1 to i32
      %cond3A_578 = arith.constant 0 : i32
      %cond3A_579 = arith.cmpi ne, %convert_element_type3A_577, %cond3A_578 : i32
      scf.if %cond3A_579 {
        %sub3A = arith.constant 4 : i32
        %sub3A_612 = arith.subi %add3A_574, %sub3A : i32
        %rem3A_613 = arith.constant 8 : i32
        %rem3A_614 = arith.remsi %sub3A_612, %rem3A_613 : i32
        %div3A_615 = arith.constant 8 : i32
        %div3A_616 = arith.divsi %sub3A_612, %div3A_615 : i32
        %rem3A_617 = arith.constant 3 : i32
        %rem3A_618 = arith.remsi %div3A_616, %rem3A_617 : i32
        %dma_wait3A_619 = arith.constant 0 : i32
        %dma_wait3A_620 = tpu.memref_slice %arg4[%rem3A_618, %rem3A_614, %dma_wait3A_619] : memref<3x8x128xi32, #tpu.memory_space<vmem>> -> memref<1x1x128xi32, #tpu.memory_space<vmem>>
        %dma_wait3A_621 = tpu.memref_squeeze %dma_wait3A_620 : memref<1x1x128xi32, #tpu.memory_space<vmem>> -> memref<128xi32, #tpu.memory_space<vmem>>
        %dma_wait3A_622 = arith.constant 0 : i32
        %dma_wait3A_623 = arith.constant 0 : i32
        %dma_wait3A_624 = tpu.memref_slice %arg6[%dma_wait3A_622, %dma_wait3A_623] : memref<10128x128xf32, #tpu.memory_space<vmem_shared>> -> memref<10128x128xf32, #tpu.memory_space<vmem_shared>>
        tpu.wait_indirect_dma semaphore(%arg12 : memref<!tpu.dma_semaphore, #tpu.memory_space<semaphore_mem>>) src(%arg5 : memref<128x128xf32, #tpu.memory_space<vmem>>) dst(%dma_wait3A_624 : memref<10128x128xf32, #tpu.memory_space<vmem_shared>>)
      } else {
      }
      %rem3A_580 = arith.constant 8 : i32
      %rem3A_581 = arith.remsi %add3A_574, %rem3A_580 : i32
      %div3A_582 = arith.constant 8 : i32
      %div3A_583 = arith.divsi %add3A_574, %div3A_582 : i32
      %rem3A_584 = arith.constant 3 : i32
      %rem3A_585 = arith.remsi %div3A_583, %rem3A_584 : i32
      %dma_start3A_586 = arith.constant 0 : i32
      %dma_start3A_587 = tpu.memref_slice %arg4[%rem3A_585, %rem3A_581, %dma_start3A_586] : memref<3x8x128xi32, #tpu.memory_space<vmem>> -> memref<1x1x128xi32, #tpu.memory_space<vmem>>
      %dma_start3A_588 = tpu.memref_squeeze %dma_start3A_587 : memref<1x1x128xi32, #tpu.memory_space<vmem>> -> memref<128xi32, #tpu.memory_space<vmem>>
      %dma_start3A_589 = arith.constant 0 : i32
      %dma_start3A_590 = arith.constant 0 : i32
      %dma_start3A_591 = tpu.memref_slice %arg6[%dma_start3A_589, %dma_start3A_590] : memref<10128x128xf32, #tpu.memory_space<vmem_shared>> -> memref<10128x128xf32, #tpu.memory_space<vmem_shared>>
      tpu.enqueue_indirect_dma source(%arg5 : memref<128x128xf32, #tpu.memory_space<vmem>>) target(%dma_start3A_591 : memref<10128x128xf32, #tpu.memory_space<vmem_shared>>) offsets(%dma_start3A_588 : memref<128xi32, #tpu.memory_space<vmem>>) semaphore(%arg12 : memref<!tpu.dma_semaphore, #tpu.memory_space<semaphore_mem>>) {add = true}
      %add3A_592 = arith.constant 3 : i32
      %add3A_593 = arith.addi %add3A_537, %add3A_592 : i32
      %ge3A_594 = arith.constant 4 : i32
      %ge3A_595 = arith.cmpi sge, %add3A_593, %ge3A_594 : i32
      %convert_element_type3A_596 = arith.extui %ge3A_595 : i1 to i32
      %cond3A_597 = arith.constant 0 : i32
      %cond3A_598 = arith.cmpi ne, %convert_element_type3A_596, %cond3A_597 : i32
      scf.if %cond3A_598 {
        %sub3A = arith.constant 4 : i32
        %sub3A_612 = arith.subi %add3A_593, %sub3A : i32
        %rem3A_613 = arith.constant 8 : i32
        %rem3A_614 = arith.remsi %sub3A_612, %rem3A_613 : i32
        %div3A_615 = arith.constant 8 : i32
        %div3A_616 = arith.divsi %sub3A_612, %div3A_615 : i32
        %rem3A_617 = arith.constant 3 : i32
        %rem3A_618 = arith.remsi %div3A_616, %rem3A_617 : i32
        %dma_wait3A_619 = arith.constant 0 : i32
        %dma_wait3A_620 = tpu.memref_slice %arg4[%rem3A_618, %rem3A_614, %dma_wait3A_619] : memref<3x8x128xi32, #tpu.memory_space<vmem>> -> memref<1x1x128xi32, #tpu.memory_space<vmem>>
        %dma_wait3A_621 = tpu.memref_squeeze %dma_wait3A_620 : memref<1x1x128xi32, #tpu.memory_space<vmem>> -> memref<128xi32, #tpu.memory_space<vmem>>
        %dma_wait3A_622 = arith.constant 0 : i32
        %dma_wait3A_623 = arith.constant 0 : i32
        %dma_wait3A_624 = tpu.memref_slice %arg6[%dma_wait3A_622, %dma_wait3A_623] : memref<10128x128xf32, #tpu.memory_space<vmem_shared>> -> memref<10128x128xf32, #tpu.memory_space<vmem_shared>>
        tpu.wait_indirect_dma semaphore(%arg13 : memref<!tpu.dma_semaphore, #tpu.memory_space<semaphore_mem>>) src(%arg5 : memref<128x128xf32, #tpu.memory_space<vmem>>) dst(%dma_wait3A_624 : memref<10128x128xf32, #tpu.memory_space<vmem_shared>>)
      } else {
      }
      %rem3A_599 = arith.constant 8 : i32
      %rem3A_600 = arith.remsi %add3A_593, %rem3A_599 : i32
      %div3A_601 = arith.constant 8 : i32
      %div3A_602 = arith.divsi %add3A_593, %div3A_601 : i32
      %rem3A_603 = arith.constant 3 : i32
      %rem3A_604 = arith.remsi %div3A_602, %rem3A_603 : i32
      %dma_start3A_605 = arith.constant 0 : i32
      %dma_start3A_606 = tpu.memref_slice %arg4[%rem3A_604, %rem3A_600, %dma_start3A_605] : memref<3x8x128xi32, #tpu.memory_space<vmem>> -> memref<1x1x128xi32, #tpu.memory_space<vmem>>
      %dma_start3A_607 = tpu.memref_squeeze %dma_start3A_606 : memref<1x1x128xi32, #tpu.memory_space<vmem>> -> memref<128xi32, #tpu.memory_space<vmem>>
      %dma_start3A_608 = arith.constant 0 : i32
      %dma_start3A_609 = arith.constant 0 : i32
      %dma_start3A_610 = tpu.memref_slice %arg6[%dma_start3A_608, %dma_start3A_609] : memref<10128x128xf32, #tpu.memory_space<vmem_shared>> -> memref<10128x128xf32, #tpu.memory_space<vmem_shared>>
      tpu.enqueue_indirect_dma source(%arg5 : memref<128x128xf32, #tpu.memory_space<vmem>>) target(%dma_start3A_610 : memref<10128x128xf32, #tpu.memory_space<vmem_shared>>) offsets(%dma_start3A_607 : memref<128xi32, #tpu.memory_space<vmem>>) semaphore(%arg13 : memref<!tpu.dma_semaphore, #tpu.memory_space<semaphore_mem>>) {add = true}
      %scan3A_611 = arith.constant 0 : i32
      scf.yield %scan3A_611 : i32
    }
    %scan3A_270 = arith.constant 2 : i32
    %dma_wait3A_271 = arith.constant 2 : i32
    %dma_wait3A_272 = arith.constant 0 : i32
    %dma_wait3A_273 = arith.constant 0 : i32
    %dma_wait3A_274 = tpu.memref_slice %arg4[%dma_wait3A_271, %dma_wait3A_272, %dma_wait3A_273] : memref<3x8x128xi32, #tpu.memory_space<vmem>> -> memref<1x8x128xi32, #tpu.memory_space<vmem>>
    %dma_wait3A_275 = tpu.memref_squeeze %dma_wait3A_274 : memref<1x8x128xi32, #tpu.memory_space<vmem>> -> memref<8x128xi32, #tpu.memory_space<vmem>>
    %dma_wait3A_276 = arith.constant 40 : i32
    %dma_wait3A_277 = arith.constant 0 : i32
    %dma_wait3A_278 = tpu.memref_slice %arg2[%add3A, %dma_wait3A_276, %dma_wait3A_277] : memref<32x80x128xi32, #tpu.memory_space<hbm>> -> memref<1x8x128xi32, #tpu.memory_space<hbm>>
    %dma_wait3A_279 = tpu.memref_squeeze %dma_wait3A_278 : memref<1x8x128xi32, #tpu.memory_space<hbm>> -> memref<8x128xi32, #tpu.memory_space<hbm>>
    %dma_wait3A_280 = arith.constant 0 : i32
    %dma_wait3A_281 = arith.constant 0 : i32
    %dma_wait3A_282 = tpu.memref_slice %arg4[%dma_wait3A_271, %dma_wait3A_280, %dma_wait3A_281] : memref<3x8x128xi32, #tpu.memory_space<vmem>> -> memref<1x8x128xi32, #tpu.memory_space<vmem>>
    %dma_wait3A_283 = tpu.memref_squeeze %dma_wait3A_282 : memref<1x8x128xi32, #tpu.memory_space<vmem>> -> memref<8x128xi32, #tpu.memory_space<vmem>>
    %dma_wait3A_284 = arith.constant 40 : i32
    %dma_wait3A_285 = arith.constant 0 : i32
    %dma_wait3A_286 = tpu.memref_slice %arg2[%add3A, %dma_wait3A_284, %dma_wait3A_285] : memref<32x80x128xi32, #tpu.memory_space<hbm>> -> memref<1x8x128xi32, #tpu.memory_space<hbm>>
    %dma_wait3A_287 = tpu.memref_squeeze %dma_wait3A_286 : memref<1x8x128xi32, #tpu.memory_space<hbm>> -> memref<8x128xi32, #tpu.memory_space<hbm>>
    tpu.wait_dma2 semaphore(%arg9 : memref<!tpu.dma_semaphore, #tpu.memory_space<semaphore_mem>>) src(%dma_wait3A_287 : memref<8x128xi32, #tpu.memory_space<hbm>>) dst(%dma_wait3A_283 : memref<8x128xi32, #tpu.memory_space<vmem>>)
    %dma_start3A_288 = arith.constant 0 : i32
    %dma_start3A_289 = arith.constant 0 : i32
    %dma_start3A_290 = arith.constant 0 : i32
    %dma_start3A_291 = tpu.memref_slice %arg4[%dma_start3A_288, %dma_start3A_289, %dma_start3A_290] : memref<3x8x128xi32, #tpu.memory_space<vmem>> -> memref<1x8x128xi32, #tpu.memory_space<vmem>>
    %dma_start3A_292 = tpu.memref_squeeze %dma_start3A_291 : memref<1x8x128xi32, #tpu.memory_space<vmem>> -> memref<8x128xi32, #tpu.memory_space<vmem>>
    %dma_start3A_293 = arith.constant 48 : i32
    %dma_start3A_294 = arith.constant 0 : i32
    %dma_start3A_295 = tpu.memref_slice %arg2[%add3A, %dma_start3A_293, %dma_start3A_294] : memref<32x80x128xi32, #tpu.memory_space<hbm>> -> memref<1x8x128xi32, #tpu.memory_space<hbm>>
    %dma_start3A_296 = tpu.memref_squeeze %dma_start3A_295 : memref<1x8x128xi32, #tpu.memory_space<hbm>> -> memref<8x128xi32, #tpu.memory_space<hbm>>
    %dma_start3A_297 = arith.constant 0 : i32
    %dma_start3A_298 = arith.constant 0 : i32
    %dma_start3A_299 = tpu.memref_slice %arg4[%dma_start3A_288, %dma_start3A_297, %dma_start3A_298] : memref<3x8x128xi32, #tpu.memory_space<vmem>> -> memref<1x8x128xi32, #tpu.memory_space<vmem>>
    %dma_start3A_300 = tpu.memref_squeeze %dma_start3A_299 : memref<1x8x128xi32, #tpu.memory_space<vmem>> -> memref<8x128xi32, #tpu.memory_space<vmem>>
    %dma_start3A_301 = arith.constant 48 : i32
    %dma_start3A_302 = arith.constant 0 : i32
    %dma_start3A_303 = tpu.memref_slice %arg2[%add3A, %dma_start3A_301, %dma_start3A_302] : memref<32x80x128xi32, #tpu.memory_space<hbm>> -> memref<1x8x128xi32, #tpu.memory_space<hbm>>
    %dma_start3A_304 = tpu.memref_squeeze %dma_start3A_303 : memref<1x8x128xi32, #tpu.memory_space<hbm>> -> memref<8x128xi32, #tpu.memory_space<hbm>>
    tpu.enqueue_dma source(%dma_start3A_304 : memref<8x128xi32, #tpu.memory_space<hbm>>) target(%dma_start3A_300 : memref<8x128xi32, #tpu.memory_space<vmem>>) target_semaphore(%arg7 : memref<!tpu.dma_semaphore, #tpu.memory_space<semaphore_mem>>)
    %scan3A_305 = arith.constant 0 : i32
    %scan3A_306 = arith.constant 0 : i32
    %scan3A_307 = arith.constant 2 : i32
    %scan3A_308 = arith.addi %scan3A_306, %scan3A_307 : i32
    %scan3A_309 = arith.constant 1 : i32
    %scan3A_310 = scf.for %scan3A_532 = %scan3A_306 to %scan3A_308 step %scan3A_309 iter_args(%scan3A_533 = %scan3A_305) -> (i32)  : i32 {
      %mul3A_534 = arith.constant 4 : i32
      %mul3A_535 = arith.muli %mul3A_534, %scan3A_532 : i32
      %add3A_536 = arith.constant 40 : i32
      %add3A_537 = arith.addi %add3A_536, %mul3A_535 : i32
      %add3A_538 = arith.constant 0 : i32
      %add3A_539 = arith.addi %add3A_537, %add3A_538 : i32
      %ge3A = arith.constant 4 : i32
      %ge3A_540 = arith.cmpi sge, %add3A_539, %ge3A : i32
      %convert_element_type3A_541 = arith.extui %ge3A_540 : i1 to i32
      %cond3A_542 = arith.constant 0 : i32
      %cond3A_543 = arith.cmpi ne, %convert_element_type3A_541, %cond3A_542 : i32
      scf.if %cond3A_543 {
        %sub3A = arith.constant 4 : i32
        %sub3A_612 = arith.subi %add3A_539, %sub3A : i32
        %rem3A_613 = arith.constant 8 : i32
        %rem3A_614 = arith.remsi %sub3A_612, %rem3A_613 : i32
        %div3A_615 = arith.constant 8 : i32
        %div3A_616 = arith.divsi %sub3A_612, %div3A_615 : i32
        %rem3A_617 = arith.constant 3 : i32
        %rem3A_618 = arith.remsi %div3A_616, %rem3A_617 : i32
        %dma_wait3A_619 = arith.constant 0 : i32
        %dma_wait3A_620 = tpu.memref_slice %arg4[%rem3A_618, %rem3A_614, %dma_wait3A_619] : memref<3x8x128xi32, #tpu.memory_space<vmem>> -> memref<1x1x128xi32, #tpu.memory_space<vmem>>
        %dma_wait3A_621 = tpu.memref_squeeze %dma_wait3A_620 : memref<1x1x128xi32, #tpu.memory_space<vmem>> -> memref<128xi32, #tpu.memory_space<vmem>>
        %dma_wait3A_622 = arith.constant 0 : i32
        %dma_wait3A_623 = arith.constant 0 : i32
        %dma_wait3A_624 = tpu.memref_slice %arg6[%dma_wait3A_622, %dma_wait3A_623] : memref<10128x128xf32, #tpu.memory_space<vmem_shared>> -> memref<10128x128xf32, #tpu.memory_space<vmem_shared>>
        tpu.wait_indirect_dma semaphore(%arg10 : memref<!tpu.dma_semaphore, #tpu.memory_space<semaphore_mem>>) src(%arg5 : memref<128x128xf32, #tpu.memory_space<vmem>>) dst(%dma_wait3A_624 : memref<10128x128xf32, #tpu.memory_space<vmem_shared>>)
      } else {
      }
      %rem3A = arith.constant 8 : i32
      %rem3A_544 = arith.remsi %add3A_539, %rem3A : i32
      %div3A = arith.constant 8 : i32
      %div3A_545 = arith.divsi %add3A_539, %div3A : i32
      %rem3A_546 = arith.constant 3 : i32
      %rem3A_547 = arith.remsi %div3A_545, %rem3A_546 : i32
      %dma_start3A_548 = arith.constant 0 : i32
      %dma_start3A_549 = tpu.memref_slice %arg4[%rem3A_547, %rem3A_544, %dma_start3A_548] : memref<3x8x128xi32, #tpu.memory_space<vmem>> -> memref<1x1x128xi32, #tpu.memory_space<vmem>>
      %dma_start3A_550 = tpu.memref_squeeze %dma_start3A_549 : memref<1x1x128xi32, #tpu.memory_space<vmem>> -> memref<128xi32, #tpu.memory_space<vmem>>
      %dma_start3A_551 = arith.constant 0 : i32
      %dma_start3A_552 = arith.constant 0 : i32
      %dma_start3A_553 = tpu.memref_slice %arg6[%dma_start3A_551, %dma_start3A_552] : memref<10128x128xf32, #tpu.memory_space<vmem_shared>> -> memref<10128x128xf32, #tpu.memory_space<vmem_shared>>
      tpu.enqueue_indirect_dma source(%arg5 : memref<128x128xf32, #tpu.memory_space<vmem>>) target(%dma_start3A_553 : memref<10128x128xf32, #tpu.memory_space<vmem_shared>>) offsets(%dma_start3A_550 : memref<128xi32, #tpu.memory_space<vmem>>) semaphore(%arg10 : memref<!tpu.dma_semaphore, #tpu.memory_space<semaphore_mem>>) {add = true}
      %add3A_554 = arith.constant 1 : i32
      %add3A_555 = arith.addi %add3A_537, %add3A_554 : i32
      %ge3A_556 = arith.constant 4 : i32
      %ge3A_557 = arith.cmpi sge, %add3A_555, %ge3A_556 : i32
      %convert_element_type3A_558 = arith.extui %ge3A_557 : i1 to i32
      %cond3A_559 = arith.constant 0 : i32
      %cond3A_560 = arith.cmpi ne, %convert_element_type3A_558, %cond3A_559 : i32
      scf.if %cond3A_560 {
        %sub3A = arith.constant 4 : i32
        %sub3A_612 = arith.subi %add3A_555, %sub3A : i32
        %rem3A_613 = arith.constant 8 : i32
        %rem3A_614 = arith.remsi %sub3A_612, %rem3A_613 : i32
        %div3A_615 = arith.constant 8 : i32
        %div3A_616 = arith.divsi %sub3A_612, %div3A_615 : i32
        %rem3A_617 = arith.constant 3 : i32
        %rem3A_618 = arith.remsi %div3A_616, %rem3A_617 : i32
        %dma_wait3A_619 = arith.constant 0 : i32
        %dma_wait3A_620 = tpu.memref_slice %arg4[%rem3A_618, %rem3A_614, %dma_wait3A_619] : memref<3x8x128xi32, #tpu.memory_space<vmem>> -> memref<1x1x128xi32, #tpu.memory_space<vmem>>
        %dma_wait3A_621 = tpu.memref_squeeze %dma_wait3A_620 : memref<1x1x128xi32, #tpu.memory_space<vmem>> -> memref<128xi32, #tpu.memory_space<vmem>>
        %dma_wait3A_622 = arith.constant 0 : i32
        %dma_wait3A_623 = arith.constant 0 : i32
        %dma_wait3A_624 = tpu.memref_slice %arg6[%dma_wait3A_622, %dma_wait3A_623] : memref<10128x128xf32, #tpu.memory_space<vmem_shared>> -> memref<10128x128xf32, #tpu.memory_space<vmem_shared>>
        tpu.wait_indirect_dma semaphore(%arg11 : memref<!tpu.dma_semaphore, #tpu.memory_space<semaphore_mem>>) src(%arg5 : memref<128x128xf32, #tpu.memory_space<vmem>>) dst(%dma_wait3A_624 : memref<10128x128xf32, #tpu.memory_space<vmem_shared>>)
      } else {
      }
      %rem3A_561 = arith.constant 8 : i32
      %rem3A_562 = arith.remsi %add3A_555, %rem3A_561 : i32
      %div3A_563 = arith.constant 8 : i32
      %div3A_564 = arith.divsi %add3A_555, %div3A_563 : i32
      %rem3A_565 = arith.constant 3 : i32
      %rem3A_566 = arith.remsi %div3A_564, %rem3A_565 : i32
      %dma_start3A_567 = arith.constant 0 : i32
      %dma_start3A_568 = tpu.memref_slice %arg4[%rem3A_566, %rem3A_562, %dma_start3A_567] : memref<3x8x128xi32, #tpu.memory_space<vmem>> -> memref<1x1x128xi32, #tpu.memory_space<vmem>>
      %dma_start3A_569 = tpu.memref_squeeze %dma_start3A_568 : memref<1x1x128xi32, #tpu.memory_space<vmem>> -> memref<128xi32, #tpu.memory_space<vmem>>
      %dma_start3A_570 = arith.constant 0 : i32
      %dma_start3A_571 = arith.constant 0 : i32
      %dma_start3A_572 = tpu.memref_slice %arg6[%dma_start3A_570, %dma_start3A_571] : memref<10128x128xf32, #tpu.memory_space<vmem_shared>> -> memref<10128x128xf32, #tpu.memory_space<vmem_shared>>
      tpu.enqueue_indirect_dma source(%arg5 : memref<128x128xf32, #tpu.memory_space<vmem>>) target(%dma_start3A_572 : memref<10128x128xf32, #tpu.memory_space<vmem_shared>>) offsets(%dma_start3A_569 : memref<128xi32, #tpu.memory_space<vmem>>) semaphore(%arg11 : memref<!tpu.dma_semaphore, #tpu.memory_space<semaphore_mem>>) {add = true}
      %add3A_573 = arith.constant 2 : i32
      %add3A_574 = arith.addi %add3A_537, %add3A_573 : i32
      %ge3A_575 = arith.constant 4 : i32
      %ge3A_576 = arith.cmpi sge, %add3A_574, %ge3A_575 : i32
      %convert_element_type3A_577 = arith.extui %ge3A_576 : i1 to i32
      %cond3A_578 = arith.constant 0 : i32
      %cond3A_579 = arith.cmpi ne, %convert_element_type3A_577, %cond3A_578 : i32
      scf.if %cond3A_579 {
        %sub3A = arith.constant 4 : i32
        %sub3A_612 = arith.subi %add3A_574, %sub3A : i32
        %rem3A_613 = arith.constant 8 : i32
        %rem3A_614 = arith.remsi %sub3A_612, %rem3A_613 : i32
        %div3A_615 = arith.constant 8 : i32
        %div3A_616 = arith.divsi %sub3A_612, %div3A_615 : i32
        %rem3A_617 = arith.constant 3 : i32
        %rem3A_618 = arith.remsi %div3A_616, %rem3A_617 : i32
        %dma_wait3A_619 = arith.constant 0 : i32
        %dma_wait3A_620 = tpu.memref_slice %arg4[%rem3A_618, %rem3A_614, %dma_wait3A_619] : memref<3x8x128xi32, #tpu.memory_space<vmem>> -> memref<1x1x128xi32, #tpu.memory_space<vmem>>
        %dma_wait3A_621 = tpu.memref_squeeze %dma_wait3A_620 : memref<1x1x128xi32, #tpu.memory_space<vmem>> -> memref<128xi32, #tpu.memory_space<vmem>>
        %dma_wait3A_622 = arith.constant 0 : i32
        %dma_wait3A_623 = arith.constant 0 : i32
        %dma_wait3A_624 = tpu.memref_slice %arg6[%dma_wait3A_622, %dma_wait3A_623] : memref<10128x128xf32, #tpu.memory_space<vmem_shared>> -> memref<10128x128xf32, #tpu.memory_space<vmem_shared>>
        tpu.wait_indirect_dma semaphore(%arg12 : memref<!tpu.dma_semaphore, #tpu.memory_space<semaphore_mem>>) src(%arg5 : memref<128x128xf32, #tpu.memory_space<vmem>>) dst(%dma_wait3A_624 : memref<10128x128xf32, #tpu.memory_space<vmem_shared>>)
      } else {
      }
      %rem3A_580 = arith.constant 8 : i32
      %rem3A_581 = arith.remsi %add3A_574, %rem3A_580 : i32
      %div3A_582 = arith.constant 8 : i32
      %div3A_583 = arith.divsi %add3A_574, %div3A_582 : i32
      %rem3A_584 = arith.constant 3 : i32
      %rem3A_585 = arith.remsi %div3A_583, %rem3A_584 : i32
      %dma_start3A_586 = arith.constant 0 : i32
      %dma_start3A_587 = tpu.memref_slice %arg4[%rem3A_585, %rem3A_581, %dma_start3A_586] : memref<3x8x128xi32, #tpu.memory_space<vmem>> -> memref<1x1x128xi32, #tpu.memory_space<vmem>>
      %dma_start3A_588 = tpu.memref_squeeze %dma_start3A_587 : memref<1x1x128xi32, #tpu.memory_space<vmem>> -> memref<128xi32, #tpu.memory_space<vmem>>
      %dma_start3A_589 = arith.constant 0 : i32
      %dma_start3A_590 = arith.constant 0 : i32
      %dma_start3A_591 = tpu.memref_slice %arg6[%dma_start3A_589, %dma_start3A_590] : memref<10128x128xf32, #tpu.memory_space<vmem_shared>> -> memref<10128x128xf32, #tpu.memory_space<vmem_shared>>
      tpu.enqueue_indirect_dma source(%arg5 : memref<128x128xf32, #tpu.memory_space<vmem>>) target(%dma_start3A_591 : memref<10128x128xf32, #tpu.memory_space<vmem_shared>>) offsets(%dma_start3A_588 : memref<128xi32, #tpu.memory_space<vmem>>) semaphore(%arg12 : memref<!tpu.dma_semaphore, #tpu.memory_space<semaphore_mem>>) {add = true}
      %add3A_592 = arith.constant 3 : i32
      %add3A_593 = arith.addi %add3A_537, %add3A_592 : i32
      %ge3A_594 = arith.constant 4 : i32
      %ge3A_595 = arith.cmpi sge, %add3A_593, %ge3A_594 : i32
      %convert_element_type3A_596 = arith.extui %ge3A_595 : i1 to i32
      %cond3A_597 = arith.constant 0 : i32
      %cond3A_598 = arith.cmpi ne, %convert_element_type3A_596, %cond3A_597 : i32
      scf.if %cond3A_598 {
        %sub3A = arith.constant 4 : i32
        %sub3A_612 = arith.subi %add3A_593, %sub3A : i32
        %rem3A_613 = arith.constant 8 : i32
        %rem3A_614 = arith.remsi %sub3A_612, %rem3A_613 : i32
        %div3A_615 = arith.constant 8 : i32
        %div3A_616 = arith.divsi %sub3A_612, %div3A_615 : i32
        %rem3A_617 = arith.constant 3 : i32
        %rem3A_618 = arith.remsi %div3A_616, %rem3A_617 : i32
        %dma_wait3A_619 = arith.constant 0 : i32
        %dma_wait3A_620 = tpu.memref_slice %arg4[%rem3A_618, %rem3A_614, %dma_wait3A_619] : memref<3x8x128xi32, #tpu.memory_space<vmem>> -> memref<1x1x128xi32, #tpu.memory_space<vmem>>
        %dma_wait3A_621 = tpu.memref_squeeze %dma_wait3A_620 : memref<1x1x128xi32, #tpu.memory_space<vmem>> -> memref<128xi32, #tpu.memory_space<vmem>>
        %dma_wait3A_622 = arith.constant 0 : i32
        %dma_wait3A_623 = arith.constant 0 : i32
        %dma_wait3A_624 = tpu.memref_slice %arg6[%dma_wait3A_622, %dma_wait3A_623] : memref<10128x128xf32, #tpu.memory_space<vmem_shared>> -> memref<10128x128xf32, #tpu.memory_space<vmem_shared>>
        tpu.wait_indirect_dma semaphore(%arg13 : memref<!tpu.dma_semaphore, #tpu.memory_space<semaphore_mem>>) src(%arg5 : memref<128x128xf32, #tpu.memory_space<vmem>>) dst(%dma_wait3A_624 : memref<10128x128xf32, #tpu.memory_space<vmem_shared>>)
      } else {
      }
      %rem3A_599 = arith.constant 8 : i32
      %rem3A_600 = arith.remsi %add3A_593, %rem3A_599 : i32
      %div3A_601 = arith.constant 8 : i32
      %div3A_602 = arith.divsi %add3A_593, %div3A_601 : i32
      %rem3A_603 = arith.constant 3 : i32
      %rem3A_604 = arith.remsi %div3A_602, %rem3A_603 : i32
      %dma_start3A_605 = arith.constant 0 : i32
      %dma_start3A_606 = tpu.memref_slice %arg4[%rem3A_604, %rem3A_600, %dma_start3A_605] : memref<3x8x128xi32, #tpu.memory_space<vmem>> -> memref<1x1x128xi32, #tpu.memory_space<vmem>>
      %dma_start3A_607 = tpu.memref_squeeze %dma_start3A_606 : memref<1x1x128xi32, #tpu.memory_space<vmem>> -> memref<128xi32, #tpu.memory_space<vmem>>
      %dma_start3A_608 = arith.constant 0 : i32
      %dma_start3A_609 = arith.constant 0 : i32
      %dma_start3A_610 = tpu.memref_slice %arg6[%dma_start3A_608, %dma_start3A_609] : memref<10128x128xf32, #tpu.memory_space<vmem_shared>> -> memref<10128x128xf32, #tpu.memory_space<vmem_shared>>
      tpu.enqueue_indirect_dma source(%arg5 : memref<128x128xf32, #tpu.memory_space<vmem>>) target(%dma_start3A_610 : memref<10128x128xf32, #tpu.memory_space<vmem_shared>>) offsets(%dma_start3A_607 : memref<128xi32, #tpu.memory_space<vmem>>) semaphore(%arg13 : memref<!tpu.dma_semaphore, #tpu.memory_space<semaphore_mem>>) {add = true}
      %scan3A_611 = arith.constant 0 : i32
      scf.yield %scan3A_611 : i32
    }
    %scan3A_311 = arith.constant 2 : i32
    %dma_wait3A_312 = arith.constant 0 : i32
    %dma_wait3A_313 = arith.constant 0 : i32
    %dma_wait3A_314 = arith.constant 0 : i32
    %dma_wait3A_315 = tpu.memref_slice %arg4[%dma_wait3A_312, %dma_wait3A_313, %dma_wait3A_314] : memref<3x8x128xi32, #tpu.memory_space<vmem>> -> memref<1x8x128xi32, #tpu.memory_space<vmem>>
    %dma_wait3A_316 = tpu.memref_squeeze %dma_wait3A_315 : memref<1x8x128xi32, #tpu.memory_space<vmem>> -> memref<8x128xi32, #tpu.memory_space<vmem>>
    %dma_wait3A_317 = arith.constant 48 : i32
    %dma_wait3A_318 = arith.constant 0 : i32
    %dma_wait3A_319 = tpu.memref_slice %arg2[%add3A, %dma_wait3A_317, %dma_wait3A_318] : memref<32x80x128xi32, #tpu.memory_space<hbm>> -> memref<1x8x128xi32, #tpu.memory_space<hbm>>
    %dma_wait3A_320 = tpu.memref_squeeze %dma_wait3A_319 : memref<1x8x128xi32, #tpu.memory_space<hbm>> -> memref<8x128xi32, #tpu.memory_space<hbm>>
    %dma_wait3A_321 = arith.constant 0 : i32
    %dma_wait3A_322 = arith.constant 0 : i32
    %dma_wait3A_323 = tpu.memref_slice %arg4[%dma_wait3A_312, %dma_wait3A_321, %dma_wait3A_322] : memref<3x8x128xi32, #tpu.memory_space<vmem>> -> memref<1x8x128xi32, #tpu.memory_space<vmem>>
    %dma_wait3A_324 = tpu.memref_squeeze %dma_wait3A_323 : memref<1x8x128xi32, #tpu.memory_space<vmem>> -> memref<8x128xi32, #tpu.memory_space<vmem>>
    %dma_wait3A_325 = arith.constant 48 : i32
    %dma_wait3A_326 = arith.constant 0 : i32
    %dma_wait3A_327 = tpu.memref_slice %arg2[%add3A, %dma_wait3A_325, %dma_wait3A_326] : memref<32x80x128xi32, #tpu.memory_space<hbm>> -> memref<1x8x128xi32, #tpu.memory_space<hbm>>
    %dma_wait3A_328 = tpu.memref_squeeze %dma_wait3A_327 : memref<1x8x128xi32, #tpu.memory_space<hbm>> -> memref<8x128xi32, #tpu.memory_space<hbm>>
    tpu.wait_dma2 semaphore(%arg7 : memref<!tpu.dma_semaphore, #tpu.memory_space<semaphore_mem>>) src(%dma_wait3A_328 : memref<8x128xi32, #tpu.memory_space<hbm>>) dst(%dma_wait3A_324 : memref<8x128xi32, #tpu.memory_space<vmem>>)
    %dma_start3A_329 = arith.constant 1 : i32
    %dma_start3A_330 = arith.constant 0 : i32
    %dma_start3A_331 = arith.constant 0 : i32
    %dma_start3A_332 = tpu.memref_slice %arg4[%dma_start3A_329, %dma_start3A_330, %dma_start3A_331] : memref<3x8x128xi32, #tpu.memory_space<vmem>> -> memref<1x8x128xi32, #tpu.memory_space<vmem>>
    %dma_start3A_333 = tpu.memref_squeeze %dma_start3A_332 : memref<1x8x128xi32, #tpu.memory_space<vmem>> -> memref<8x128xi32, #tpu.memory_space<vmem>>
    %dma_start3A_334 = arith.constant 56 : i32
    %dma_start3A_335 = arith.constant 0 : i32
    %dma_start3A_336 = tpu.memref_slice %arg2[%add3A, %dma_start3A_334, %dma_start3A_335] : memref<32x80x128xi32, #tpu.memory_space<hbm>> -> memref<1x8x128xi32, #tpu.memory_space<hbm>>
    %dma_start3A_337 = tpu.memref_squeeze %dma_start3A_336 : memref<1x8x128xi32, #tpu.memory_space<hbm>> -> memref<8x128xi32, #tpu.memory_space<hbm>>
    %dma_start3A_338 = arith.constant 0 : i32
    %dma_start3A_339 = arith.constant 0 : i32
    %dma_start3A_340 = tpu.memref_slice %arg4[%dma_start3A_329, %dma_start3A_338, %dma_start3A_339] : memref<3x8x128xi32, #tpu.memory_space<vmem>> -> memref<1x8x128xi32, #tpu.memory_space<vmem>>
    %dma_start3A_341 = tpu.memref_squeeze %dma_start3A_340 : memref<1x8x128xi32, #tpu.memory_space<vmem>> -> memref<8x128xi32, #tpu.memory_space<vmem>>
    %dma_start3A_342 = arith.constant 56 : i32
    %dma_start3A_343 = arith.constant 0 : i32
    %dma_start3A_344 = tpu.memref_slice %arg2[%add3A, %dma_start3A_342, %dma_start3A_343] : memref<32x80x128xi32, #tpu.memory_space<hbm>> -> memref<1x8x128xi32, #tpu.memory_space<hbm>>
    %dma_start3A_345 = tpu.memref_squeeze %dma_start3A_344 : memref<1x8x128xi32, #tpu.memory_space<hbm>> -> memref<8x128xi32, #tpu.memory_space<hbm>>
    tpu.enqueue_dma source(%dma_start3A_345 : memref<8x128xi32, #tpu.memory_space<hbm>>) target(%dma_start3A_341 : memref<8x128xi32, #tpu.memory_space<vmem>>) target_semaphore(%arg8 : memref<!tpu.dma_semaphore, #tpu.memory_space<semaphore_mem>>)
    %scan3A_346 = arith.constant 0 : i32
    %scan3A_347 = arith.constant 0 : i32
    %scan3A_348 = arith.constant 2 : i32
    %scan3A_349 = arith.addi %scan3A_347, %scan3A_348 : i32
    %scan3A_350 = arith.constant 1 : i32
    %scan3A_351 = scf.for %scan3A_532 = %scan3A_347 to %scan3A_349 step %scan3A_350 iter_args(%scan3A_533 = %scan3A_346) -> (i32)  : i32 {
      %mul3A_534 = arith.constant 4 : i32
      %mul3A_535 = arith.muli %mul3A_534, %scan3A_532 : i32
      %add3A_536 = arith.constant 48 : i32
      %add3A_537 = arith.addi %add3A_536, %mul3A_535 : i32
      %add3A_538 = arith.constant 0 : i32
      %add3A_539 = arith.addi %add3A_537, %add3A_538 : i32
      %ge3A = arith.constant 4 : i32
      %ge3A_540 = arith.cmpi sge, %add3A_539, %ge3A : i32
      %convert_element_type3A_541 = arith.extui %ge3A_540 : i1 to i32
      %cond3A_542 = arith.constant 0 : i32
      %cond3A_543 = arith.cmpi ne, %convert_element_type3A_541, %cond3A_542 : i32
      scf.if %cond3A_543 {
        %sub3A = arith.constant 4 : i32
        %sub3A_612 = arith.subi %add3A_539, %sub3A : i32
        %rem3A_613 = arith.constant 8 : i32
        %rem3A_614 = arith.remsi %sub3A_612, %rem3A_613 : i32
        %div3A_615 = arith.constant 8 : i32
        %div3A_616 = arith.divsi %sub3A_612, %div3A_615 : i32
        %rem3A_617 = arith.constant 3 : i32
        %rem3A_618 = arith.remsi %div3A_616, %rem3A_617 : i32
        %dma_wait3A_619 = arith.constant 0 : i32
        %dma_wait3A_620 = tpu.memref_slice %arg4[%rem3A_618, %rem3A_614, %dma_wait3A_619] : memref<3x8x128xi32, #tpu.memory_space<vmem>> -> memref<1x1x128xi32, #tpu.memory_space<vmem>>
        %dma_wait3A_621 = tpu.memref_squeeze %dma_wait3A_620 : memref<1x1x128xi32, #tpu.memory_space<vmem>> -> memref<128xi32, #tpu.memory_space<vmem>>
        %dma_wait3A_622 = arith.constant 0 : i32
        %dma_wait3A_623 = arith.constant 0 : i32
        %dma_wait3A_624 = tpu.memref_slice %arg6[%dma_wait3A_622, %dma_wait3A_623] : memref<10128x128xf32, #tpu.memory_space<vmem_shared>> -> memref<10128x128xf32, #tpu.memory_space<vmem_shared>>
        tpu.wait_indirect_dma semaphore(%arg10 : memref<!tpu.dma_semaphore, #tpu.memory_space<semaphore_mem>>) src(%arg5 : memref<128x128xf32, #tpu.memory_space<vmem>>) dst(%dma_wait3A_624 : memref<10128x128xf32, #tpu.memory_space<vmem_shared>>)
      } else {
      }
      %rem3A = arith.constant 8 : i32
      %rem3A_544 = arith.remsi %add3A_539, %rem3A : i32
      %div3A = arith.constant 8 : i32
      %div3A_545 = arith.divsi %add3A_539, %div3A : i32
      %rem3A_546 = arith.constant 3 : i32
      %rem3A_547 = arith.remsi %div3A_545, %rem3A_546 : i32
      %dma_start3A_548 = arith.constant 0 : i32
      %dma_start3A_549 = tpu.memref_slice %arg4[%rem3A_547, %rem3A_544, %dma_start3A_548] : memref<3x8x128xi32, #tpu.memory_space<vmem>> -> memref<1x1x128xi32, #tpu.memory_space<vmem>>
      %dma_start3A_550 = tpu.memref_squeeze %dma_start3A_549 : memref<1x1x128xi32, #tpu.memory_space<vmem>> -> memref<128xi32, #tpu.memory_space<vmem>>
      %dma_start3A_551 = arith.constant 0 : i32
      %dma_start3A_552 = arith.constant 0 : i32
      %dma_start3A_553 = tpu.memref_slice %arg6[%dma_start3A_551, %dma_start3A_552] : memref<10128x128xf32, #tpu.memory_space<vmem_shared>> -> memref<10128x128xf32, #tpu.memory_space<vmem_shared>>
      tpu.enqueue_indirect_dma source(%arg5 : memref<128x128xf32, #tpu.memory_space<vmem>>) target(%dma_start3A_553 : memref<10128x128xf32, #tpu.memory_space<vmem_shared>>) offsets(%dma_start3A_550 : memref<128xi32, #tpu.memory_space<vmem>>) semaphore(%arg10 : memref<!tpu.dma_semaphore, #tpu.memory_space<semaphore_mem>>) {add = true}
      %add3A_554 = arith.constant 1 : i32
      %add3A_555 = arith.addi %add3A_537, %add3A_554 : i32
      %ge3A_556 = arith.constant 4 : i32
      %ge3A_557 = arith.cmpi sge, %add3A_555, %ge3A_556 : i32
      %convert_element_type3A_558 = arith.extui %ge3A_557 : i1 to i32
      %cond3A_559 = arith.constant 0 : i32
      %cond3A_560 = arith.cmpi ne, %convert_element_type3A_558, %cond3A_559 : i32
      scf.if %cond3A_560 {
        %sub3A = arith.constant 4 : i32
        %sub3A_612 = arith.subi %add3A_555, %sub3A : i32
        %rem3A_613 = arith.constant 8 : i32
        %rem3A_614 = arith.remsi %sub3A_612, %rem3A_613 : i32
        %div3A_615 = arith.constant 8 : i32
        %div3A_616 = arith.divsi %sub3A_612, %div3A_615 : i32
        %rem3A_617 = arith.constant 3 : i32
        %rem3A_618 = arith.remsi %div3A_616, %rem3A_617 : i32
        %dma_wait3A_619 = arith.constant 0 : i32
        %dma_wait3A_620 = tpu.memref_slice %arg4[%rem3A_618, %rem3A_614, %dma_wait3A_619] : memref<3x8x128xi32, #tpu.memory_space<vmem>> -> memref<1x1x128xi32, #tpu.memory_space<vmem>>
        %dma_wait3A_621 = tpu.memref_squeeze %dma_wait3A_620 : memref<1x1x128xi32, #tpu.memory_space<vmem>> -> memref<128xi32, #tpu.memory_space<vmem>>
        %dma_wait3A_622 = arith.constant 0 : i32
        %dma_wait3A_623 = arith.constant 0 : i32
        %dma_wait3A_624 = tpu.memref_slice %arg6[%dma_wait3A_622, %dma_wait3A_623] : memref<10128x128xf32, #tpu.memory_space<vmem_shared>> -> memref<10128x128xf32, #tpu.memory_space<vmem_shared>>
        tpu.wait_indirect_dma semaphore(%arg11 : memref<!tpu.dma_semaphore, #tpu.memory_space<semaphore_mem>>) src(%arg5 : memref<128x128xf32, #tpu.memory_space<vmem>>) dst(%dma_wait3A_624 : memref<10128x128xf32, #tpu.memory_space<vmem_shared>>)
      } else {
      }
      %rem3A_561 = arith.constant 8 : i32
      %rem3A_562 = arith.remsi %add3A_555, %rem3A_561 : i32
      %div3A_563 = arith.constant 8 : i32
      %div3A_564 = arith.divsi %add3A_555, %div3A_563 : i32
      %rem3A_565 = arith.constant 3 : i32
      %rem3A_566 = arith.remsi %div3A_564, %rem3A_565 : i32
      %dma_start3A_567 = arith.constant 0 : i32
      %dma_start3A_568 = tpu.memref_slice %arg4[%rem3A_566, %rem3A_562, %dma_start3A_567] : memref<3x8x128xi32, #tpu.memory_space<vmem>> -> memref<1x1x128xi32, #tpu.memory_space<vmem>>
      %dma_start3A_569 = tpu.memref_squeeze %dma_start3A_568 : memref<1x1x128xi32, #tpu.memory_space<vmem>> -> memref<128xi32, #tpu.memory_space<vmem>>
      %dma_start3A_570 = arith.constant 0 : i32
      %dma_start3A_571 = arith.constant 0 : i32
      %dma_start3A_572 = tpu.memref_slice %arg6[%dma_start3A_570, %dma_start3A_571] : memref<10128x128xf32, #tpu.memory_space<vmem_shared>> -> memref<10128x128xf32, #tpu.memory_space<vmem_shared>>
      tpu.enqueue_indirect_dma source(%arg5 : memref<128x128xf32, #tpu.memory_space<vmem>>) target(%dma_start3A_572 : memref<10128x128xf32, #tpu.memory_space<vmem_shared>>) offsets(%dma_start3A_569 : memref<128xi32, #tpu.memory_space<vmem>>) semaphore(%arg11 : memref<!tpu.dma_semaphore, #tpu.memory_space<semaphore_mem>>) {add = true}
      %add3A_573 = arith.constant 2 : i32
      %add3A_574 = arith.addi %add3A_537, %add3A_573 : i32
      %ge3A_575 = arith.constant 4 : i32
      %ge3A_576 = arith.cmpi sge, %add3A_574, %ge3A_575 : i32
      %convert_element_type3A_577 = arith.extui %ge3A_576 : i1 to i32
      %cond3A_578 = arith.constant 0 : i32
      %cond3A_579 = arith.cmpi ne, %convert_element_type3A_577, %cond3A_578 : i32
      scf.if %cond3A_579 {
        %sub3A = arith.constant 4 : i32
        %sub3A_612 = arith.subi %add3A_574, %sub3A : i32
        %rem3A_613 = arith.constant 8 : i32
        %rem3A_614 = arith.remsi %sub3A_612, %rem3A_613 : i32
        %div3A_615 = arith.constant 8 : i32
        %div3A_616 = arith.divsi %sub3A_612, %div3A_615 : i32
        %rem3A_617 = arith.constant 3 : i32
        %rem3A_618 = arith.remsi %div3A_616, %rem3A_617 : i32
        %dma_wait3A_619 = arith.constant 0 : i32
        %dma_wait3A_620 = tpu.memref_slice %arg4[%rem3A_618, %rem3A_614, %dma_wait3A_619] : memref<3x8x128xi32, #tpu.memory_space<vmem>> -> memref<1x1x128xi32, #tpu.memory_space<vmem>>
        %dma_wait3A_621 = tpu.memref_squeeze %dma_wait3A_620 : memref<1x1x128xi32, #tpu.memory_space<vmem>> -> memref<128xi32, #tpu.memory_space<vmem>>
        %dma_wait3A_622 = arith.constant 0 : i32
        %dma_wait3A_623 = arith.constant 0 : i32
        %dma_wait3A_624 = tpu.memref_slice %arg6[%dma_wait3A_622, %dma_wait3A_623] : memref<10128x128xf32, #tpu.memory_space<vmem_shared>> -> memref<10128x128xf32, #tpu.memory_space<vmem_shared>>
        tpu.wait_indirect_dma semaphore(%arg12 : memref<!tpu.dma_semaphore, #tpu.memory_space<semaphore_mem>>) src(%arg5 : memref<128x128xf32, #tpu.memory_space<vmem>>) dst(%dma_wait3A_624 : memref<10128x128xf32, #tpu.memory_space<vmem_shared>>)
      } else {
      }
      %rem3A_580 = arith.constant 8 : i32
      %rem3A_581 = arith.remsi %add3A_574, %rem3A_580 : i32
      %div3A_582 = arith.constant 8 : i32
      %div3A_583 = arith.divsi %add3A_574, %div3A_582 : i32
      %rem3A_584 = arith.constant 3 : i32
      %rem3A_585 = arith.remsi %div3A_583, %rem3A_584 : i32
      %dma_start3A_586 = arith.constant 0 : i32
      %dma_start3A_587 = tpu.memref_slice %arg4[%rem3A_585, %rem3A_581, %dma_start3A_586] : memref<3x8x128xi32, #tpu.memory_space<vmem>> -> memref<1x1x128xi32, #tpu.memory_space<vmem>>
      %dma_start3A_588 = tpu.memref_squeeze %dma_start3A_587 : memref<1x1x128xi32, #tpu.memory_space<vmem>> -> memref<128xi32, #tpu.memory_space<vmem>>
      %dma_start3A_589 = arith.constant 0 : i32
      %dma_start3A_590 = arith.constant 0 : i32
      %dma_start3A_591 = tpu.memref_slice %arg6[%dma_start3A_589, %dma_start3A_590] : memref<10128x128xf32, #tpu.memory_space<vmem_shared>> -> memref<10128x128xf32, #tpu.memory_space<vmem_shared>>
      tpu.enqueue_indirect_dma source(%arg5 : memref<128x128xf32, #tpu.memory_space<vmem>>) target(%dma_start3A_591 : memref<10128x128xf32, #tpu.memory_space<vmem_shared>>) offsets(%dma_start3A_588 : memref<128xi32, #tpu.memory_space<vmem>>) semaphore(%arg12 : memref<!tpu.dma_semaphore, #tpu.memory_space<semaphore_mem>>) {add = true}
      %add3A_592 = arith.constant 3 : i32
      %add3A_593 = arith.addi %add3A_537, %add3A_592 : i32
      %ge3A_594 = arith.constant 4 : i32
      %ge3A_595 = arith.cmpi sge, %add3A_593, %ge3A_594 : i32
      %convert_element_type3A_596 = arith.extui %ge3A_595 : i1 to i32
      %cond3A_597 = arith.constant 0 : i32
      %cond3A_598 = arith.cmpi ne, %convert_element_type3A_596, %cond3A_597 : i32
      scf.if %cond3A_598 {
        %sub3A = arith.constant 4 : i32
        %sub3A_612 = arith.subi %add3A_593, %sub3A : i32
        %rem3A_613 = arith.constant 8 : i32
        %rem3A_614 = arith.remsi %sub3A_612, %rem3A_613 : i32
        %div3A_615 = arith.constant 8 : i32
        %div3A_616 = arith.divsi %sub3A_612, %div3A_615 : i32
        %rem3A_617 = arith.constant 3 : i32
        %rem3A_618 = arith.remsi %div3A_616, %rem3A_617 : i32
        %dma_wait3A_619 = arith.constant 0 : i32
        %dma_wait3A_620 = tpu.memref_slice %arg4[%rem3A_618, %rem3A_614, %dma_wait3A_619] : memref<3x8x128xi32, #tpu.memory_space<vmem>> -> memref<1x1x128xi32, #tpu.memory_space<vmem>>
        %dma_wait3A_621 = tpu.memref_squeeze %dma_wait3A_620 : memref<1x1x128xi32, #tpu.memory_space<vmem>> -> memref<128xi32, #tpu.memory_space<vmem>>
        %dma_wait3A_622 = arith.constant 0 : i32
        %dma_wait3A_623 = arith.constant 0 : i32
        %dma_wait3A_624 = tpu.memref_slice %arg6[%dma_wait3A_622, %dma_wait3A_623] : memref<10128x128xf32, #tpu.memory_space<vmem_shared>> -> memref<10128x128xf32, #tpu.memory_space<vmem_shared>>
        tpu.wait_indirect_dma semaphore(%arg13 : memref<!tpu.dma_semaphore, #tpu.memory_space<semaphore_mem>>) src(%arg5 : memref<128x128xf32, #tpu.memory_space<vmem>>) dst(%dma_wait3A_624 : memref<10128x128xf32, #tpu.memory_space<vmem_shared>>)
      } else {
      }
      %rem3A_599 = arith.constant 8 : i32
      %rem3A_600 = arith.remsi %add3A_593, %rem3A_599 : i32
      %div3A_601 = arith.constant 8 : i32
      %div3A_602 = arith.divsi %add3A_593, %div3A_601 : i32
      %rem3A_603 = arith.constant 3 : i32
      %rem3A_604 = arith.remsi %div3A_602, %rem3A_603 : i32
      %dma_start3A_605 = arith.constant 0 : i32
      %dma_start3A_606 = tpu.memref_slice %arg4[%rem3A_604, %rem3A_600, %dma_start3A_605] : memref<3x8x128xi32, #tpu.memory_space<vmem>> -> memref<1x1x128xi32, #tpu.memory_space<vmem>>
      %dma_start3A_607 = tpu.memref_squeeze %dma_start3A_606 : memref<1x1x128xi32, #tpu.memory_space<vmem>> -> memref<128xi32, #tpu.memory_space<vmem>>
      %dma_start3A_608 = arith.constant 0 : i32
      %dma_start3A_609 = arith.constant 0 : i32
      %dma_start3A_610 = tpu.memref_slice %arg6[%dma_start3A_608, %dma_start3A_609] : memref<10128x128xf32, #tpu.memory_space<vmem_shared>> -> memref<10128x128xf32, #tpu.memory_space<vmem_shared>>
      tpu.enqueue_indirect_dma source(%arg5 : memref<128x128xf32, #tpu.memory_space<vmem>>) target(%dma_start3A_610 : memref<10128x128xf32, #tpu.memory_space<vmem_shared>>) offsets(%dma_start3A_607 : memref<128xi32, #tpu.memory_space<vmem>>) semaphore(%arg13 : memref<!tpu.dma_semaphore, #tpu.memory_space<semaphore_mem>>) {add = true}
      %scan3A_611 = arith.constant 0 : i32
      scf.yield %scan3A_611 : i32
    }
    %scan3A_352 = arith.constant 2 : i32
    %dma_wait3A_353 = arith.constant 1 : i32
    %dma_wait3A_354 = arith.constant 0 : i32
    %dma_wait3A_355 = arith.constant 0 : i32
    %dma_wait3A_356 = tpu.memref_slice %arg4[%dma_wait3A_353, %dma_wait3A_354, %dma_wait3A_355] : memref<3x8x128xi32, #tpu.memory_space<vmem>> -> memref<1x8x128xi32, #tpu.memory_space<vmem>>
    %dma_wait3A_357 = tpu.memref_squeeze %dma_wait3A_356 : memref<1x8x128xi32, #tpu.memory_space<vmem>> -> memref<8x128xi32, #tpu.memory_space<vmem>>
    %dma_wait3A_358 = arith.constant 56 : i32
    %dma_wait3A_359 = arith.constant 0 : i32
    %dma_wait3A_360 = tpu.memref_slice %arg2[%add3A, %dma_wait3A_358, %dma_wait3A_359] : memref<32x80x128xi32, #tpu.memory_space<hbm>> -> memref<1x8x128xi32, #tpu.memory_space<hbm>>
    %dma_wait3A_361 = tpu.memref_squeeze %dma_wait3A_360 : memref<1x8x128xi32, #tpu.memory_space<hbm>> -> memref<8x128xi32, #tpu.memory_space<hbm>>
    %dma_wait3A_362 = arith.constant 0 : i32
    %dma_wait3A_363 = arith.constant 0 : i32
    %dma_wait3A_364 = tpu.memref_slice %arg4[%dma_wait3A_353, %dma_wait3A_362, %dma_wait3A_363] : memref<3x8x128xi32, #tpu.memory_space<vmem>> -> memref<1x8x128xi32, #tpu.memory_space<vmem>>
    %dma_wait3A_365 = tpu.memref_squeeze %dma_wait3A_364 : memref<1x8x128xi32, #tpu.memory_space<vmem>> -> memref<8x128xi32, #tpu.memory_space<vmem>>
    %dma_wait3A_366 = arith.constant 56 : i32
    %dma_wait3A_367 = arith.constant 0 : i32
    %dma_wait3A_368 = tpu.memref_slice %arg2[%add3A, %dma_wait3A_366, %dma_wait3A_367] : memref<32x80x128xi32, #tpu.memory_space<hbm>> -> memref<1x8x128xi32, #tpu.memory_space<hbm>>
    %dma_wait3A_369 = tpu.memref_squeeze %dma_wait3A_368 : memref<1x8x128xi32, #tpu.memory_space<hbm>> -> memref<8x128xi32, #tpu.memory_space<hbm>>
    tpu.wait_dma2 semaphore(%arg8 : memref<!tpu.dma_semaphore, #tpu.memory_space<semaphore_mem>>) src(%dma_wait3A_369 : memref<8x128xi32, #tpu.memory_space<hbm>>) dst(%dma_wait3A_365 : memref<8x128xi32, #tpu.memory_space<vmem>>)
    %dma_start3A_370 = arith.constant 2 : i32
    %dma_start3A_371 = arith.constant 0 : i32
    %dma_start3A_372 = arith.constant 0 : i32
    %dma_start3A_373 = tpu.memref_slice %arg4[%dma_start3A_370, %dma_start3A_371, %dma_start3A_372] : memref<3x8x128xi32, #tpu.memory_space<vmem>> -> memref<1x8x128xi32, #tpu.memory_space<vmem>>
    %dma_start3A_374 = tpu.memref_squeeze %dma_start3A_373 : memref<1x8x128xi32, #tpu.memory_space<vmem>> -> memref<8x128xi32, #tpu.memory_space<vmem>>
    %dma_start3A_375 = arith.constant 64 : i32
    %dma_start3A_376 = arith.constant 0 : i32
    %dma_start3A_377 = tpu.memref_slice %arg2[%add3A, %dma_start3A_375, %dma_start3A_376] : memref<32x80x128xi32, #tpu.memory_space<hbm>> -> memref<1x8x128xi32, #tpu.memory_space<hbm>>
    %dma_start3A_378 = tpu.memref_squeeze %dma_start3A_377 : memref<1x8x128xi32, #tpu.memory_space<hbm>> -> memref<8x128xi32, #tpu.memory_space<hbm>>
    %dma_start3A_379 = arith.constant 0 : i32
    %dma_start3A_380 = arith.constant 0 : i32
    %dma_start3A_381 = tpu.memref_slice %arg4[%dma_start3A_370, %dma_start3A_379, %dma_start3A_380] : memref<3x8x128xi32, #tpu.memory_space<vmem>> -> memref<1x8x128xi32, #tpu.memory_space<vmem>>
    %dma_start3A_382 = tpu.memref_squeeze %dma_start3A_381 : memref<1x8x128xi32, #tpu.memory_space<vmem>> -> memref<8x128xi32, #tpu.memory_space<vmem>>
    %dma_start3A_383 = arith.constant 64 : i32
    %dma_start3A_384 = arith.constant 0 : i32
    %dma_start3A_385 = tpu.memref_slice %arg2[%add3A, %dma_start3A_383, %dma_start3A_384] : memref<32x80x128xi32, #tpu.memory_space<hbm>> -> memref<1x8x128xi32, #tpu.memory_space<hbm>>
    %dma_start3A_386 = tpu.memref_squeeze %dma_start3A_385 : memref<1x8x128xi32, #tpu.memory_space<hbm>> -> memref<8x128xi32, #tpu.memory_space<hbm>>
    tpu.enqueue_dma source(%dma_start3A_386 : memref<8x128xi32, #tpu.memory_space<hbm>>) target(%dma_start3A_382 : memref<8x128xi32, #tpu.memory_space<vmem>>) target_semaphore(%arg9 : memref<!tpu.dma_semaphore, #tpu.memory_space<semaphore_mem>>)
    %scan3A_387 = arith.constant 0 : i32
    %scan3A_388 = arith.constant 0 : i32
    %scan3A_389 = arith.constant 2 : i32
    %scan3A_390 = arith.addi %scan3A_388, %scan3A_389 : i32
    %scan3A_391 = arith.constant 1 : i32
    %scan3A_392 = scf.for %scan3A_532 = %scan3A_388 to %scan3A_390 step %scan3A_391 iter_args(%scan3A_533 = %scan3A_387) -> (i32)  : i32 {
      %mul3A_534 = arith.constant 4 : i32
      %mul3A_535 = arith.muli %mul3A_534, %scan3A_532 : i32
      %add3A_536 = arith.constant 56 : i32
      %add3A_537 = arith.addi %add3A_536, %mul3A_535 : i32
      %add3A_538 = arith.constant 0 : i32
      %add3A_539 = arith.addi %add3A_537, %add3A_538 : i32
      %ge3A = arith.constant 4 : i32
      %ge3A_540 = arith.cmpi sge, %add3A_539, %ge3A : i32
      %convert_element_type3A_541 = arith.extui %ge3A_540 : i1 to i32
      %cond3A_542 = arith.constant 0 : i32
      %cond3A_543 = arith.cmpi ne, %convert_element_type3A_541, %cond3A_542 : i32
      scf.if %cond3A_543 {
        %sub3A = arith.constant 4 : i32
        %sub3A_612 = arith.subi %add3A_539, %sub3A : i32
        %rem3A_613 = arith.constant 8 : i32
        %rem3A_614 = arith.remsi %sub3A_612, %rem3A_613 : i32
        %div3A_615 = arith.constant 8 : i32
        %div3A_616 = arith.divsi %sub3A_612, %div3A_615 : i32
        %rem3A_617 = arith.constant 3 : i32
        %rem3A_618 = arith.remsi %div3A_616, %rem3A_617 : i32
        %dma_wait3A_619 = arith.constant 0 : i32
        %dma_wait3A_620 = tpu.memref_slice %arg4[%rem3A_618, %rem3A_614, %dma_wait3A_619] : memref<3x8x128xi32, #tpu.memory_space<vmem>> -> memref<1x1x128xi32, #tpu.memory_space<vmem>>
        %dma_wait3A_621 = tpu.memref_squeeze %dma_wait3A_620 : memref<1x1x128xi32, #tpu.memory_space<vmem>> -> memref<128xi32, #tpu.memory_space<vmem>>
        %dma_wait3A_622 = arith.constant 0 : i32
        %dma_wait3A_623 = arith.constant 0 : i32
        %dma_wait3A_624 = tpu.memref_slice %arg6[%dma_wait3A_622, %dma_wait3A_623] : memref<10128x128xf32, #tpu.memory_space<vmem_shared>> -> memref<10128x128xf32, #tpu.memory_space<vmem_shared>>
        tpu.wait_indirect_dma semaphore(%arg10 : memref<!tpu.dma_semaphore, #tpu.memory_space<semaphore_mem>>) src(%arg5 : memref<128x128xf32, #tpu.memory_space<vmem>>) dst(%dma_wait3A_624 : memref<10128x128xf32, #tpu.memory_space<vmem_shared>>)
      } else {
      }
      %rem3A = arith.constant 8 : i32
      %rem3A_544 = arith.remsi %add3A_539, %rem3A : i32
      %div3A = arith.constant 8 : i32
      %div3A_545 = arith.divsi %add3A_539, %div3A : i32
      %rem3A_546 = arith.constant 3 : i32
      %rem3A_547 = arith.remsi %div3A_545, %rem3A_546 : i32
      %dma_start3A_548 = arith.constant 0 : i32
      %dma_start3A_549 = tpu.memref_slice %arg4[%rem3A_547, %rem3A_544, %dma_start3A_548] : memref<3x8x128xi32, #tpu.memory_space<vmem>> -> memref<1x1x128xi32, #tpu.memory_space<vmem>>
      %dma_start3A_550 = tpu.memref_squeeze %dma_start3A_549 : memref<1x1x128xi32, #tpu.memory_space<vmem>> -> memref<128xi32, #tpu.memory_space<vmem>>
      %dma_start3A_551 = arith.constant 0 : i32
      %dma_start3A_552 = arith.constant 0 : i32
      %dma_start3A_553 = tpu.memref_slice %arg6[%dma_start3A_551, %dma_start3A_552] : memref<10128x128xf32, #tpu.memory_space<vmem_shared>> -> memref<10128x128xf32, #tpu.memory_space<vmem_shared>>
      tpu.enqueue_indirect_dma source(%arg5 : memref<128x128xf32, #tpu.memory_space<vmem>>) target(%dma_start3A_553 : memref<10128x128xf32, #tpu.memory_space<vmem_shared>>) offsets(%dma_start3A_550 : memref<128xi32, #tpu.memory_space<vmem>>) semaphore(%arg10 : memref<!tpu.dma_semaphore, #tpu.memory_space<semaphore_mem>>) {add = true}
      %add3A_554 = arith.constant 1 : i32
      %add3A_555 = arith.addi %add3A_537, %add3A_554 : i32
      %ge3A_556 = arith.constant 4 : i32
      %ge3A_557 = arith.cmpi sge, %add3A_555, %ge3A_556 : i32
      %convert_element_type3A_558 = arith.extui %ge3A_557 : i1 to i32
      %cond3A_559 = arith.constant 0 : i32
      %cond3A_560 = arith.cmpi ne, %convert_element_type3A_558, %cond3A_559 : i32
      scf.if %cond3A_560 {
        %sub3A = arith.constant 4 : i32
        %sub3A_612 = arith.subi %add3A_555, %sub3A : i32
        %rem3A_613 = arith.constant 8 : i32
        %rem3A_614 = arith.remsi %sub3A_612, %rem3A_613 : i32
        %div3A_615 = arith.constant 8 : i32
        %div3A_616 = arith.divsi %sub3A_612, %div3A_615 : i32
        %rem3A_617 = arith.constant 3 : i32
        %rem3A_618 = arith.remsi %div3A_616, %rem3A_617 : i32
        %dma_wait3A_619 = arith.constant 0 : i32
        %dma_wait3A_620 = tpu.memref_slice %arg4[%rem3A_618, %rem3A_614, %dma_wait3A_619] : memref<3x8x128xi32, #tpu.memory_space<vmem>> -> memref<1x1x128xi32, #tpu.memory_space<vmem>>
        %dma_wait3A_621 = tpu.memref_squeeze %dma_wait3A_620 : memref<1x1x128xi32, #tpu.memory_space<vmem>> -> memref<128xi32, #tpu.memory_space<vmem>>
        %dma_wait3A_622 = arith.constant 0 : i32
        %dma_wait3A_623 = arith.constant 0 : i32
        %dma_wait3A_624 = tpu.memref_slice %arg6[%dma_wait3A_622, %dma_wait3A_623] : memref<10128x128xf32, #tpu.memory_space<vmem_shared>> -> memref<10128x128xf32, #tpu.memory_space<vmem_shared>>
        tpu.wait_indirect_dma semaphore(%arg11 : memref<!tpu.dma_semaphore, #tpu.memory_space<semaphore_mem>>) src(%arg5 : memref<128x128xf32, #tpu.memory_space<vmem>>) dst(%dma_wait3A_624 : memref<10128x128xf32, #tpu.memory_space<vmem_shared>>)
      } else {
      }
      %rem3A_561 = arith.constant 8 : i32
      %rem3A_562 = arith.remsi %add3A_555, %rem3A_561 : i32
      %div3A_563 = arith.constant 8 : i32
      %div3A_564 = arith.divsi %add3A_555, %div3A_563 : i32
      %rem3A_565 = arith.constant 3 : i32
      %rem3A_566 = arith.remsi %div3A_564, %rem3A_565 : i32
      %dma_start3A_567 = arith.constant 0 : i32
      %dma_start3A_568 = tpu.memref_slice %arg4[%rem3A_566, %rem3A_562, %dma_start3A_567] : memref<3x8x128xi32, #tpu.memory_space<vmem>> -> memref<1x1x128xi32, #tpu.memory_space<vmem>>
      %dma_start3A_569 = tpu.memref_squeeze %dma_start3A_568 : memref<1x1x128xi32, #tpu.memory_space<vmem>> -> memref<128xi32, #tpu.memory_space<vmem>>
      %dma_start3A_570 = arith.constant 0 : i32
      %dma_start3A_571 = arith.constant 0 : i32
      %dma_start3A_572 = tpu.memref_slice %arg6[%dma_start3A_570, %dma_start3A_571] : memref<10128x128xf32, #tpu.memory_space<vmem_shared>> -> memref<10128x128xf32, #tpu.memory_space<vmem_shared>>
      tpu.enqueue_indirect_dma source(%arg5 : memref<128x128xf32, #tpu.memory_space<vmem>>) target(%dma_start3A_572 : memref<10128x128xf32, #tpu.memory_space<vmem_shared>>) offsets(%dma_start3A_569 : memref<128xi32, #tpu.memory_space<vmem>>) semaphore(%arg11 : memref<!tpu.dma_semaphore, #tpu.memory_space<semaphore_mem>>) {add = true}
      %add3A_573 = arith.constant 2 : i32
      %add3A_574 = arith.addi %add3A_537, %add3A_573 : i32
      %ge3A_575 = arith.constant 4 : i32
      %ge3A_576 = arith.cmpi sge, %add3A_574, %ge3A_575 : i32
      %convert_element_type3A_577 = arith.extui %ge3A_576 : i1 to i32
      %cond3A_578 = arith.constant 0 : i32
      %cond3A_579 = arith.cmpi ne, %convert_element_type3A_577, %cond3A_578 : i32
      scf.if %cond3A_579 {
        %sub3A = arith.constant 4 : i32
        %sub3A_612 = arith.subi %add3A_574, %sub3A : i32
        %rem3A_613 = arith.constant 8 : i32
        %rem3A_614 = arith.remsi %sub3A_612, %rem3A_613 : i32
        %div3A_615 = arith.constant 8 : i32
        %div3A_616 = arith.divsi %sub3A_612, %div3A_615 : i32
        %rem3A_617 = arith.constant 3 : i32
        %rem3A_618 = arith.remsi %div3A_616, %rem3A_617 : i32
        %dma_wait3A_619 = arith.constant 0 : i32
        %dma_wait3A_620 = tpu.memref_slice %arg4[%rem3A_618, %rem3A_614, %dma_wait3A_619] : memref<3x8x128xi32, #tpu.memory_space<vmem>> -> memref<1x1x128xi32, #tpu.memory_space<vmem>>
        %dma_wait3A_621 = tpu.memref_squeeze %dma_wait3A_620 : memref<1x1x128xi32, #tpu.memory_space<vmem>> -> memref<128xi32, #tpu.memory_space<vmem>>
        %dma_wait3A_622 = arith.constant 0 : i32
        %dma_wait3A_623 = arith.constant 0 : i32
        %dma_wait3A_624 = tpu.memref_slice %arg6[%dma_wait3A_622, %dma_wait3A_623] : memref<10128x128xf32, #tpu.memory_space<vmem_shared>> -> memref<10128x128xf32, #tpu.memory_space<vmem_shared>>
        tpu.wait_indirect_dma semaphore(%arg12 : memref<!tpu.dma_semaphore, #tpu.memory_space<semaphore_mem>>) src(%arg5 : memref<128x128xf32, #tpu.memory_space<vmem>>) dst(%dma_wait3A_624 : memref<10128x128xf32, #tpu.memory_space<vmem_shared>>)
      } else {
      }
      %rem3A_580 = arith.constant 8 : i32
      %rem3A_581 = arith.remsi %add3A_574, %rem3A_580 : i32
      %div3A_582 = arith.constant 8 : i32
      %div3A_583 = arith.divsi %add3A_574, %div3A_582 : i32
      %rem3A_584 = arith.constant 3 : i32
      %rem3A_585 = arith.remsi %div3A_583, %rem3A_584 : i32
      %dma_start3A_586 = arith.constant 0 : i32
      %dma_start3A_587 = tpu.memref_slice %arg4[%rem3A_585, %rem3A_581, %dma_start3A_586] : memref<3x8x128xi32, #tpu.memory_space<vmem>> -> memref<1x1x128xi32, #tpu.memory_space<vmem>>
      %dma_start3A_588 = tpu.memref_squeeze %dma_start3A_587 : memref<1x1x128xi32, #tpu.memory_space<vmem>> -> memref<128xi32, #tpu.memory_space<vmem>>
      %dma_start3A_589 = arith.constant 0 : i32
      %dma_start3A_590 = arith.constant 0 : i32
      %dma_start3A_591 = tpu.memref_slice %arg6[%dma_start3A_589, %dma_start3A_590] : memref<10128x128xf32, #tpu.memory_space<vmem_shared>> -> memref<10128x128xf32, #tpu.memory_space<vmem_shared>>
      tpu.enqueue_indirect_dma source(%arg5 : memref<128x128xf32, #tpu.memory_space<vmem>>) target(%dma_start3A_591 : memref<10128x128xf32, #tpu.memory_space<vmem_shared>>) offsets(%dma_start3A_588 : memref<128xi32, #tpu.memory_space<vmem>>) semaphore(%arg12 : memref<!tpu.dma_semaphore, #tpu.memory_space<semaphore_mem>>) {add = true}
      %add3A_592 = arith.constant 3 : i32
      %add3A_593 = arith.addi %add3A_537, %add3A_592 : i32
      %ge3A_594 = arith.constant 4 : i32
      %ge3A_595 = arith.cmpi sge, %add3A_593, %ge3A_594 : i32
      %convert_element_type3A_596 = arith.extui %ge3A_595 : i1 to i32
      %cond3A_597 = arith.constant 0 : i32
      %cond3A_598 = arith.cmpi ne, %convert_element_type3A_596, %cond3A_597 : i32
      scf.if %cond3A_598 {
        %sub3A = arith.constant 4 : i32
        %sub3A_612 = arith.subi %add3A_593, %sub3A : i32
        %rem3A_613 = arith.constant 8 : i32
        %rem3A_614 = arith.remsi %sub3A_612, %rem3A_613 : i32
        %div3A_615 = arith.constant 8 : i32
        %div3A_616 = arith.divsi %sub3A_612, %div3A_615 : i32
        %rem3A_617 = arith.constant 3 : i32
        %rem3A_618 = arith.remsi %div3A_616, %rem3A_617 : i32
        %dma_wait3A_619 = arith.constant 0 : i32
        %dma_wait3A_620 = tpu.memref_slice %arg4[%rem3A_618, %rem3A_614, %dma_wait3A_619] : memref<3x8x128xi32, #tpu.memory_space<vmem>> -> memref<1x1x128xi32, #tpu.memory_space<vmem>>
        %dma_wait3A_621 = tpu.memref_squeeze %dma_wait3A_620 : memref<1x1x128xi32, #tpu.memory_space<vmem>> -> memref<128xi32, #tpu.memory_space<vmem>>
        %dma_wait3A_622 = arith.constant 0 : i32
        %dma_wait3A_623 = arith.constant 0 : i32
        %dma_wait3A_624 = tpu.memref_slice %arg6[%dma_wait3A_622, %dma_wait3A_623] : memref<10128x128xf32, #tpu.memory_space<vmem_shared>> -> memref<10128x128xf32, #tpu.memory_space<vmem_shared>>
        tpu.wait_indirect_dma semaphore(%arg13 : memref<!tpu.dma_semaphore, #tpu.memory_space<semaphore_mem>>) src(%arg5 : memref<128x128xf32, #tpu.memory_space<vmem>>) dst(%dma_wait3A_624 : memref<10128x128xf32, #tpu.memory_space<vmem_shared>>)
      } else {
      }
      %rem3A_599 = arith.constant 8 : i32
      %rem3A_600 = arith.remsi %add3A_593, %rem3A_599 : i32
      %div3A_601 = arith.constant 8 : i32
      %div3A_602 = arith.divsi %add3A_593, %div3A_601 : i32
      %rem3A_603 = arith.constant 3 : i32
      %rem3A_604 = arith.remsi %div3A_602, %rem3A_603 : i32
      %dma_start3A_605 = arith.constant 0 : i32
      %dma_start3A_606 = tpu.memref_slice %arg4[%rem3A_604, %rem3A_600, %dma_start3A_605] : memref<3x8x128xi32, #tpu.memory_space<vmem>> -> memref<1x1x128xi32, #tpu.memory_space<vmem>>
      %dma_start3A_607 = tpu.memref_squeeze %dma_start3A_606 : memref<1x1x128xi32, #tpu.memory_space<vmem>> -> memref<128xi32, #tpu.memory_space<vmem>>
      %dma_start3A_608 = arith.constant 0 : i32
      %dma_start3A_609 = arith.constant 0 : i32
      %dma_start3A_610 = tpu.memref_slice %arg6[%dma_start3A_608, %dma_start3A_609] : memref<10128x128xf32, #tpu.memory_space<vmem_shared>> -> memref<10128x128xf32, #tpu.memory_space<vmem_shared>>
      tpu.enqueue_indirect_dma source(%arg5 : memref<128x128xf32, #tpu.memory_space<vmem>>) target(%dma_start3A_610 : memref<10128x128xf32, #tpu.memory_space<vmem_shared>>) offsets(%dma_start3A_607 : memref<128xi32, #tpu.memory_space<vmem>>) semaphore(%arg13 : memref<!tpu.dma_semaphore, #tpu.memory_space<semaphore_mem>>) {add = true}
      %scan3A_611 = arith.constant 0 : i32
      scf.yield %scan3A_611 : i32
    }
    %scan3A_393 = arith.constant 2 : i32
    %dma_wait3A_394 = arith.constant 2 : i32
    %dma_wait3A_395 = arith.constant 0 : i32
    %dma_wait3A_396 = arith.constant 0 : i32
    %dma_wait3A_397 = tpu.memref_slice %arg4[%dma_wait3A_394, %dma_wait3A_395, %dma_wait3A_396] : memref<3x8x128xi32, #tpu.memory_space<vmem>> -> memref<1x8x128xi32, #tpu.memory_space<vmem>>
    %dma_wait3A_398 = tpu.memref_squeeze %dma_wait3A_397 : memref<1x8x128xi32, #tpu.memory_space<vmem>> -> memref<8x128xi32, #tpu.memory_space<vmem>>
    %dma_wait3A_399 = arith.constant 64 : i32
    %dma_wait3A_400 = arith.constant 0 : i32
    %dma_wait3A_401 = tpu.memref_slice %arg2[%add3A, %dma_wait3A_399, %dma_wait3A_400] : memref<32x80x128xi32, #tpu.memory_space<hbm>> -> memref<1x8x128xi32, #tpu.memory_space<hbm>>
    %dma_wait3A_402 = tpu.memref_squeeze %dma_wait3A_401 : memref<1x8x128xi32, #tpu.memory_space<hbm>> -> memref<8x128xi32, #tpu.memory_space<hbm>>
    %dma_wait3A_403 = arith.constant 0 : i32
    %dma_wait3A_404 = arith.constant 0 : i32
    %dma_wait3A_405 = tpu.memref_slice %arg4[%dma_wait3A_394, %dma_wait3A_403, %dma_wait3A_404] : memref<3x8x128xi32, #tpu.memory_space<vmem>> -> memref<1x8x128xi32, #tpu.memory_space<vmem>>
    %dma_wait3A_406 = tpu.memref_squeeze %dma_wait3A_405 : memref<1x8x128xi32, #tpu.memory_space<vmem>> -> memref<8x128xi32, #tpu.memory_space<vmem>>
    %dma_wait3A_407 = arith.constant 64 : i32
    %dma_wait3A_408 = arith.constant 0 : i32
    %dma_wait3A_409 = tpu.memref_slice %arg2[%add3A, %dma_wait3A_407, %dma_wait3A_408] : memref<32x80x128xi32, #tpu.memory_space<hbm>> -> memref<1x8x128xi32, #tpu.memory_space<hbm>>
    %dma_wait3A_410 = tpu.memref_squeeze %dma_wait3A_409 : memref<1x8x128xi32, #tpu.memory_space<hbm>> -> memref<8x128xi32, #tpu.memory_space<hbm>>
    tpu.wait_dma2 semaphore(%arg9 : memref<!tpu.dma_semaphore, #tpu.memory_space<semaphore_mem>>) src(%dma_wait3A_410 : memref<8x128xi32, #tpu.memory_space<hbm>>) dst(%dma_wait3A_406 : memref<8x128xi32, #tpu.memory_space<vmem>>)
    %dma_start3A_411 = arith.constant 0 : i32
    %dma_start3A_412 = arith.constant 0 : i32
    %dma_start3A_413 = arith.constant 0 : i32
    %dma_start3A_414 = tpu.memref_slice %arg4[%dma_start3A_411, %dma_start3A_412, %dma_start3A_413] : memref<3x8x128xi32, #tpu.memory_space<vmem>> -> memref<1x8x128xi32, #tpu.memory_space<vmem>>
    %dma_start3A_415 = tpu.memref_squeeze %dma_start3A_414 : memref<1x8x128xi32, #tpu.memory_space<vmem>> -> memref<8x128xi32, #tpu.memory_space<vmem>>
    %dma_start3A_416 = arith.constant 72 : i32
    %dma_start3A_417 = arith.constant 0 : i32
    %dma_start3A_418 = tpu.memref_slice %arg2[%add3A, %dma_start3A_416, %dma_start3A_417] : memref<32x80x128xi32, #tpu.memory_space<hbm>> -> memref<1x8x128xi32, #tpu.memory_space<hbm>>
    %dma_start3A_419 = tpu.memref_squeeze %dma_start3A_418 : memref<1x8x128xi32, #tpu.memory_space<hbm>> -> memref<8x128xi32, #tpu.memory_space<hbm>>
    %dma_start3A_420 = arith.constant 0 : i32
    %dma_start3A_421 = arith.constant 0 : i32
    %dma_start3A_422 = tpu.memref_slice %arg4[%dma_start3A_411, %dma_start3A_420, %dma_start3A_421] : memref<3x8x128xi32, #tpu.memory_space<vmem>> -> memref<1x8x128xi32, #tpu.memory_space<vmem>>
    %dma_start3A_423 = tpu.memref_squeeze %dma_start3A_422 : memref<1x8x128xi32, #tpu.memory_space<vmem>> -> memref<8x128xi32, #tpu.memory_space<vmem>>
    %dma_start3A_424 = arith.constant 72 : i32
    %dma_start3A_425 = arith.constant 0 : i32
    %dma_start3A_426 = tpu.memref_slice %arg2[%add3A, %dma_start3A_424, %dma_start3A_425] : memref<32x80x128xi32, #tpu.memory_space<hbm>> -> memref<1x8x128xi32, #tpu.memory_space<hbm>>
    %dma_start3A_427 = tpu.memref_squeeze %dma_start3A_426 : memref<1x8x128xi32, #tpu.memory_space<hbm>> -> memref<8x128xi32, #tpu.memory_space<hbm>>
    tpu.enqueue_dma source(%dma_start3A_427 : memref<8x128xi32, #tpu.memory_space<hbm>>) target(%dma_start3A_423 : memref<8x128xi32, #tpu.memory_space<vmem>>) target_semaphore(%arg7 : memref<!tpu.dma_semaphore, #tpu.memory_space<semaphore_mem>>)
    %scan3A_428 = arith.constant 0 : i32
    %scan3A_429 = arith.constant 0 : i32
    %scan3A_430 = arith.constant 2 : i32
    %scan3A_431 = arith.addi %scan3A_429, %scan3A_430 : i32
    %scan3A_432 = arith.constant 1 : i32
    %scan3A_433 = scf.for %scan3A_532 = %scan3A_429 to %scan3A_431 step %scan3A_432 iter_args(%scan3A_533 = %scan3A_428) -> (i32)  : i32 {
      %mul3A_534 = arith.constant 4 : i32
      %mul3A_535 = arith.muli %mul3A_534, %scan3A_532 : i32
      %add3A_536 = arith.constant 64 : i32
      %add3A_537 = arith.addi %add3A_536, %mul3A_535 : i32
      %add3A_538 = arith.constant 0 : i32
      %add3A_539 = arith.addi %add3A_537, %add3A_538 : i32
      %ge3A = arith.constant 4 : i32
      %ge3A_540 = arith.cmpi sge, %add3A_539, %ge3A : i32
      %convert_element_type3A_541 = arith.extui %ge3A_540 : i1 to i32
      %cond3A_542 = arith.constant 0 : i32
      %cond3A_543 = arith.cmpi ne, %convert_element_type3A_541, %cond3A_542 : i32
      scf.if %cond3A_543 {
        %sub3A = arith.constant 4 : i32
        %sub3A_612 = arith.subi %add3A_539, %sub3A : i32
        %rem3A_613 = arith.constant 8 : i32
        %rem3A_614 = arith.remsi %sub3A_612, %rem3A_613 : i32
        %div3A_615 = arith.constant 8 : i32
        %div3A_616 = arith.divsi %sub3A_612, %div3A_615 : i32
        %rem3A_617 = arith.constant 3 : i32
        %rem3A_618 = arith.remsi %div3A_616, %rem3A_617 : i32
        %dma_wait3A_619 = arith.constant 0 : i32
        %dma_wait3A_620 = tpu.memref_slice %arg4[%rem3A_618, %rem3A_614, %dma_wait3A_619] : memref<3x8x128xi32, #tpu.memory_space<vmem>> -> memref<1x1x128xi32, #tpu.memory_space<vmem>>
        %dma_wait3A_621 = tpu.memref_squeeze %dma_wait3A_620 : memref<1x1x128xi32, #tpu.memory_space<vmem>> -> memref<128xi32, #tpu.memory_space<vmem>>
        %dma_wait3A_622 = arith.constant 0 : i32
        %dma_wait3A_623 = arith.constant 0 : i32
        %dma_wait3A_624 = tpu.memref_slice %arg6[%dma_wait3A_622, %dma_wait3A_623] : memref<10128x128xf32, #tpu.memory_space<vmem_shared>> -> memref<10128x128xf32, #tpu.memory_space<vmem_shared>>
        tpu.wait_indirect_dma semaphore(%arg10 : memref<!tpu.dma_semaphore, #tpu.memory_space<semaphore_mem>>) src(%arg5 : memref<128x128xf32, #tpu.memory_space<vmem>>) dst(%dma_wait3A_624 : memref<10128x128xf32, #tpu.memory_space<vmem_shared>>)
      } else {
      }
      %rem3A = arith.constant 8 : i32
      %rem3A_544 = arith.remsi %add3A_539, %rem3A : i32
      %div3A = arith.constant 8 : i32
      %div3A_545 = arith.divsi %add3A_539, %div3A : i32
      %rem3A_546 = arith.constant 3 : i32
      %rem3A_547 = arith.remsi %div3A_545, %rem3A_546 : i32
      %dma_start3A_548 = arith.constant 0 : i32
      %dma_start3A_549 = tpu.memref_slice %arg4[%rem3A_547, %rem3A_544, %dma_start3A_548] : memref<3x8x128xi32, #tpu.memory_space<vmem>> -> memref<1x1x128xi32, #tpu.memory_space<vmem>>
      %dma_start3A_550 = tpu.memref_squeeze %dma_start3A_549 : memref<1x1x128xi32, #tpu.memory_space<vmem>> -> memref<128xi32, #tpu.memory_space<vmem>>
      %dma_start3A_551 = arith.constant 0 : i32
      %dma_start3A_552 = arith.constant 0 : i32
      %dma_start3A_553 = tpu.memref_slice %arg6[%dma_start3A_551, %dma_start3A_552] : memref<10128x128xf32, #tpu.memory_space<vmem_shared>> -> memref<10128x128xf32, #tpu.memory_space<vmem_shared>>
      tpu.enqueue_indirect_dma source(%arg5 : memref<128x128xf32, #tpu.memory_space<vmem>>) target(%dma_start3A_553 : memref<10128x128xf32, #tpu.memory_space<vmem_shared>>) offsets(%dma_start3A_550 : memref<128xi32, #tpu.memory_space<vmem>>) semaphore(%arg10 : memref<!tpu.dma_semaphore, #tpu.memory_space<semaphore_mem>>) {add = true}
      %add3A_554 = arith.constant 1 : i32
      %add3A_555 = arith.addi %add3A_537, %add3A_554 : i32
      %ge3A_556 = arith.constant 4 : i32
      %ge3A_557 = arith.cmpi sge, %add3A_555, %ge3A_556 : i32
      %convert_element_type3A_558 = arith.extui %ge3A_557 : i1 to i32
      %cond3A_559 = arith.constant 0 : i32
      %cond3A_560 = arith.cmpi ne, %convert_element_type3A_558, %cond3A_559 : i32
      scf.if %cond3A_560 {
        %sub3A = arith.constant 4 : i32
        %sub3A_612 = arith.subi %add3A_555, %sub3A : i32
        %rem3A_613 = arith.constant 8 : i32
        %rem3A_614 = arith.remsi %sub3A_612, %rem3A_613 : i32
        %div3A_615 = arith.constant 8 : i32
        %div3A_616 = arith.divsi %sub3A_612, %div3A_615 : i32
        %rem3A_617 = arith.constant 3 : i32
        %rem3A_618 = arith.remsi %div3A_616, %rem3A_617 : i32
        %dma_wait3A_619 = arith.constant 0 : i32
        %dma_wait3A_620 = tpu.memref_slice %arg4[%rem3A_618, %rem3A_614, %dma_wait3A_619] : memref<3x8x128xi32, #tpu.memory_space<vmem>> -> memref<1x1x128xi32, #tpu.memory_space<vmem>>
        %dma_wait3A_621 = tpu.memref_squeeze %dma_wait3A_620 : memref<1x1x128xi32, #tpu.memory_space<vmem>> -> memref<128xi32, #tpu.memory_space<vmem>>
        %dma_wait3A_622 = arith.constant 0 : i32
        %dma_wait3A_623 = arith.constant 0 : i32
        %dma_wait3A_624 = tpu.memref_slice %arg6[%dma_wait3A_622, %dma_wait3A_623] : memref<10128x128xf32, #tpu.memory_space<vmem_shared>> -> memref<10128x128xf32, #tpu.memory_space<vmem_shared>>
        tpu.wait_indirect_dma semaphore(%arg11 : memref<!tpu.dma_semaphore, #tpu.memory_space<semaphore_mem>>) src(%arg5 : memref<128x128xf32, #tpu.memory_space<vmem>>) dst(%dma_wait3A_624 : memref<10128x128xf32, #tpu.memory_space<vmem_shared>>)
      } else {
      }
      %rem3A_561 = arith.constant 8 : i32
      %rem3A_562 = arith.remsi %add3A_555, %rem3A_561 : i32
      %div3A_563 = arith.constant 8 : i32
      %div3A_564 = arith.divsi %add3A_555, %div3A_563 : i32
      %rem3A_565 = arith.constant 3 : i32
      %rem3A_566 = arith.remsi %div3A_564, %rem3A_565 : i32
      %dma_start3A_567 = arith.constant 0 : i32
      %dma_start3A_568 = tpu.memref_slice %arg4[%rem3A_566, %rem3A_562, %dma_start3A_567] : memref<3x8x128xi32, #tpu.memory_space<vmem>> -> memref<1x1x128xi32, #tpu.memory_space<vmem>>
      %dma_start3A_569 = tpu.memref_squeeze %dma_start3A_568 : memref<1x1x128xi32, #tpu.memory_space<vmem>> -> memref<128xi32, #tpu.memory_space<vmem>>
      %dma_start3A_570 = arith.constant 0 : i32
      %dma_start3A_571 = arith.constant 0 : i32
      %dma_start3A_572 = tpu.memref_slice %arg6[%dma_start3A_570, %dma_start3A_571] : memref<10128x128xf32, #tpu.memory_space<vmem_shared>> -> memref<10128x128xf32, #tpu.memory_space<vmem_shared>>
      tpu.enqueue_indirect_dma source(%arg5 : memref<128x128xf32, #tpu.memory_space<vmem>>) target(%dma_start3A_572 : memref<10128x128xf32, #tpu.memory_space<vmem_shared>>) offsets(%dma_start3A_569 : memref<128xi32, #tpu.memory_space<vmem>>) semaphore(%arg11 : memref<!tpu.dma_semaphore, #tpu.memory_space<semaphore_mem>>) {add = true}
      %add3A_573 = arith.constant 2 : i32
      %add3A_574 = arith.addi %add3A_537, %add3A_573 : i32
      %ge3A_575 = arith.constant 4 : i32
      %ge3A_576 = arith.cmpi sge, %add3A_574, %ge3A_575 : i32
      %convert_element_type3A_577 = arith.extui %ge3A_576 : i1 to i32
      %cond3A_578 = arith.constant 0 : i32
      %cond3A_579 = arith.cmpi ne, %convert_element_type3A_577, %cond3A_578 : i32
      scf.if %cond3A_579 {
        %sub3A = arith.constant 4 : i32
        %sub3A_612 = arith.subi %add3A_574, %sub3A : i32
        %rem3A_613 = arith.constant 8 : i32
        %rem3A_614 = arith.remsi %sub3A_612, %rem3A_613 : i32
        %div3A_615 = arith.constant 8 : i32
        %div3A_616 = arith.divsi %sub3A_612, %div3A_615 : i32
        %rem3A_617 = arith.constant 3 : i32
        %rem3A_618 = arith.remsi %div3A_616, %rem3A_617 : i32
        %dma_wait3A_619 = arith.constant 0 : i32
        %dma_wait3A_620 = tpu.memref_slice %arg4[%rem3A_618, %rem3A_614, %dma_wait3A_619] : memref<3x8x128xi32, #tpu.memory_space<vmem>> -> memref<1x1x128xi32, #tpu.memory_space<vmem>>
        %dma_wait3A_621 = tpu.memref_squeeze %dma_wait3A_620 : memref<1x1x128xi32, #tpu.memory_space<vmem>> -> memref<128xi32, #tpu.memory_space<vmem>>
        %dma_wait3A_622 = arith.constant 0 : i32
        %dma_wait3A_623 = arith.constant 0 : i32
        %dma_wait3A_624 = tpu.memref_slice %arg6[%dma_wait3A_622, %dma_wait3A_623] : memref<10128x128xf32, #tpu.memory_space<vmem_shared>> -> memref<10128x128xf32, #tpu.memory_space<vmem_shared>>
        tpu.wait_indirect_dma semaphore(%arg12 : memref<!tpu.dma_semaphore, #tpu.memory_space<semaphore_mem>>) src(%arg5 : memref<128x128xf32, #tpu.memory_space<vmem>>) dst(%dma_wait3A_624 : memref<10128x128xf32, #tpu.memory_space<vmem_shared>>)
      } else {
      }
      %rem3A_580 = arith.constant 8 : i32
      %rem3A_581 = arith.remsi %add3A_574, %rem3A_580 : i32
      %div3A_582 = arith.constant 8 : i32
      %div3A_583 = arith.divsi %add3A_574, %div3A_582 : i32
      %rem3A_584 = arith.constant 3 : i32
      %rem3A_585 = arith.remsi %div3A_583, %rem3A_584 : i32
      %dma_start3A_586 = arith.constant 0 : i32
      %dma_start3A_587 = tpu.memref_slice %arg4[%rem3A_585, %rem3A_581, %dma_start3A_586] : memref<3x8x128xi32, #tpu.memory_space<vmem>> -> memref<1x1x128xi32, #tpu.memory_space<vmem>>
      %dma_start3A_588 = tpu.memref_squeeze %dma_start3A_587 : memref<1x1x128xi32, #tpu.memory_space<vmem>> -> memref<128xi32, #tpu.memory_space<vmem>>
      %dma_start3A_589 = arith.constant 0 : i32
      %dma_start3A_590 = arith.constant 0 : i32
      %dma_start3A_591 = tpu.memref_slice %arg6[%dma_start3A_589, %dma_start3A_590] : memref<10128x128xf32, #tpu.memory_space<vmem_shared>> -> memref<10128x128xf32, #tpu.memory_space<vmem_shared>>
      tpu.enqueue_indirect_dma source(%arg5 : memref<128x128xf32, #tpu.memory_space<vmem>>) target(%dma_start3A_591 : memref<10128x128xf32, #tpu.memory_space<vmem_shared>>) offsets(%dma_start3A_588 : memref<128xi32, #tpu.memory_space<vmem>>) semaphore(%arg12 : memref<!tpu.dma_semaphore, #tpu.memory_space<semaphore_mem>>) {add = true}
      %add3A_592 = arith.constant 3 : i32
      %add3A_593 = arith.addi %add3A_537, %add3A_592 : i32
      %ge3A_594 = arith.constant 4 : i32
      %ge3A_595 = arith.cmpi sge, %add3A_593, %ge3A_594 : i32
      %convert_element_type3A_596 = arith.extui %ge3A_595 : i1 to i32
      %cond3A_597 = arith.constant 0 : i32
      %cond3A_598 = arith.cmpi ne, %convert_element_type3A_596, %cond3A_597 : i32
      scf.if %cond3A_598 {
        %sub3A = arith.constant 4 : i32
        %sub3A_612 = arith.subi %add3A_593, %sub3A : i32
        %rem3A_613 = arith.constant 8 : i32
        %rem3A_614 = arith.remsi %sub3A_612, %rem3A_613 : i32
        %div3A_615 = arith.constant 8 : i32
        %div3A_616 = arith.divsi %sub3A_612, %div3A_615 : i32
        %rem3A_617 = arith.constant 3 : i32
        %rem3A_618 = arith.remsi %div3A_616, %rem3A_617 : i32
        %dma_wait3A_619 = arith.constant 0 : i32
        %dma_wait3A_620 = tpu.memref_slice %arg4[%rem3A_618, %rem3A_614, %dma_wait3A_619] : memref<3x8x128xi32, #tpu.memory_space<vmem>> -> memref<1x1x128xi32, #tpu.memory_space<vmem>>
        %dma_wait3A_621 = tpu.memref_squeeze %dma_wait3A_620 : memref<1x1x128xi32, #tpu.memory_space<vmem>> -> memref<128xi32, #tpu.memory_space<vmem>>
        %dma_wait3A_622 = arith.constant 0 : i32
        %dma_wait3A_623 = arith.constant 0 : i32
        %dma_wait3A_624 = tpu.memref_slice %arg6[%dma_wait3A_622, %dma_wait3A_623] : memref<10128x128xf32, #tpu.memory_space<vmem_shared>> -> memref<10128x128xf32, #tpu.memory_space<vmem_shared>>
        tpu.wait_indirect_dma semaphore(%arg13 : memref<!tpu.dma_semaphore, #tpu.memory_space<semaphore_mem>>) src(%arg5 : memref<128x128xf32, #tpu.memory_space<vmem>>) dst(%dma_wait3A_624 : memref<10128x128xf32, #tpu.memory_space<vmem_shared>>)
      } else {
      }
      %rem3A_599 = arith.constant 8 : i32
      %rem3A_600 = arith.remsi %add3A_593, %rem3A_599 : i32
      %div3A_601 = arith.constant 8 : i32
      %div3A_602 = arith.divsi %add3A_593, %div3A_601 : i32
      %rem3A_603 = arith.constant 3 : i32
      %rem3A_604 = arith.remsi %div3A_602, %rem3A_603 : i32
      %dma_start3A_605 = arith.constant 0 : i32
      %dma_start3A_606 = tpu.memref_slice %arg4[%rem3A_604, %rem3A_600, %dma_start3A_605] : memref<3x8x128xi32, #tpu.memory_space<vmem>> -> memref<1x1x128xi32, #tpu.memory_space<vmem>>
      %dma_start3A_607 = tpu.memref_squeeze %dma_start3A_606 : memref<1x1x128xi32, #tpu.memory_space<vmem>> -> memref<128xi32, #tpu.memory_space<vmem>>
      %dma_start3A_608 = arith.constant 0 : i32
      %dma_start3A_609 = arith.constant 0 : i32
      %dma_start3A_610 = tpu.memref_slice %arg6[%dma_start3A_608, %dma_start3A_609] : memref<10128x128xf32, #tpu.memory_space<vmem_shared>> -> memref<10128x128xf32, #tpu.memory_space<vmem_shared>>
      tpu.enqueue_indirect_dma source(%arg5 : memref<128x128xf32, #tpu.memory_space<vmem>>) target(%dma_start3A_610 : memref<10128x128xf32, #tpu.memory_space<vmem_shared>>) offsets(%dma_start3A_607 : memref<128xi32, #tpu.memory_space<vmem>>) semaphore(%arg13 : memref<!tpu.dma_semaphore, #tpu.memory_space<semaphore_mem>>) {add = true}
      %scan3A_611 = arith.constant 0 : i32
      scf.yield %scan3A_611 : i32
    }
    %scan3A_434 = arith.constant 2 : i32
    %dma_wait3A_435 = arith.constant 0 : i32
    %dma_wait3A_436 = arith.constant 0 : i32
    %dma_wait3A_437 = arith.constant 0 : i32
    %dma_wait3A_438 = tpu.memref_slice %arg4[%dma_wait3A_435, %dma_wait3A_436, %dma_wait3A_437] : memref<3x8x128xi32, #tpu.memory_space<vmem>> -> memref<1x8x128xi32, #tpu.memory_space<vmem>>
    %dma_wait3A_439 = tpu.memref_squeeze %dma_wait3A_438 : memref<1x8x128xi32, #tpu.memory_space<vmem>> -> memref<8x128xi32, #tpu.memory_space<vmem>>
    %dma_wait3A_440 = arith.constant 72 : i32
    %dma_wait3A_441 = arith.constant 0 : i32
    %dma_wait3A_442 = tpu.memref_slice %arg2[%add3A, %dma_wait3A_440, %dma_wait3A_441] : memref<32x80x128xi32, #tpu.memory_space<hbm>> -> memref<1x8x128xi32, #tpu.memory_space<hbm>>
    %dma_wait3A_443 = tpu.memref_squeeze %dma_wait3A_442 : memref<1x8x128xi32, #tpu.memory_space<hbm>> -> memref<8x128xi32, #tpu.memory_space<hbm>>
    %dma_wait3A_444 = arith.constant 0 : i32
    %dma_wait3A_445 = arith.constant 0 : i32
    %dma_wait3A_446 = tpu.memref_slice %arg4[%dma_wait3A_435, %dma_wait3A_444, %dma_wait3A_445] : memref<3x8x128xi32, #tpu.memory_space<vmem>> -> memref<1x8x128xi32, #tpu.memory_space<vmem>>
    %dma_wait3A_447 = tpu.memref_squeeze %dma_wait3A_446 : memref<1x8x128xi32, #tpu.memory_space<vmem>> -> memref<8x128xi32, #tpu.memory_space<vmem>>
    %dma_wait3A_448 = arith.constant 72 : i32
    %dma_wait3A_449 = arith.constant 0 : i32
    %dma_wait3A_450 = tpu.memref_slice %arg2[%add3A, %dma_wait3A_448, %dma_wait3A_449] : memref<32x80x128xi32, #tpu.memory_space<hbm>> -> memref<1x8x128xi32, #tpu.memory_space<hbm>>
    %dma_wait3A_451 = tpu.memref_squeeze %dma_wait3A_450 : memref<1x8x128xi32, #tpu.memory_space<hbm>> -> memref<8x128xi32, #tpu.memory_space<hbm>>
    tpu.wait_dma2 semaphore(%arg7 : memref<!tpu.dma_semaphore, #tpu.memory_space<semaphore_mem>>) src(%dma_wait3A_451 : memref<8x128xi32, #tpu.memory_space<hbm>>) dst(%dma_wait3A_447 : memref<8x128xi32, #tpu.memory_space<vmem>>)
    %scan3A_452 = arith.constant 0 : i32
    %scan3A_453 = arith.constant 0 : i32
    %scan3A_454 = arith.constant 2 : i32
    %scan3A_455 = arith.addi %scan3A_453, %scan3A_454 : i32
    %scan3A_456 = arith.constant 1 : i32
    %scan3A_457 = scf.for %scan3A_532 = %scan3A_453 to %scan3A_455 step %scan3A_456 iter_args(%scan3A_533 = %scan3A_452) -> (i32)  : i32 {
      %mul3A_534 = arith.constant 4 : i32
      %mul3A_535 = arith.muli %mul3A_534, %scan3A_532 : i32
      %add3A_536 = arith.constant 72 : i32
      %add3A_537 = arith.addi %add3A_536, %mul3A_535 : i32
      %add3A_538 = arith.constant 0 : i32
      %add3A_539 = arith.addi %add3A_537, %add3A_538 : i32
      %ge3A = arith.constant 4 : i32
      %ge3A_540 = arith.cmpi sge, %add3A_539, %ge3A : i32
      %convert_element_type3A_541 = arith.extui %ge3A_540 : i1 to i32
      %cond3A_542 = arith.constant 0 : i32
      %cond3A_543 = arith.cmpi ne, %convert_element_type3A_541, %cond3A_542 : i32
      scf.if %cond3A_543 {
        %sub3A = arith.constant 4 : i32
        %sub3A_612 = arith.subi %add3A_539, %sub3A : i32
        %rem3A_613 = arith.constant 8 : i32
        %rem3A_614 = arith.remsi %sub3A_612, %rem3A_613 : i32
        %div3A_615 = arith.constant 8 : i32
        %div3A_616 = arith.divsi %sub3A_612, %div3A_615 : i32
        %rem3A_617 = arith.constant 3 : i32
        %rem3A_618 = arith.remsi %div3A_616, %rem3A_617 : i32
        %dma_wait3A_619 = arith.constant 0 : i32
        %dma_wait3A_620 = tpu.memref_slice %arg4[%rem3A_618, %rem3A_614, %dma_wait3A_619] : memref<3x8x128xi32, #tpu.memory_space<vmem>> -> memref<1x1x128xi32, #tpu.memory_space<vmem>>
        %dma_wait3A_621 = tpu.memref_squeeze %dma_wait3A_620 : memref<1x1x128xi32, #tpu.memory_space<vmem>> -> memref<128xi32, #tpu.memory_space<vmem>>
        %dma_wait3A_622 = arith.constant 0 : i32
        %dma_wait3A_623 = arith.constant 0 : i32
        %dma_wait3A_624 = tpu.memref_slice %arg6[%dma_wait3A_622, %dma_wait3A_623] : memref<10128x128xf32, #tpu.memory_space<vmem_shared>> -> memref<10128x128xf32, #tpu.memory_space<vmem_shared>>
        tpu.wait_indirect_dma semaphore(%arg10 : memref<!tpu.dma_semaphore, #tpu.memory_space<semaphore_mem>>) src(%arg5 : memref<128x128xf32, #tpu.memory_space<vmem>>) dst(%dma_wait3A_624 : memref<10128x128xf32, #tpu.memory_space<vmem_shared>>)
      } else {
      }
      %rem3A = arith.constant 8 : i32
      %rem3A_544 = arith.remsi %add3A_539, %rem3A : i32
      %div3A = arith.constant 8 : i32
      %div3A_545 = arith.divsi %add3A_539, %div3A : i32
      %rem3A_546 = arith.constant 3 : i32
      %rem3A_547 = arith.remsi %div3A_545, %rem3A_546 : i32
      %dma_start3A_548 = arith.constant 0 : i32
      %dma_start3A_549 = tpu.memref_slice %arg4[%rem3A_547, %rem3A_544, %dma_start3A_548] : memref<3x8x128xi32, #tpu.memory_space<vmem>> -> memref<1x1x128xi32, #tpu.memory_space<vmem>>
      %dma_start3A_550 = tpu.memref_squeeze %dma_start3A_549 : memref<1x1x128xi32, #tpu.memory_space<vmem>> -> memref<128xi32, #tpu.memory_space<vmem>>
      %dma_start3A_551 = arith.constant 0 : i32
      %dma_start3A_552 = arith.constant 0 : i32
      %dma_start3A_553 = tpu.memref_slice %arg6[%dma_start3A_551, %dma_start3A_552] : memref<10128x128xf32, #tpu.memory_space<vmem_shared>> -> memref<10128x128xf32, #tpu.memory_space<vmem_shared>>
      tpu.enqueue_indirect_dma source(%arg5 : memref<128x128xf32, #tpu.memory_space<vmem>>) target(%dma_start3A_553 : memref<10128x128xf32, #tpu.memory_space<vmem_shared>>) offsets(%dma_start3A_550 : memref<128xi32, #tpu.memory_space<vmem>>) semaphore(%arg10 : memref<!tpu.dma_semaphore, #tpu.memory_space<semaphore_mem>>) {add = true}
      %add3A_554 = arith.constant 1 : i32
      %add3A_555 = arith.addi %add3A_537, %add3A_554 : i32
      %ge3A_556 = arith.constant 4 : i32
      %ge3A_557 = arith.cmpi sge, %add3A_555, %ge3A_556 : i32
      %convert_element_type3A_558 = arith.extui %ge3A_557 : i1 to i32
      %cond3A_559 = arith.constant 0 : i32
      %cond3A_560 = arith.cmpi ne, %convert_element_type3A_558, %cond3A_559 : i32
      scf.if %cond3A_560 {
        %sub3A = arith.constant 4 : i32
        %sub3A_612 = arith.subi %add3A_555, %sub3A : i32
        %rem3A_613 = arith.constant 8 : i32
        %rem3A_614 = arith.remsi %sub3A_612, %rem3A_613 : i32
        %div3A_615 = arith.constant 8 : i32
        %div3A_616 = arith.divsi %sub3A_612, %div3A_615 : i32
        %rem3A_617 = arith.constant 3 : i32
        %rem3A_618 = arith.remsi %div3A_616, %rem3A_617 : i32
        %dma_wait3A_619 = arith.constant 0 : i32
        %dma_wait3A_620 = tpu.memref_slice %arg4[%rem3A_618, %rem3A_614, %dma_wait3A_619] : memref<3x8x128xi32, #tpu.memory_space<vmem>> -> memref<1x1x128xi32, #tpu.memory_space<vmem>>
        %dma_wait3A_621 = tpu.memref_squeeze %dma_wait3A_620 : memref<1x1x128xi32, #tpu.memory_space<vmem>> -> memref<128xi32, #tpu.memory_space<vmem>>
        %dma_wait3A_622 = arith.constant 0 : i32
        %dma_wait3A_623 = arith.constant 0 : i32
        %dma_wait3A_624 = tpu.memref_slice %arg6[%dma_wait3A_622, %dma_wait3A_623] : memref<10128x128xf32, #tpu.memory_space<vmem_shared>> -> memref<10128x128xf32, #tpu.memory_space<vmem_shared>>
        tpu.wait_indirect_dma semaphore(%arg11 : memref<!tpu.dma_semaphore, #tpu.memory_space<semaphore_mem>>) src(%arg5 : memref<128x128xf32, #tpu.memory_space<vmem>>) dst(%dma_wait3A_624 : memref<10128x128xf32, #tpu.memory_space<vmem_shared>>)
      } else {
      }
      %rem3A_561 = arith.constant 8 : i32
      %rem3A_562 = arith.remsi %add3A_555, %rem3A_561 : i32
      %div3A_563 = arith.constant 8 : i32
      %div3A_564 = arith.divsi %add3A_555, %div3A_563 : i32
      %rem3A_565 = arith.constant 3 : i32
      %rem3A_566 = arith.remsi %div3A_564, %rem3A_565 : i32
      %dma_start3A_567 = arith.constant 0 : i32
      %dma_start3A_568 = tpu.memref_slice %arg4[%rem3A_566, %rem3A_562, %dma_start3A_567] : memref<3x8x128xi32, #tpu.memory_space<vmem>> -> memref<1x1x128xi32, #tpu.memory_space<vmem>>
      %dma_start3A_569 = tpu.memref_squeeze %dma_start3A_568 : memref<1x1x128xi32, #tpu.memory_space<vmem>> -> memref<128xi32, #tpu.memory_space<vmem>>
      %dma_start3A_570 = arith.constant 0 : i32
      %dma_start3A_571 = arith.constant 0 : i32
      %dma_start3A_572 = tpu.memref_slice %arg6[%dma_start3A_570, %dma_start3A_571] : memref<10128x128xf32, #tpu.memory_space<vmem_shared>> -> memref<10128x128xf32, #tpu.memory_space<vmem_shared>>
      tpu.enqueue_indirect_dma source(%arg5 : memref<128x128xf32, #tpu.memory_space<vmem>>) target(%dma_start3A_572 : memref<10128x128xf32, #tpu.memory_space<vmem_shared>>) offsets(%dma_start3A_569 : memref<128xi32, #tpu.memory_space<vmem>>) semaphore(%arg11 : memref<!tpu.dma_semaphore, #tpu.memory_space<semaphore_mem>>) {add = true}
      %add3A_573 = arith.constant 2 : i32
      %add3A_574 = arith.addi %add3A_537, %add3A_573 : i32
      %ge3A_575 = arith.constant 4 : i32
      %ge3A_576 = arith.cmpi sge, %add3A_574, %ge3A_575 : i32
      %convert_element_type3A_577 = arith.extui %ge3A_576 : i1 to i32
      %cond3A_578 = arith.constant 0 : i32
      %cond3A_579 = arith.cmpi ne, %convert_element_type3A_577, %cond3A_578 : i32
      scf.if %cond3A_579 {
        %sub3A = arith.constant 4 : i32
        %sub3A_612 = arith.subi %add3A_574, %sub3A : i32
        %rem3A_613 = arith.constant 8 : i32
        %rem3A_614 = arith.remsi %sub3A_612, %rem3A_613 : i32
        %div3A_615 = arith.constant 8 : i32
        %div3A_616 = arith.divsi %sub3A_612, %div3A_615 : i32
        %rem3A_617 = arith.constant 3 : i32
        %rem3A_618 = arith.remsi %div3A_616, %rem3A_617 : i32
        %dma_wait3A_619 = arith.constant 0 : i32
        %dma_wait3A_620 = tpu.memref_slice %arg4[%rem3A_618, %rem3A_614, %dma_wait3A_619] : memref<3x8x128xi32, #tpu.memory_space<vmem>> -> memref<1x1x128xi32, #tpu.memory_space<vmem>>
        %dma_wait3A_621 = tpu.memref_squeeze %dma_wait3A_620 : memref<1x1x128xi32, #tpu.memory_space<vmem>> -> memref<128xi32, #tpu.memory_space<vmem>>
        %dma_wait3A_622 = arith.constant 0 : i32
        %dma_wait3A_623 = arith.constant 0 : i32
        %dma_wait3A_624 = tpu.memref_slice %arg6[%dma_wait3A_622, %dma_wait3A_623] : memref<10128x128xf32, #tpu.memory_space<vmem_shared>> -> memref<10128x128xf32, #tpu.memory_space<vmem_shared>>
        tpu.wait_indirect_dma semaphore(%arg12 : memref<!tpu.dma_semaphore, #tpu.memory_space<semaphore_mem>>) src(%arg5 : memref<128x128xf32, #tpu.memory_space<vmem>>) dst(%dma_wait3A_624 : memref<10128x128xf32, #tpu.memory_space<vmem_shared>>)
      } else {
      }
      %rem3A_580 = arith.constant 8 : i32
      %rem3A_581 = arith.remsi %add3A_574, %rem3A_580 : i32
      %div3A_582 = arith.constant 8 : i32
      %div3A_583 = arith.divsi %add3A_574, %div3A_582 : i32
      %rem3A_584 = arith.constant 3 : i32
      %rem3A_585 = arith.remsi %div3A_583, %rem3A_584 : i32
      %dma_start3A_586 = arith.constant 0 : i32
      %dma_start3A_587 = tpu.memref_slice %arg4[%rem3A_585, %rem3A_581, %dma_start3A_586] : memref<3x8x128xi32, #tpu.memory_space<vmem>> -> memref<1x1x128xi32, #tpu.memory_space<vmem>>
      %dma_start3A_588 = tpu.memref_squeeze %dma_start3A_587 : memref<1x1x128xi32, #tpu.memory_space<vmem>> -> memref<128xi32, #tpu.memory_space<vmem>>
      %dma_start3A_589 = arith.constant 0 : i32
      %dma_start3A_590 = arith.constant 0 : i32
      %dma_start3A_591 = tpu.memref_slice %arg6[%dma_start3A_589, %dma_start3A_590] : memref<10128x128xf32, #tpu.memory_space<vmem_shared>> -> memref<10128x128xf32, #tpu.memory_space<vmem_shared>>
      tpu.enqueue_indirect_dma source(%arg5 : memref<128x128xf32, #tpu.memory_space<vmem>>) target(%dma_start3A_591 : memref<10128x128xf32, #tpu.memory_space<vmem_shared>>) offsets(%dma_start3A_588 : memref<128xi32, #tpu.memory_space<vmem>>) semaphore(%arg12 : memref<!tpu.dma_semaphore, #tpu.memory_space<semaphore_mem>>) {add = true}
      %add3A_592 = arith.constant 3 : i32
      %add3A_593 = arith.addi %add3A_537, %add3A_592 : i32
      %ge3A_594 = arith.constant 4 : i32
      %ge3A_595 = arith.cmpi sge, %add3A_593, %ge3A_594 : i32
      %convert_element_type3A_596 = arith.extui %ge3A_595 : i1 to i32
      %cond3A_597 = arith.constant 0 : i32
      %cond3A_598 = arith.cmpi ne, %convert_element_type3A_596, %cond3A_597 : i32
      scf.if %cond3A_598 {
        %sub3A = arith.constant 4 : i32
        %sub3A_612 = arith.subi %add3A_593, %sub3A : i32
        %rem3A_613 = arith.constant 8 : i32
        %rem3A_614 = arith.remsi %sub3A_612, %rem3A_613 : i32
        %div3A_615 = arith.constant 8 : i32
        %div3A_616 = arith.divsi %sub3A_612, %div3A_615 : i32
        %rem3A_617 = arith.constant 3 : i32
        %rem3A_618 = arith.remsi %div3A_616, %rem3A_617 : i32
        %dma_wait3A_619 = arith.constant 0 : i32
        %dma_wait3A_620 = tpu.memref_slice %arg4[%rem3A_618, %rem3A_614, %dma_wait3A_619] : memref<3x8x128xi32, #tpu.memory_space<vmem>> -> memref<1x1x128xi32, #tpu.memory_space<vmem>>
        %dma_wait3A_621 = tpu.memref_squeeze %dma_wait3A_620 : memref<1x1x128xi32, #tpu.memory_space<vmem>> -> memref<128xi32, #tpu.memory_space<vmem>>
        %dma_wait3A_622 = arith.constant 0 : i32
        %dma_wait3A_623 = arith.constant 0 : i32
        %dma_wait3A_624 = tpu.memref_slice %arg6[%dma_wait3A_622, %dma_wait3A_623] : memref<10128x128xf32, #tpu.memory_space<vmem_shared>> -> memref<10128x128xf32, #tpu.memory_space<vmem_shared>>
        tpu.wait_indirect_dma semaphore(%arg13 : memref<!tpu.dma_semaphore, #tpu.memory_space<semaphore_mem>>) src(%arg5 : memref<128x128xf32, #tpu.memory_space<vmem>>) dst(%dma_wait3A_624 : memref<10128x128xf32, #tpu.memory_space<vmem_shared>>)
      } else {
      }
      %rem3A_599 = arith.constant 8 : i32
      %rem3A_600 = arith.remsi %add3A_593, %rem3A_599 : i32
      %div3A_601 = arith.constant 8 : i32
      %div3A_602 = arith.divsi %add3A_593, %div3A_601 : i32
      %rem3A_603 = arith.constant 3 : i32
      %rem3A_604 = arith.remsi %div3A_602, %rem3A_603 : i32
      %dma_start3A_605 = arith.constant 0 : i32
      %dma_start3A_606 = tpu.memref_slice %arg4[%rem3A_604, %rem3A_600, %dma_start3A_605] : memref<3x8x128xi32, #tpu.memory_space<vmem>> -> memref<1x1x128xi32, #tpu.memory_space<vmem>>
      %dma_start3A_607 = tpu.memref_squeeze %dma_start3A_606 : memref<1x1x128xi32, #tpu.memory_space<vmem>> -> memref<128xi32, #tpu.memory_space<vmem>>
      %dma_start3A_608 = arith.constant 0 : i32
      %dma_start3A_609 = arith.constant 0 : i32
      %dma_start3A_610 = tpu.memref_slice %arg6[%dma_start3A_608, %dma_start3A_609] : memref<10128x128xf32, #tpu.memory_space<vmem_shared>> -> memref<10128x128xf32, #tpu.memory_space<vmem_shared>>
      tpu.enqueue_indirect_dma source(%arg5 : memref<128x128xf32, #tpu.memory_space<vmem>>) target(%dma_start3A_610 : memref<10128x128xf32, #tpu.memory_space<vmem_shared>>) offsets(%dma_start3A_607 : memref<128xi32, #tpu.memory_space<vmem>>) semaphore(%arg13 : memref<!tpu.dma_semaphore, #tpu.memory_space<semaphore_mem>>) {add = true}
      %scan3A_611 = arith.constant 0 : i32
      scf.yield %scan3A_611 : i32
    }
    %scan3A_458 = arith.constant 2 : i32
    %dma_wait3A_459 = arith.constant 0 : i32
    %dma_wait3A_460 = arith.constant 4 : i32
    %dma_wait3A_461 = arith.constant 0 : i32
    %dma_wait3A_462 = tpu.memref_slice %arg4[%dma_wait3A_459, %dma_wait3A_460, %dma_wait3A_461] : memref<3x8x128xi32, #tpu.memory_space<vmem>> -> memref<1x1x128xi32, #tpu.memory_space<vmem>>
    %dma_wait3A_463 = tpu.memref_squeeze %dma_wait3A_462 : memref<1x1x128xi32, #tpu.memory_space<vmem>> -> memref<128xi32, #tpu.memory_space<vmem>>
    %dma_wait3A_464 = arith.constant 0 : i32
    %dma_wait3A_465 = arith.constant 0 : i32
    %dma_wait3A_466 = tpu.memref_slice %arg6[%dma_wait3A_464, %dma_wait3A_465] : memref<10128x128xf32, #tpu.memory_space<vmem_shared>> -> memref<10128x128xf32, #tpu.memory_space<vmem_shared>>
    tpu.wait_indirect_dma semaphore(%arg10 : memref<!tpu.dma_semaphore, #tpu.memory_space<semaphore_mem>>) src(%arg5 : memref<128x128xf32, #tpu.memory_space<vmem>>) dst(%dma_wait3A_466 : memref<10128x128xf32, #tpu.memory_space<vmem_shared>>)
    %dma_wait3A_467 = arith.constant 0 : i32
    %dma_wait3A_468 = arith.constant 5 : i32
    %dma_wait3A_469 = arith.constant 0 : i32
    %dma_wait3A_470 = tpu.memref_slice %arg4[%dma_wait3A_467, %dma_wait3A_468, %dma_wait3A_469] : memref<3x8x128xi32, #tpu.memory_space<vmem>> -> memref<1x1x128xi32, #tpu.memory_space<vmem>>
    %dma_wait3A_471 = tpu.memref_squeeze %dma_wait3A_470 : memref<1x1x128xi32, #tpu.memory_space<vmem>> -> memref<128xi32, #tpu.memory_space<vmem>>
    %dma_wait3A_472 = arith.constant 0 : i32
    %dma_wait3A_473 = arith.constant 0 : i32
    %dma_wait3A_474 = tpu.memref_slice %arg6[%dma_wait3A_472, %dma_wait3A_473] : memref<10128x128xf32, #tpu.memory_space<vmem_shared>> -> memref<10128x128xf32, #tpu.memory_space<vmem_shared>>
    tpu.wait_indirect_dma semaphore(%arg11 : memref<!tpu.dma_semaphore, #tpu.memory_space<semaphore_mem>>) src(%arg5 : memref<128x128xf32, #tpu.memory_space<vmem>>) dst(%dma_wait3A_474 : memref<10128x128xf32, #tpu.memory_space<vmem_shared>>)
    %dma_wait3A_475 = arith.constant 0 : i32
    %dma_wait3A_476 = arith.constant 6 : i32
    %dma_wait3A_477 = arith.constant 0 : i32
    %dma_wait3A_478 = tpu.memref_slice %arg4[%dma_wait3A_475, %dma_wait3A_476, %dma_wait3A_477] : memref<3x8x128xi32, #tpu.memory_space<vmem>> -> memref<1x1x128xi32, #tpu.memory_space<vmem>>
    %dma_wait3A_479 = tpu.memref_squeeze %dma_wait3A_478 : memref<1x1x128xi32, #tpu.memory_space<vmem>> -> memref<128xi32, #tpu.memory_space<vmem>>
    %dma_wait3A_480 = arith.constant 0 : i32
    %dma_wait3A_481 = arith.constant 0 : i32
    %dma_wait3A_482 = tpu.memref_slice %arg6[%dma_wait3A_480, %dma_wait3A_481] : memref<10128x128xf32, #tpu.memory_space<vmem_shared>> -> memref<10128x128xf32, #tpu.memory_space<vmem_shared>>
    tpu.wait_indirect_dma semaphore(%arg12 : memref<!tpu.dma_semaphore, #tpu.memory_space<semaphore_mem>>) src(%arg5 : memref<128x128xf32, #tpu.memory_space<vmem>>) dst(%dma_wait3A_482 : memref<10128x128xf32, #tpu.memory_space<vmem_shared>>)
    %dma_wait3A_483 = arith.constant 0 : i32
    %dma_wait3A_484 = arith.constant 7 : i32
    %dma_wait3A_485 = arith.constant 0 : i32
    %dma_wait3A_486 = tpu.memref_slice %arg4[%dma_wait3A_483, %dma_wait3A_484, %dma_wait3A_485] : memref<3x8x128xi32, #tpu.memory_space<vmem>> -> memref<1x1x128xi32, #tpu.memory_space<vmem>>
    %dma_wait3A_487 = tpu.memref_squeeze %dma_wait3A_486 : memref<1x1x128xi32, #tpu.memory_space<vmem>> -> memref<128xi32, #tpu.memory_space<vmem>>
    %dma_wait3A_488 = arith.constant 0 : i32
    %dma_wait3A_489 = arith.constant 0 : i32
    %dma_wait3A_490 = tpu.memref_slice %arg6[%dma_wait3A_488, %dma_wait3A_489] : memref<10128x128xf32, #tpu.memory_space<vmem_shared>> -> memref<10128x128xf32, #tpu.memory_space<vmem_shared>>
    tpu.wait_indirect_dma semaphore(%arg13 : memref<!tpu.dma_semaphore, #tpu.memory_space<semaphore_mem>>) src(%arg5 : memref<128x128xf32, #tpu.memory_space<vmem>>) dst(%dma_wait3A_490 : memref<10128x128xf32, #tpu.memory_space<vmem_shared>>)
    %barrier3A_491 = arith.constant 0 : index
    tpu.barrier barrier_id(%barrier3A_491)
    %add3A_492 = arith.constant 0 : i32
    %add3A_493 = arith.addi %add3A_492, %arg1 : i32
    %lt3A_494 = arith.constant 78 : i32
    %lt3A_495 = arith.cmpi slt, %add3A_493, %lt3A_494 : i32
    %convert_element_type3A_496 = arith.extui %lt3A_495 : i1 to i32
    %cond3A_497 = arith.constant 0 : i32
    %cond3A_498 = arith.cmpi ne, %convert_element_type3A_496, %cond3A_497 : i32
    scf.if %cond3A_498 {
      %mul3A_532 = arith.constant 128 : i32
      %mul3A_533 = arith.muli %add3A_493, %mul3A_532 : i32
      "tpu.region"() ({
        %run_scoped3A = tpu.sem_alloc : memref<!tpu.dma_semaphore, #tpu.memory_space<semaphore_mem>>
        %dma_start3A_534 = arith.constant 0 : i32
        %dma_start3A_535 = tpu.memref_slice %arg6[%mul3A_533, %dma_start3A_534] : memref<10128x128xf32, #tpu.memory_space<vmem_shared>> -> memref<128x128xf32, #tpu.memory_space<vmem_shared>>
        %dma_start3A_536 = arith.constant 0 : i32
        %dma_start3A_537 = tpu.memref_slice %arg6[%mul3A_533, %dma_start3A_536] : memref<10128x128xf32, #tpu.memory_space<vmem_shared>> -> memref<128x128xf32, #tpu.memory_space<vmem_shared>>
        tpu.enqueue_dma source(%dma_start3A_537 : memref<128x128xf32, #tpu.memory_space<vmem_shared>>) target(%arg5 : memref<128x128xf32, #tpu.memory_space<vmem>>) target_semaphore(%run_scoped3A : memref<!tpu.dma_semaphore, #tpu.memory_space<semaphore_mem>>)
        %dma_wait3A_538 = arith.constant 0 : i32
        %dma_wait3A_539 = tpu.memref_slice %arg6[%mul3A_533, %dma_wait3A_538] : memref<10128x128xf32, #tpu.memory_space<vmem_shared>> -> memref<128x128xf32, #tpu.memory_space<vmem_shared>>
        %dma_wait3A_540 = arith.constant 0 : i32
        %dma_wait3A_541 = tpu.memref_slice %arg6[%mul3A_533, %dma_wait3A_540] : memref<10128x128xf32, #tpu.memory_space<vmem_shared>> -> memref<128x128xf32, #tpu.memory_space<vmem_shared>>
        tpu.wait_dma2 semaphore(%run_scoped3A : memref<!tpu.dma_semaphore, #tpu.memory_space<semaphore_mem>>) src(%dma_wait3A_541 : memref<128x128xf32, #tpu.memory_space<vmem_shared>>) dst(%arg5 : memref<128x128xf32, #tpu.memory_space<vmem>>)
        tpu.yield
      }) : () -> ()
      "tpu.region"() ({
        %run_scoped3A = tpu.sem_alloc : memref<!tpu.dma_semaphore, #tpu.memory_space<semaphore_mem>>
        %dma_start3A_534 = arith.constant 0 : i32
        %dma_start3A_535 = tpu.memref_slice %arg3[%arg0, %mul3A_533, %dma_start3A_534] : memref<2x10000x128xf32, #tpu.memory_space<hbm>> -> memref<1x128x128xf32, #tpu.memory_space<hbm>>
        %dma_start3A_536 = tpu.memref_squeeze %dma_start3A_535 : memref<1x128x128xf32, #tpu.memory_space<hbm>> -> memref<128x128xf32, #tpu.memory_space<hbm>>
        %dma_start3A_537 = arith.constant 0 : i32
        %dma_start3A_538 = tpu.memref_slice %arg3[%arg0, %mul3A_533, %dma_start3A_537] : memref<2x10000x128xf32, #tpu.memory_space<hbm>> -> memref<1x128x128xf32, #tpu.memory_space<hbm>>
        %dma_start3A_539 = tpu.memref_squeeze %dma_start3A_538 : memref<1x128x128xf32, #tpu.memory_space<hbm>> -> memref<128x128xf32, #tpu.memory_space<hbm>>
        tpu.enqueue_dma source(%arg5 : memref<128x128xf32, #tpu.memory_space<vmem>>) target(%dma_start3A_539 : memref<128x128xf32, #tpu.memory_space<hbm>>) target_semaphore(%run_scoped3A : memref<!tpu.dma_semaphore, #tpu.memory_space<semaphore_mem>>)
        %dma_wait3A_540 = arith.constant 0 : i32
        %dma_wait3A_541 = tpu.memref_slice %arg3[%arg0, %mul3A_533, %dma_wait3A_540] : memref<2x10000x128xf32, #tpu.memory_space<hbm>> -> memref<1x128x128xf32, #tpu.memory_space<hbm>>
        %dma_wait3A_542 = tpu.memref_squeeze %dma_wait3A_541 : memref<1x128x128xf32, #tpu.memory_space<hbm>> -> memref<128x128xf32, #tpu.memory_space<hbm>>
        %dma_wait3A_543 = arith.constant 0 : i32
        %dma_wait3A_544 = tpu.memref_slice %arg3[%arg0, %mul3A_533, %dma_wait3A_543] : memref<2x10000x128xf32, #tpu.memory_space<hbm>> -> memref<1x128x128xf32, #tpu.memory_space<hbm>>
        %dma_wait3A_545 = tpu.memref_squeeze %dma_wait3A_544 : memref<1x128x128xf32, #tpu.memory_space<hbm>> -> memref<128x128xf32, #tpu.memory_space<hbm>>
        tpu.wait_dma2 semaphore(%run_scoped3A : memref<!tpu.dma_semaphore, #tpu.memory_space<semaphore_mem>>) src(%arg5 : memref<128x128xf32, #tpu.memory_space<vmem>>) dst(%dma_wait3A_545 : memref<128x128xf32, #tpu.memory_space<hbm>>)
        tpu.yield
      }) : () -> ()
    } else {
    }
    %add3A_499 = arith.constant 16 : i32
    %add3A_500 = arith.addi %add3A_499, %arg1 : i32
    %lt3A_501 = arith.constant 78 : i32
    %lt3A_502 = arith.cmpi slt, %add3A_500, %lt3A_501 : i32
    %convert_element_type3A_503 = arith.extui %lt3A_502 : i1 to i32
    %cond3A_504 = arith.constant 0 : i32
    %cond3A_505 = arith.cmpi ne, %convert_element_type3A_503, %cond3A_504 : i32
    scf.if %cond3A_505 {
      %mul3A_532 = arith.constant 128 : i32
      %mul3A_533 = arith.muli %add3A_500, %mul3A_532 : i32
      "tpu.region"() ({
        %run_scoped3A = tpu.sem_alloc : memref<!tpu.dma_semaphore, #tpu.memory_space<semaphore_mem>>
        %dma_start3A_534 = arith.constant 0 : i32
        %dma_start3A_535 = tpu.memref_slice %arg6[%mul3A_533, %dma_start3A_534] : memref<10128x128xf32, #tpu.memory_space<vmem_shared>> -> memref<128x128xf32, #tpu.memory_space<vmem_shared>>
        %dma_start3A_536 = arith.constant 0 : i32
        %dma_start3A_537 = tpu.memref_slice %arg6[%mul3A_533, %dma_start3A_536] : memref<10128x128xf32, #tpu.memory_space<vmem_shared>> -> memref<128x128xf32, #tpu.memory_space<vmem_shared>>
        tpu.enqueue_dma source(%dma_start3A_537 : memref<128x128xf32, #tpu.memory_space<vmem_shared>>) target(%arg5 : memref<128x128xf32, #tpu.memory_space<vmem>>) target_semaphore(%run_scoped3A : memref<!tpu.dma_semaphore, #tpu.memory_space<semaphore_mem>>)
        %dma_wait3A_538 = arith.constant 0 : i32
        %dma_wait3A_539 = tpu.memref_slice %arg6[%mul3A_533, %dma_wait3A_538] : memref<10128x128xf32, #tpu.memory_space<vmem_shared>> -> memref<128x128xf32, #tpu.memory_space<vmem_shared>>
        %dma_wait3A_540 = arith.constant 0 : i32
        %dma_wait3A_541 = tpu.memref_slice %arg6[%mul3A_533, %dma_wait3A_540] : memref<10128x128xf32, #tpu.memory_space<vmem_shared>> -> memref<128x128xf32, #tpu.memory_space<vmem_shared>>
        tpu.wait_dma2 semaphore(%run_scoped3A : memref<!tpu.dma_semaphore, #tpu.memory_space<semaphore_mem>>) src(%dma_wait3A_541 : memref<128x128xf32, #tpu.memory_space<vmem_shared>>) dst(%arg5 : memref<128x128xf32, #tpu.memory_space<vmem>>)
        tpu.yield
      }) : () -> ()
      "tpu.region"() ({
        %run_scoped3A = tpu.sem_alloc : memref<!tpu.dma_semaphore, #tpu.memory_space<semaphore_mem>>
        %dma_start3A_534 = arith.constant 0 : i32
        %dma_start3A_535 = tpu.memref_slice %arg3[%arg0, %mul3A_533, %dma_start3A_534] : memref<2x10000x128xf32, #tpu.memory_space<hbm>> -> memref<1x128x128xf32, #tpu.memory_space<hbm>>
        %dma_start3A_536 = tpu.memref_squeeze %dma_start3A_535 : memref<1x128x128xf32, #tpu.memory_space<hbm>> -> memref<128x128xf32, #tpu.memory_space<hbm>>
        %dma_start3A_537 = arith.constant 0 : i32
        %dma_start3A_538 = tpu.memref_slice %arg3[%arg0, %mul3A_533, %dma_start3A_537] : memref<2x10000x128xf32, #tpu.memory_space<hbm>> -> memref<1x128x128xf32, #tpu.memory_space<hbm>>
        %dma_start3A_539 = tpu.memref_squeeze %dma_start3A_538 : memref<1x128x128xf32, #tpu.memory_space<hbm>> -> memref<128x128xf32, #tpu.memory_space<hbm>>
        tpu.enqueue_dma source(%arg5 : memref<128x128xf32, #tpu.memory_space<vmem>>) target(%dma_start3A_539 : memref<128x128xf32, #tpu.memory_space<hbm>>) target_semaphore(%run_scoped3A : memref<!tpu.dma_semaphore, #tpu.memory_space<semaphore_mem>>)
        %dma_wait3A_540 = arith.constant 0 : i32
        %dma_wait3A_541 = tpu.memref_slice %arg3[%arg0, %mul3A_533, %dma_wait3A_540] : memref<2x10000x128xf32, #tpu.memory_space<hbm>> -> memref<1x128x128xf32, #tpu.memory_space<hbm>>
        %dma_wait3A_542 = tpu.memref_squeeze %dma_wait3A_541 : memref<1x128x128xf32, #tpu.memory_space<hbm>> -> memref<128x128xf32, #tpu.memory_space<hbm>>
        %dma_wait3A_543 = arith.constant 0 : i32
        %dma_wait3A_544 = tpu.memref_slice %arg3[%arg0, %mul3A_533, %dma_wait3A_543] : memref<2x10000x128xf32, #tpu.memory_space<hbm>> -> memref<1x128x128xf32, #tpu.memory_space<hbm>>
        %dma_wait3A_545 = tpu.memref_squeeze %dma_wait3A_544 : memref<1x128x128xf32, #tpu.memory_space<hbm>> -> memref<128x128xf32, #tpu.memory_space<hbm>>
        tpu.wait_dma2 semaphore(%run_scoped3A : memref<!tpu.dma_semaphore, #tpu.memory_space<semaphore_mem>>) src(%arg5 : memref<128x128xf32, #tpu.memory_space<vmem>>) dst(%dma_wait3A_545 : memref<128x128xf32, #tpu.memory_space<hbm>>)
        tpu.yield
      }) : () -> ()
    } else {
    }
    %add3A_506 = arith.constant 32 : i32
    %add3A_507 = arith.addi %add3A_506, %arg1 : i32
    %lt3A_508 = arith.constant 78 : i32
    %lt3A_509 = arith.cmpi slt, %add3A_507, %lt3A_508 : i32
    %convert_element_type3A_510 = arith.extui %lt3A_509 : i1 to i32
    %cond3A_511 = arith.constant 0 : i32
    %cond3A_512 = arith.cmpi ne, %convert_element_type3A_510, %cond3A_511 : i32
    scf.if %cond3A_512 {
      %mul3A_532 = arith.constant 128 : i32
      %mul3A_533 = arith.muli %add3A_507, %mul3A_532 : i32
      "tpu.region"() ({
        %run_scoped3A = tpu.sem_alloc : memref<!tpu.dma_semaphore, #tpu.memory_space<semaphore_mem>>
        %dma_start3A_534 = arith.constant 0 : i32
        %dma_start3A_535 = tpu.memref_slice %arg6[%mul3A_533, %dma_start3A_534] : memref<10128x128xf32, #tpu.memory_space<vmem_shared>> -> memref<128x128xf32, #tpu.memory_space<vmem_shared>>
        %dma_start3A_536 = arith.constant 0 : i32
        %dma_start3A_537 = tpu.memref_slice %arg6[%mul3A_533, %dma_start3A_536] : memref<10128x128xf32, #tpu.memory_space<vmem_shared>> -> memref<128x128xf32, #tpu.memory_space<vmem_shared>>
        tpu.enqueue_dma source(%dma_start3A_537 : memref<128x128xf32, #tpu.memory_space<vmem_shared>>) target(%arg5 : memref<128x128xf32, #tpu.memory_space<vmem>>) target_semaphore(%run_scoped3A : memref<!tpu.dma_semaphore, #tpu.memory_space<semaphore_mem>>)
        %dma_wait3A_538 = arith.constant 0 : i32
        %dma_wait3A_539 = tpu.memref_slice %arg6[%mul3A_533, %dma_wait3A_538] : memref<10128x128xf32, #tpu.memory_space<vmem_shared>> -> memref<128x128xf32, #tpu.memory_space<vmem_shared>>
        %dma_wait3A_540 = arith.constant 0 : i32
        %dma_wait3A_541 = tpu.memref_slice %arg6[%mul3A_533, %dma_wait3A_540] : memref<10128x128xf32, #tpu.memory_space<vmem_shared>> -> memref<128x128xf32, #tpu.memory_space<vmem_shared>>
        tpu.wait_dma2 semaphore(%run_scoped3A : memref<!tpu.dma_semaphore, #tpu.memory_space<semaphore_mem>>) src(%dma_wait3A_541 : memref<128x128xf32, #tpu.memory_space<vmem_shared>>) dst(%arg5 : memref<128x128xf32, #tpu.memory_space<vmem>>)
        tpu.yield
      }) : () -> ()
      "tpu.region"() ({
        %run_scoped3A = tpu.sem_alloc : memref<!tpu.dma_semaphore, #tpu.memory_space<semaphore_mem>>
        %dma_start3A_534 = arith.constant 0 : i32
        %dma_start3A_535 = tpu.memref_slice %arg3[%arg0, %mul3A_533, %dma_start3A_534] : memref<2x10000x128xf32, #tpu.memory_space<hbm>> -> memref<1x128x128xf32, #tpu.memory_space<hbm>>
        %dma_start3A_536 = tpu.memref_squeeze %dma_start3A_535 : memref<1x128x128xf32, #tpu.memory_space<hbm>> -> memref<128x128xf32, #tpu.memory_space<hbm>>
        %dma_start3A_537 = arith.constant 0 : i32
        %dma_start3A_538 = tpu.memref_slice %arg3[%arg0, %mul3A_533, %dma_start3A_537] : memref<2x10000x128xf32, #tpu.memory_space<hbm>> -> memref<1x128x128xf32, #tpu.memory_space<hbm>>
        %dma_start3A_539 = tpu.memref_squeeze %dma_start3A_538 : memref<1x128x128xf32, #tpu.memory_space<hbm>> -> memref<128x128xf32, #tpu.memory_space<hbm>>
        tpu.enqueue_dma source(%arg5 : memref<128x128xf32, #tpu.memory_space<vmem>>) target(%dma_start3A_539 : memref<128x128xf32, #tpu.memory_space<hbm>>) target_semaphore(%run_scoped3A : memref<!tpu.dma_semaphore, #tpu.memory_space<semaphore_mem>>)
        %dma_wait3A_540 = arith.constant 0 : i32
        %dma_wait3A_541 = tpu.memref_slice %arg3[%arg0, %mul3A_533, %dma_wait3A_540] : memref<2x10000x128xf32, #tpu.memory_space<hbm>> -> memref<1x128x128xf32, #tpu.memory_space<hbm>>
        %dma_wait3A_542 = tpu.memref_squeeze %dma_wait3A_541 : memref<1x128x128xf32, #tpu.memory_space<hbm>> -> memref<128x128xf32, #tpu.memory_space<hbm>>
        %dma_wait3A_543 = arith.constant 0 : i32
        %dma_wait3A_544 = tpu.memref_slice %arg3[%arg0, %mul3A_533, %dma_wait3A_543] : memref<2x10000x128xf32, #tpu.memory_space<hbm>> -> memref<1x128x128xf32, #tpu.memory_space<hbm>>
        %dma_wait3A_545 = tpu.memref_squeeze %dma_wait3A_544 : memref<1x128x128xf32, #tpu.memory_space<hbm>> -> memref<128x128xf32, #tpu.memory_space<hbm>>
        tpu.wait_dma2 semaphore(%run_scoped3A : memref<!tpu.dma_semaphore, #tpu.memory_space<semaphore_mem>>) src(%arg5 : memref<128x128xf32, #tpu.memory_space<vmem>>) dst(%dma_wait3A_545 : memref<128x128xf32, #tpu.memory_space<hbm>>)
        tpu.yield
      }) : () -> ()
    } else {
    }
    %add3A_513 = arith.constant 48 : i32
    %add3A_514 = arith.addi %add3A_513, %arg1 : i32
    %lt3A_515 = arith.constant 78 : i32
    %lt3A_516 = arith.cmpi slt, %add3A_514, %lt3A_515 : i32
    %convert_element_type3A_517 = arith.extui %lt3A_516 : i1 to i32
    %cond3A_518 = arith.constant 0 : i32
    %cond3A_519 = arith.cmpi ne, %convert_element_type3A_517, %cond3A_518 : i32
    scf.if %cond3A_519 {
      %mul3A_532 = arith.constant 128 : i32
      %mul3A_533 = arith.muli %add3A_514, %mul3A_532 : i32
      "tpu.region"() ({
        %run_scoped3A = tpu.sem_alloc : memref<!tpu.dma_semaphore, #tpu.memory_space<semaphore_mem>>
        %dma_start3A_534 = arith.constant 0 : i32
        %dma_start3A_535 = tpu.memref_slice %arg6[%mul3A_533, %dma_start3A_534] : memref<10128x128xf32, #tpu.memory_space<vmem_shared>> -> memref<128x128xf32, #tpu.memory_space<vmem_shared>>
        %dma_start3A_536 = arith.constant 0 : i32
        %dma_start3A_537 = tpu.memref_slice %arg6[%mul3A_533, %dma_start3A_536] : memref<10128x128xf32, #tpu.memory_space<vmem_shared>> -> memref<128x128xf32, #tpu.memory_space<vmem_shared>>
        tpu.enqueue_dma source(%dma_start3A_537 : memref<128x128xf32, #tpu.memory_space<vmem_shared>>) target(%arg5 : memref<128x128xf32, #tpu.memory_space<vmem>>) target_semaphore(%run_scoped3A : memref<!tpu.dma_semaphore, #tpu.memory_space<semaphore_mem>>)
        %dma_wait3A_538 = arith.constant 0 : i32
        %dma_wait3A_539 = tpu.memref_slice %arg6[%mul3A_533, %dma_wait3A_538] : memref<10128x128xf32, #tpu.memory_space<vmem_shared>> -> memref<128x128xf32, #tpu.memory_space<vmem_shared>>
        %dma_wait3A_540 = arith.constant 0 : i32
        %dma_wait3A_541 = tpu.memref_slice %arg6[%mul3A_533, %dma_wait3A_540] : memref<10128x128xf32, #tpu.memory_space<vmem_shared>> -> memref<128x128xf32, #tpu.memory_space<vmem_shared>>
        tpu.wait_dma2 semaphore(%run_scoped3A : memref<!tpu.dma_semaphore, #tpu.memory_space<semaphore_mem>>) src(%dma_wait3A_541 : memref<128x128xf32, #tpu.memory_space<vmem_shared>>) dst(%arg5 : memref<128x128xf32, #tpu.memory_space<vmem>>)
        tpu.yield
      }) : () -> ()
      "tpu.region"() ({
        %run_scoped3A = tpu.sem_alloc : memref<!tpu.dma_semaphore, #tpu.memory_space<semaphore_mem>>
        %dma_start3A_534 = arith.constant 0 : i32
        %dma_start3A_535 = tpu.memref_slice %arg3[%arg0, %mul3A_533, %dma_start3A_534] : memref<2x10000x128xf32, #tpu.memory_space<hbm>> -> memref<1x128x128xf32, #tpu.memory_space<hbm>>
        %dma_start3A_536 = tpu.memref_squeeze %dma_start3A_535 : memref<1x128x128xf32, #tpu.memory_space<hbm>> -> memref<128x128xf32, #tpu.memory_space<hbm>>
        %dma_start3A_537 = arith.constant 0 : i32
        %dma_start3A_538 = tpu.memref_slice %arg3[%arg0, %mul3A_533, %dma_start3A_537] : memref<2x10000x128xf32, #tpu.memory_space<hbm>> -> memref<1x128x128xf32, #tpu.memory_space<hbm>>
        %dma_start3A_539 = tpu.memref_squeeze %dma_start3A_538 : memref<1x128x128xf32, #tpu.memory_space<hbm>> -> memref<128x128xf32, #tpu.memory_space<hbm>>
        tpu.enqueue_dma source(%arg5 : memref<128x128xf32, #tpu.memory_space<vmem>>) target(%dma_start3A_539 : memref<128x128xf32, #tpu.memory_space<hbm>>) target_semaphore(%run_scoped3A : memref<!tpu.dma_semaphore, #tpu.memory_space<semaphore_mem>>)
        %dma_wait3A_540 = arith.constant 0 : i32
        %dma_wait3A_541 = tpu.memref_slice %arg3[%arg0, %mul3A_533, %dma_wait3A_540] : memref<2x10000x128xf32, #tpu.memory_space<hbm>> -> memref<1x128x128xf32, #tpu.memory_space<hbm>>
        %dma_wait3A_542 = tpu.memref_squeeze %dma_wait3A_541 : memref<1x128x128xf32, #tpu.memory_space<hbm>> -> memref<128x128xf32, #tpu.memory_space<hbm>>
        %dma_wait3A_543 = arith.constant 0 : i32
        %dma_wait3A_544 = tpu.memref_slice %arg3[%arg0, %mul3A_533, %dma_wait3A_543] : memref<2x10000x128xf32, #tpu.memory_space<hbm>> -> memref<1x128x128xf32, #tpu.memory_space<hbm>>
        %dma_wait3A_545 = tpu.memref_squeeze %dma_wait3A_544 : memref<1x128x128xf32, #tpu.memory_space<hbm>> -> memref<128x128xf32, #tpu.memory_space<hbm>>
        tpu.wait_dma2 semaphore(%run_scoped3A : memref<!tpu.dma_semaphore, #tpu.memory_space<semaphore_mem>>) src(%arg5 : memref<128x128xf32, #tpu.memory_space<vmem>>) dst(%dma_wait3A_545 : memref<128x128xf32, #tpu.memory_space<hbm>>)
        tpu.yield
      }) : () -> ()
    } else {
    }
    %add3A_520 = arith.constant 64 : i32
    %add3A_521 = arith.addi %add3A_520, %arg1 : i32
    %lt3A_522 = arith.constant 78 : i32
    %lt3A_523 = arith.cmpi slt, %add3A_521, %lt3A_522 : i32
    %convert_element_type3A_524 = arith.extui %lt3A_523 : i1 to i32
    %cond3A_525 = arith.constant 0 : i32
    %cond3A_526 = arith.cmpi ne, %convert_element_type3A_524, %cond3A_525 : i32
    scf.if %cond3A_526 {
      %mul3A_532 = arith.constant 128 : i32
      %mul3A_533 = arith.muli %add3A_521, %mul3A_532 : i32
      "tpu.region"() ({
        %run_scoped3A = tpu.sem_alloc : memref<!tpu.dma_semaphore, #tpu.memory_space<semaphore_mem>>
        %dma_start3A_534 = arith.constant 0 : i32
        %dma_start3A_535 = tpu.memref_slice %arg6[%mul3A_533, %dma_start3A_534] : memref<10128x128xf32, #tpu.memory_space<vmem_shared>> -> memref<128x128xf32, #tpu.memory_space<vmem_shared>>
        %dma_start3A_536 = arith.constant 0 : i32
        %dma_start3A_537 = tpu.memref_slice %arg6[%mul3A_533, %dma_start3A_536] : memref<10128x128xf32, #tpu.memory_space<vmem_shared>> -> memref<128x128xf32, #tpu.memory_space<vmem_shared>>
        tpu.enqueue_dma source(%dma_start3A_537 : memref<128x128xf32, #tpu.memory_space<vmem_shared>>) target(%arg5 : memref<128x128xf32, #tpu.memory_space<vmem>>) target_semaphore(%run_scoped3A : memref<!tpu.dma_semaphore, #tpu.memory_space<semaphore_mem>>)
        %dma_wait3A_538 = arith.constant 0 : i32
        %dma_wait3A_539 = tpu.memref_slice %arg6[%mul3A_533, %dma_wait3A_538] : memref<10128x128xf32, #tpu.memory_space<vmem_shared>> -> memref<128x128xf32, #tpu.memory_space<vmem_shared>>
        %dma_wait3A_540 = arith.constant 0 : i32
        %dma_wait3A_541 = tpu.memref_slice %arg6[%mul3A_533, %dma_wait3A_540] : memref<10128x128xf32, #tpu.memory_space<vmem_shared>> -> memref<128x128xf32, #tpu.memory_space<vmem_shared>>
        tpu.wait_dma2 semaphore(%run_scoped3A : memref<!tpu.dma_semaphore, #tpu.memory_space<semaphore_mem>>) src(%dma_wait3A_541 : memref<128x128xf32, #tpu.memory_space<vmem_shared>>) dst(%arg5 : memref<128x128xf32, #tpu.memory_space<vmem>>)
        tpu.yield
      }) : () -> ()
      "tpu.region"() ({
        %run_scoped3A = tpu.sem_alloc : memref<!tpu.dma_semaphore, #tpu.memory_space<semaphore_mem>>
        %dma_start3A_534 = arith.constant 0 : i32
        %dma_start3A_535 = tpu.memref_slice %arg3[%arg0, %mul3A_533, %dma_start3A_534] : memref<2x10000x128xf32, #tpu.memory_space<hbm>> -> memref<1x128x128xf32, #tpu.memory_space<hbm>>
        %dma_start3A_536 = tpu.memref_squeeze %dma_start3A_535 : memref<1x128x128xf32, #tpu.memory_space<hbm>> -> memref<128x128xf32, #tpu.memory_space<hbm>>
        %dma_start3A_537 = arith.constant 0 : i32
        %dma_start3A_538 = tpu.memref_slice %arg3[%arg0, %mul3A_533, %dma_start3A_537] : memref<2x10000x128xf32, #tpu.memory_space<hbm>> -> memref<1x128x128xf32, #tpu.memory_space<hbm>>
        %dma_start3A_539 = tpu.memref_squeeze %dma_start3A_538 : memref<1x128x128xf32, #tpu.memory_space<hbm>> -> memref<128x128xf32, #tpu.memory_space<hbm>>
        tpu.enqueue_dma source(%arg5 : memref<128x128xf32, #tpu.memory_space<vmem>>) target(%dma_start3A_539 : memref<128x128xf32, #tpu.memory_space<hbm>>) target_semaphore(%run_scoped3A : memref<!tpu.dma_semaphore, #tpu.memory_space<semaphore_mem>>)
        %dma_wait3A_540 = arith.constant 0 : i32
        %dma_wait3A_541 = tpu.memref_slice %arg3[%arg0, %mul3A_533, %dma_wait3A_540] : memref<2x10000x128xf32, #tpu.memory_space<hbm>> -> memref<1x128x128xf32, #tpu.memory_space<hbm>>
        %dma_wait3A_542 = tpu.memref_squeeze %dma_wait3A_541 : memref<1x128x128xf32, #tpu.memory_space<hbm>> -> memref<128x128xf32, #tpu.memory_space<hbm>>
        %dma_wait3A_543 = arith.constant 0 : i32
        %dma_wait3A_544 = tpu.memref_slice %arg3[%arg0, %mul3A_533, %dma_wait3A_543] : memref<2x10000x128xf32, #tpu.memory_space<hbm>> -> memref<1x128x128xf32, #tpu.memory_space<hbm>>
        %dma_wait3A_545 = tpu.memref_squeeze %dma_wait3A_544 : memref<1x128x128xf32, #tpu.memory_space<hbm>> -> memref<128x128xf32, #tpu.memory_space<hbm>>
        tpu.wait_dma2 semaphore(%run_scoped3A : memref<!tpu.dma_semaphore, #tpu.memory_space<semaphore_mem>>) src(%arg5 : memref<128x128xf32, #tpu.memory_space<vmem>>) dst(%dma_wait3A_545 : memref<128x128xf32, #tpu.memory_space<hbm>>)
        tpu.yield
      }) : () -> ()
    } else {
    }
    %eq3A_527 = arith.constant 15 : i32
    %eq3A_528 = arith.cmpi eq, %arg1, %eq3A_527 : i32
    %convert_element_type3A_529 = arith.extui %eq3A_528 : i1 to i32
    %cond3A_530 = arith.constant 0 : i32
    %cond3A_531 = arith.cmpi ne, %convert_element_type3A_529, %cond3A_530 : i32
    scf.if %cond3A_531 {
      "tpu.region"() ({
        %run_scoped3A = tpu.sem_alloc : memref<!tpu.dma_semaphore, #tpu.memory_space<semaphore_mem>>
        %dma_start3A_532 = arith.constant 0 : i32
        %dma_start3A_533 = arith.constant 0 : i32
        %dma_start3A_534 = tpu.memref_slice %arg5[%dma_start3A_532, %dma_start3A_533] : memref<128x128xf32, #tpu.memory_space<vmem>> -> memref<16x128xf32, #tpu.memory_space<vmem>>
        %dma_start3A_535 = arith.constant 9984 : i32
        %dma_start3A_536 = arith.constant 0 : i32
        %dma_start3A_537 = tpu.memref_slice %arg6[%dma_start3A_535, %dma_start3A_536] : memref<10128x128xf32, #tpu.memory_space<vmem_shared>> -> memref<16x128xf32, #tpu.memory_space<vmem_shared>>
        %dma_start3A_538 = arith.constant 0 : i32
        %dma_start3A_539 = arith.constant 0 : i32
        %dma_start3A_540 = tpu.memref_slice %arg5[%dma_start3A_538, %dma_start3A_539] : memref<128x128xf32, #tpu.memory_space<vmem>> -> memref<16x128xf32, #tpu.memory_space<vmem>>
        %dma_start3A_541 = arith.constant 9984 : i32
        %dma_start3A_542 = arith.constant 0 : i32
        %dma_start3A_543 = tpu.memref_slice %arg6[%dma_start3A_541, %dma_start3A_542] : memref<10128x128xf32, #tpu.memory_space<vmem_shared>> -> memref<16x128xf32, #tpu.memory_space<vmem_shared>>
        tpu.enqueue_dma source(%dma_start3A_543 : memref<16x128xf32, #tpu.memory_space<vmem_shared>>) target(%dma_start3A_540 : memref<16x128xf32, #tpu.memory_space<vmem>>) target_semaphore(%run_scoped3A : memref<!tpu.dma_semaphore, #tpu.memory_space<semaphore_mem>>)
        %dma_wait3A_544 = arith.constant 0 : i32
        %dma_wait3A_545 = arith.constant 0 : i32
        %dma_wait3A_546 = tpu.memref_slice %arg5[%dma_wait3A_544, %dma_wait3A_545] : memref<128x128xf32, #tpu.memory_space<vmem>> -> memref<16x128xf32, #tpu.memory_space<vmem>>
        %dma_wait3A_547 = arith.constant 9984 : i32
        %dma_wait3A_548 = arith.constant 0 : i32
        %dma_wait3A_549 = tpu.memref_slice %arg6[%dma_wait3A_547, %dma_wait3A_548] : memref<10128x128xf32, #tpu.memory_space<vmem_shared>> -> memref<16x128xf32, #tpu.memory_space<vmem_shared>>
        %dma_wait3A_550 = arith.constant 0 : i32
        %dma_wait3A_551 = arith.constant 0 : i32
        %dma_wait3A_552 = tpu.memref_slice %arg5[%dma_wait3A_550, %dma_wait3A_551] : memref<128x128xf32, #tpu.memory_space<vmem>> -> memref<16x128xf32, #tpu.memory_space<vmem>>
        %dma_wait3A_553 = arith.constant 9984 : i32
        %dma_wait3A_554 = arith.constant 0 : i32
        %dma_wait3A_555 = tpu.memref_slice %arg6[%dma_wait3A_553, %dma_wait3A_554] : memref<10128x128xf32, #tpu.memory_space<vmem_shared>> -> memref<16x128xf32, #tpu.memory_space<vmem_shared>>
        tpu.wait_dma2 semaphore(%run_scoped3A : memref<!tpu.dma_semaphore, #tpu.memory_space<semaphore_mem>>) src(%dma_wait3A_555 : memref<16x128xf32, #tpu.memory_space<vmem_shared>>) dst(%dma_wait3A_552 : memref<16x128xf32, #tpu.memory_space<vmem>>)
        tpu.yield
      }) : () -> ()
      "tpu.region"() ({
        %run_scoped3A = tpu.sem_alloc : memref<!tpu.dma_semaphore, #tpu.memory_space<semaphore_mem>>
        %dma_start3A_532 = arith.constant 0 : i32
        %dma_start3A_533 = arith.constant 0 : i32
        %dma_start3A_534 = tpu.memref_slice %arg5[%dma_start3A_532, %dma_start3A_533] : memref<128x128xf32, #tpu.memory_space<vmem>> -> memref<16x128xf32, #tpu.memory_space<vmem>>
        %dma_start3A_535 = arith.constant 9984 : i32
        %dma_start3A_536 = arith.constant 0 : i32
        %dma_start3A_537 = tpu.memref_slice %arg3[%arg0, %dma_start3A_535, %dma_start3A_536] : memref<2x10000x128xf32, #tpu.memory_space<hbm>> -> memref<1x16x128xf32, #tpu.memory_space<hbm>>
        %dma_start3A_538 = tpu.memref_squeeze %dma_start3A_537 : memref<1x16x128xf32, #tpu.memory_space<hbm>> -> memref<16x128xf32, #tpu.memory_space<hbm>>
        %dma_start3A_539 = arith.constant 9984 : i32
        %dma_start3A_540 = arith.constant 0 : i32
        %dma_start3A_541 = tpu.memref_slice %arg3[%arg0, %dma_start3A_539, %dma_start3A_540] : memref<2x10000x128xf32, #tpu.memory_space<hbm>> -> memref<1x16x128xf32, #tpu.memory_space<hbm>>
        %dma_start3A_542 = tpu.memref_squeeze %dma_start3A_541 : memref<1x16x128xf32, #tpu.memory_space<hbm>> -> memref<16x128xf32, #tpu.memory_space<hbm>>
        %dma_start3A_543 = arith.constant 0 : i32
        %dma_start3A_544 = arith.constant 0 : i32
        %dma_start3A_545 = tpu.memref_slice %arg5[%dma_start3A_543, %dma_start3A_544] : memref<128x128xf32, #tpu.memory_space<vmem>> -> memref<16x128xf32, #tpu.memory_space<vmem>>
        tpu.enqueue_dma source(%dma_start3A_545 : memref<16x128xf32, #tpu.memory_space<vmem>>) target(%dma_start3A_542 : memref<16x128xf32, #tpu.memory_space<hbm>>) target_semaphore(%run_scoped3A : memref<!tpu.dma_semaphore, #tpu.memory_space<semaphore_mem>>)
        %dma_wait3A_546 = arith.constant 0 : i32
        %dma_wait3A_547 = arith.constant 0 : i32
        %dma_wait3A_548 = tpu.memref_slice %arg5[%dma_wait3A_546, %dma_wait3A_547] : memref<128x128xf32, #tpu.memory_space<vmem>> -> memref<16x128xf32, #tpu.memory_space<vmem>>
        %dma_wait3A_549 = arith.constant 9984 : i32
        %dma_wait3A_550 = arith.constant 0 : i32
        %dma_wait3A_551 = tpu.memref_slice %arg3[%arg0, %dma_wait3A_549, %dma_wait3A_550] : memref<2x10000x128xf32, #tpu.memory_space<hbm>> -> memref<1x16x128xf32, #tpu.memory_space<hbm>>
        %dma_wait3A_552 = tpu.memref_squeeze %dma_wait3A_551 : memref<1x16x128xf32, #tpu.memory_space<hbm>> -> memref<16x128xf32, #tpu.memory_space<hbm>>
        %dma_wait3A_553 = arith.constant 9984 : i32
        %dma_wait3A_554 = arith.constant 0 : i32
        %dma_wait3A_555 = tpu.memref_slice %arg3[%arg0, %dma_wait3A_553, %dma_wait3A_554] : memref<2x10000x128xf32, #tpu.memory_space<hbm>> -> memref<1x16x128xf32, #tpu.memory_space<hbm>>
        %dma_wait3A_556 = tpu.memref_squeeze %dma_wait3A_555 : memref<1x16x128xf32, #tpu.memory_space<hbm>> -> memref<16x128xf32, #tpu.memory_space<hbm>>
        %dma_wait3A_557 = arith.constant 0 : i32
        %dma_wait3A_558 = arith.constant 0 : i32
        %dma_wait3A_559 = tpu.memref_slice %arg5[%dma_wait3A_557, %dma_wait3A_558] : memref<128x128xf32, #tpu.memory_space<vmem>> -> memref<16x128xf32, #tpu.memory_space<vmem>>
        tpu.wait_dma2 semaphore(%run_scoped3A : memref<!tpu.dma_semaphore, #tpu.memory_space<semaphore_mem>>) src(%dma_wait3A_559 : memref<16x128xf32, #tpu.memory_space<vmem>>) dst(%dma_wait3A_556 : memref<16x128xf32, #tpu.memory_space<hbm>>)
        tpu.yield
      }) : () -> ()
    } else {
    }
    return
  }
}

</mosaic_0001>

<sc_bundles>
// kernel: _deg_call.3.cloned.1.call-start
scs
__scs_entry_jumppad:
0x0: {  	(pc) =	sbr.rel $0x88, $3  }
0x1: {  	(tag) =	ssettag $0x0;
	lr =	simm.s32 $0x1  }
0x2: {  	[smem:$0x3FA0] =	sst lr;
	_ =	strace $0xD0000000  }
0x3: {  	_ = 	snop  }
0x4: {  	_ = 	snop  }
0x5: {  	_ = 	snop  }
0x6: {  	_ = 	snop  }
0x7: {  	_ = 	snop  }
__scs_overlays_trampoline_lowered:
0x8: {  	[smem:$0x3FAF] =	sst s0  }
0x9: {  	[smem:$0x3FB0] =	sst s1  }
0xa: {  	[smem:$0x3FB1] =	sst s2  }
0xb: {  	[smem:$0x3FB2] =	sst s3  }
0xc: {  	[smem:$0x3FB3] =	sst s4  }
0xd: {  	[smem:$0x3FB4] =	sst s5  }
0xe: {  	[smem:$0x3FB5] =	sst s6  }
0xf: {  	[smem:$0x3FB6] =	sst s7  }
0x10: {  	[smem:$0x3FB7] =	sst s8  }
0x11: {  	[smem:$0x3FB8] =	sst s9;
	s0 =	simm.s32 @!p0 $0x0  }
0x12: {  	s1 =	sld [smem:$0x3F9E];
	s0 =	simm.s32 @p0 $0x1  }
0x13: {  	[smem:$0x3FB9] =	sst s0;
	s0 =	simm.s32 @!p1 $0x0  }
0x14: {  	s2 =	sld [smem:$0x3F9D];
	s0 =	simm.s32 @p1 $0x1  }
0x15: {  	[smem:$0x3FBA] =	sst s0;
	s0 =	simm.s32 @!p2 $0x0  }
0x16: {  	s3 =	sld [smem:$0x3FDB];
	s0 =	simm.s32 @p2 $0x1  }
0x17: {  	s4 =	simm.s32 $0x1BF5;
	[smem:$0x3FBC] =	sst s0  }
0x18: {  	s0 =	sld [smem:$0x3F9F];
	_ =	swait.ge [sflag:s4], $0x0  }
0x19: {  	s7 =	sld [smem:$0x3FA0]  }
0x1a: {  	s8 =	sadd.s32 $0xFFFFE003, lr  }
0x1b: {  	s9 =	sadd.s32 $0xFFFFFEF7, lr;
	s5 =	simm.s32 $0xFFFFFFFF;
	p2 =	slt.u32 s8, $0xFFFFF086  }
0x1c: {  	p1 =	slt.u32 s9, $0xF7A;
	s5 =	simm.s32 @!p2 $0x0  }
0x1d: {  	s5 =	simm.s32 @p1 $0x1;
	p0 =	seq.s32 s7, s2  }
0x1e: {  	s7 =	smul.u32 @!p0 $0xF7A, s2;
	p2 =	seq.s32 @!p0 s5, $0x0  }
0x1f: {  	s9 =	smul.u32 $0xF7A, s1;
	s8 =	simm.s32 @!p0 $0x1BF5;
	p2 =	por !p2, p0  }
0x20: {  	[sflag:s8] =	ssyncset.s32 @!p0 $0xFFFFF086;
	s6 =	sadd.s32 @!p0 s3, s7;
	s7 =	simm.s32 @!p0 $0x108  }
0x21: {  	s3 =	sadd.s32 s3, s9;
	s6 =	sadd.s32 @!p0 $0x88, s6;
	s7 =	simm.s32 @p2 $0x1082  }
0x22: {  	[simem:s7], [sflag:s8] =	dma.local @!p0 [hbm:s6], $0xF7A  }
0x23: {  	s9 =	sor.u32 $0xD0000000, s2;
	s6 =	simm.s32 $0x108;
	_ =	swait.ge @!p0 [sflag:s8], $0x0  }
0x24: {  	s3 =	sadd.s32 $0x88, s3;
	s6 =	simm.s32 @!p1 $0x1082;
	[sflag:s4] =	ssyncset.s32 $0xFFFFF086  }
0x25: {  	[simem:s6], [sflag:s4] =	dma.local [hbm:s3], $0xF7A  }
0x26: {  	[smem:$0x3FA0] =	sst s1;
	(tag) =	ssettag s2;
	_ =	strace s9  }
0x27: {  	s1 =	sld [smem:$0x3FB0]  }
0x28: {  	s2 =	sld [smem:$0x3FB1]  }
0x29: {  	s4 =	sld [smem:$0x3FB3]  }
0x2a: {  	p0 =	seq.s32 s5, $0x0;
	s5 =	sld [smem:$0x3FB4]  }
0x2b: {  	s6 =	sld [smem:$0x3FB5]  }
0x2c: {  	s7 =	sld [smem:$0x3FB6]  }
0x2d: {  	s3 =	simm.s32 $0x108;
	s8 =	sld [smem:$0x3FB7]  }
0x2e: {  	s3 =	simm.s32 @!p0 $0x1082;
	s9 =	sld [smem:$0x3FB8]  }
0x2f: {  	lr =	sadd.s32 s0, s3;
	s0 =	sld [smem:$0x3FAF]  }
0x30: {  	s3 =	sld [smem:$0x3FB2]  }
0x31: {  	[smem:$0x3FBB] =	sst s10  }
0x32: {  	s10 =	sld [smem:$0x3FB9];
	_ =	sdelay $0x3  }
0x33: {  	p0 =	seq.s32 s10, $0x1;
	s10 =	sld [smem:$0x3FBB];
	_ =	sdelay $0x3  }
0x34: {  	[smem:$0x3FBB] =	sst s10  }
0x35: {  	s10 =	sld [smem:$0x3FBA];
	_ =	sdelay $0x3  }
0x36: {  	p1 =	seq.s32 s10, $0x1;
	s10 =	sld [smem:$0x3FBB];
	_ =	sdelay $0x3  }
0x37: {  	[smem:$0x3FBB] =	sst s10  }
0x38: {  	s10 =	sld [smem:$0x3FBC]  }
0x39: {  	_ = 	snop;
	(pc) =	sbr.ind lr, $3  }
0x3a: {  	_ = 	snop  }
0x3b: {  	_ = 	snop  }
0x3c: {  	p2 =	seq.s32 s10, $0x1;
	s10 =	sld [smem:$0x3FBB]  }
0x3d: {  	_ =	shalt  }
0x3e: {  	_ =	shalt  }
0x3f: {  	_ =	shalt  }
0x40: {  	_ =	shalt  }
0x41: {  	_ =	shalt  }
0x42: {  	_ =	shalt  }
0x43: {  	_ =	shalt  }
0x44: {  	_ =	shalt  }
0x45: {  	_ =	shalt  }
0x46: {  	_ =	shalt  }
0x47: {  	_ =	shalt  }
0x48: {  	_ =	shalt  }
0x49: {  	_ =	shalt  }
0x4a: {  	_ =	shalt  }
0x4b: {  	_ =	shalt  }
0x4c: {  	_ =	shalt  }
0x4d: {  	_ =	shalt  }
0x4e: {  	_ =	shalt  }
0x4f: {  	_ =	shalt  }
0x50: {  	_ =	shalt  }
0x51: {  	_ =	shalt  }
0x52: {  	_ =	shalt  }
0x53: {  	_ =	shalt  }
0x54: {  	_ =	shalt  }
0x55: {  	_ =	shalt  }
0x56: {  	_ =	shalt  }
0x57: {  	_ =	shalt  }
0x58: {  	_ =	shalt  }
0x59: {  	_ =	shalt  }
0x5a: {  	_ =	shalt  }
0x5b: {  	_ =	shalt  }
0x5c: {  	_ =	shalt  }
0x5d: {  	_ =	shalt  }
0x5e: {  	_ =	shalt  }
0x5f: {  	_ =	shalt  }
0x60: {  	_ =	shalt  }
0x61: {  	_ =	shalt  }
0x62: {  	_ =	shalt  }
0x63: {  	_ =	shalt  }
0x64: {  	_ =	shalt  }
0x65: {  	_ =	shalt  }
0x66: {  	_ =	shalt  }
0x67: {  	_ =	shalt  }
0x68: {  	_ =	shalt  }
0x69: {  	_ =	shalt  }
0x6a: {  	_ =	shalt  }
0x6b: {  	_ =	shalt  }
0x6c: {  	_ =	shalt  }
0x6d: {  	_ =	shalt  }
0x6e: {  	_ =	shalt  }
0x6f: {  	_ =	shalt  }
0x70: {  	_ =	shalt  }
0x71: {  	_ =	shalt  }
0x72: {  	_ =	shalt  }
0x73: {  	_ =	shalt  }
0x74: {  	_ =	shalt  }
0x75: {  	_ =	shalt  }
0x76: {  	_ =	shalt  }
0x77: {  	_ =	shalt  }
0x78: {  	_ =	shalt  }
0x79: {  	_ =	shalt  }
0x7a: {  	_ =	shalt  }
0x7b: {  	_ =	shalt  }
0x7c: {  	_ =	shalt  }
0x7d: {  	_ =	shalt  }
0x7e: {  	_ =	shalt  }
0x7f: {  	_ =	shalt  }
0x80: {  	_ =	shalt  }
0x81: {  	_ =	shalt  }
0x82: {  	_ =	shalt  }
0x83: {  	_ =	shalt  }
0x84: {  	_ =	shalt  }
0x85: {  	_ =	shalt  }
0x86: {  	_ =	shalt  }
0x87: {  	_ =	shalt  }
.Lfunc_end0:
.L_simem_size_0:
called_computation_lowered:
.L_overlay_start_0:
0x88: {  	s2 =	sld [smem:$0x3FD9]  }
0x89: {  	s3 =	sld [smem:$0x3FFE];
	_ =	sdelay $0x1  }
0x8a: {  	s1 =	srdreg.scid  }
0x8b: {  	s0 =	sand.u32 $0x1, s1  }
0x8c: {  	s18 =	sshll.u32 s0, $0xA;
	s2 =	sadd.s32 s3, s2  }
0x8d: {  	s2 =	sadd.s32 s2, s18  }
0x8e: {  	[smem:$0x3FC7] =	sst s2  }
0x8f: {  	_ = 	snop  }
0x90: {  	s2 =	sld [smem:$0x3FC9]  }
0x91: {  	s19 =	sld [smem:$0x3FD0];
	(tm) =	ssettm $0x1  }
0x92: {  	s4 =	sld [smem:$0x3FFB];
	_ =	sdelay $0x3  }
0x93: {  	_ =	strace s4  }
0x94: {  	s4 =	sld [smem:$0x3FFC];
	_ =	sdelay $0x3  }
0x95: {  	_ =	strace s4  }
0x96: {  	s4 =	sld [smem:$0x3FFD];
	_ =	sdelay $0x3  }
0x97: {  	_ =	strace s4  }
0x98: {  	_ =	strace $0x8FFFFFFF  }
0x99: {  	s20 =	sld [smem:$0x3FDB];
	_ =	sdelay $0x1  }
0x9a: {  	s5 =	simm.s32 $_scs_section_size  }
0x9b: {  	s6 =	simm.s32 $_size__tile_overlayer_lowered;
	s7 =	simm.s32 $_tile_overlayer_lowered  }
0x9c: {  	s23 =	simm.s32 $0x1BFF;
	s22 =	sshll.u32 s7, $0x1;
	s4 =	sadd.s32 s5, s20  }
0x9d: {  	s8 =	simm.s32 $0x0;
	s21 =	sshll.u32 s6, $0x1;
	s6 =	sadd.s32 s22, s4  }
0x9e: {  	[timem:s8], [sflag:s23] =	dma.local [hbm:s6], s21  }
0x9f: {  	_ =	swait.ge [sflag:s23], s21  }
0xa0: {  	s5 =	ssub.s32 $0x0, s21;
	[sflag:s23] =	ssyncset.done $0x0  }
0xa1: {  	[sflag:s23] =	ssyncadd.s32 s5;
	_ =	sdelay $0x1  }
0xa2: {  	s24 =	simm.s32 $0x1B8B  }
0xa3: {  	_ =	swait.ge [sflag:s24], $0x1  }
0xa4: {  	[sflag:s24] =	ssyncset.done $0x0  }
0xa5: {  	s25 =	simm.s32 $0x1B8E;
	[sflag:s24] =	ssyncadd.s32 $0xFFFFFFFF  }
0xa6: {  	s26 =	simm.s32 $execute0_lowered;
	[smem:$0x3FD2] =	sst s25  }
0xa7: {  	s5 =	sshll.u32 s26, $0x1;
	_ =	strace $0x80000046;
	[dreg:$0x1] =	wrdreg $0xFFFFFFFF  }
0xa8: {  	s28 =	simm.s32 $_size_execute0_lowered;
	s4 =	sadd.s32 s4, s5;
	[dreg:$0x0] =	wrdreg $0x0  }
0xa9: {  	s5 =	sshll.u32 s28, $0x1;
	[dreg:$0x2] =	wrdreg s4  }
0xaa: {  	[dreg:$0x3] =	wrdreg s5  }
0xab: {  	[dreg:$0x4] =	wrdreg $0xC0  }
0xac: {  	_ =	task [dreg:s8], $0x5FFFF  }
0xad: {  	[dreg:$0x1] =	wrdreg $0xFFFFFFFF  }
0xae: {  	[dreg:$0x0] =	wrdreg $0x60  }
0xaf: {  	[dreg:$0x2] =	wrdreg s2  }
0xb0: {  	[dreg:$0x3] =	wrdreg s19  }
0xb1: {  	[dreg:$0x4] =	wrdreg $0x4C000  }
0xb2: {  	[dreg:$0x5] =	wrdreg $0x9  }
0xb3: {  	_ =	task.clear_ibuf [dreg:s8], $0x6FFFF;
	_ =	strace $0x90000046  }
0xb4: {  	s29 =	simm.s32 $0x9;
	_ =	strace $0x80000048  }
0xb5: {  	_ =	swait.ge [sflag:s29], $0x1  }
0xb6: {  	[sflag:s29] =	ssyncadd.s32 $0xFFFFFFFF  }
0xb7: {  	_ =	strace $0x90000048  }
0xb8: {  	_ =	sfence  }
0xb9: {  	s30 =	sld [smem:$0x0];
	_ =	sdelay $0x2  }
0xba: {  	s31 =	sshll.u32 s1, $0xD;
	s1 =	sshrl.u32 s1, $0x2  }
0xbb: {  	s3 =	sand.u32 $0x4000, s31;
	s1 =	sadd.s32 s1, s30  }
0xbc: {  	s0 =	sor.u32 s3, s0;
	s1 =	sshll.u32 s1, $0x11  }
0xbd: {  	s0 =	sor.u32 s1, s0  }
0xbe: {  	s0 =	sadd.s32 $0x8F2B, s0  }
0xbf: {  	[sflag:s0] =	ssyncadd.remote.s32 $0x1  }
0xc0: {  	_ =	sfence.sel $0xFFFF  }
0xc1: {  	[dreg:$0x0] =	wrdreg $0xFFFFFFFF;
	(pc) =	sbr.abs _section_cstart, $3  }
0xc2: {  	[dreg:$0x1] =	wrdreg $0xFFFFFFFF  }
0xc3: {  	_ =	task.clear_ibuf [dreg:s8], $0x2FFFF;
	_ =	strace $0x9FFFFFFF  }
0xc4: {  	(tm) =	ssettm $0x7FFFFFFF  }
0xc5: {  	_ =	shalt  }
tec
execute0_lowered:
.L_overlay_start_1:
0x0: {  	(tag) =	ssettag $0x1  }
0x1: {  	s0 =	rddreg [dreg:$0x0]  }
0x2: {  	s3 =	rddreg [dreg:$0x1]  }
0x3: {  	s1 =	rddreg [dreg:$0x2]  }
0x4: {  	s2 =	simm.s32 $0x0;
	s4 =	srdreg.scid;
	s18 =	stileid.u32  }
0x5: {  	s28 =	simm.s32 $0xC00;
	[smem:$0x7FF] =	sst s2;
	s10 =	sand.u32 $0x1, s4  }
0x6: {  	s6 =	sshll.u32 s18, $0x1;
	s11 =	sshll.u32 s18, $0xE;
	_ =	strace $0x80000047  }
0x7: {  	s4 =	ssub.s32 $0x2, s10;
	s17 =	sor.u32 s10, s6;
	s13 =	sor.u32 $0x40000, s11  }
0x8: {  	s14 =	sor.u32 $0x80000, s11;
	s15 =	sor.u32 $0xC0000, s11;
	s19 =	sadd.s32 s13, s1  }
0x9: {  	s16 =	sor.u32 $0x100000, s11;
	s20 =	sadd.s32 s15, s1;
	[dreg:$0x15] =	wrdreg s19  }
0xa: {  	s5 =	sshrl.u32 s4, $0x1;
	s21 =	sadd.s32 s16, s1;
	[dreg:$0x16] =	wrdreg s20  }
0xb: {  	s8 =	smul.u32 $0x2800, s17;
	s6 =	sadd.s32 s14, s1;
	[dreg:$0x17] =	wrdreg s21  }
0xc: {  	s12 =	ssub.s32 s4, s5;
	s4 =	sadd.s32 s11, s1;
	[dreg:$0x19] =	wrdreg s6  }
0xd: {  	s17 =	sshrl.u32 s8, $0x3;
	s8 =	sadd.s32 $0x138000, s1;
	[dreg:$0x1a] =	wrdreg s4  }
0xe: {  	s29 =	simm.s32 $0x8;
	s17 =	sadd.s32 s0, s17;
	[dreg:$0x18] =	wrdreg s8  }
0xf: {  	s30 =	simm.s32 $0x3;
	s0 =	sadd.s32 $0x80, s17;
	[dreg:$0x4] =	wrdreg s17  }
0x10: {  	s31 =	simm.s32 $0x980;
	s22 =	sadd.s32 $0x100, s17;
	[dreg:$0x5] =	wrdreg s0  }
0x11: {  	p0 =	sgt.u32 s18, $0xD;
	s23 =	sadd.s32 $0x180, s17;
	[dreg:$0x6] =	wrdreg s22  }
0x12: {  	p2 =	sne.s32 @p0 s18, $0xF;
	s24 =	sadd.s32 $0x200, s17;
	[dreg:$0x7] =	wrdreg s23  }
0x13: {  	s18 =	simm.s32 $0x7;
	s25 =	sadd.s32 $0x280, s17;
	[dreg:$0x8] =	wrdreg s24  }
0x14: {  	p1 =	por p2, !p0;
	s26 =	sadd.s32 $0x300, s17;
	[dreg:$0x9] =	wrdreg s25  }
0x15: {  	p2 =	por !p2, !p0;
	s9 =	sadd.s32 $0x380, s17;
	[dreg:$0xa] =	wrdreg s26  }
0x16: {  	s0 =	smul.u32 $0x138800, s10;
	[dreg:$0xb] =	wrdreg s9;
	s24 =	sadd.s32 $0x400, s17  }
0x17: {  	s25 =	smax.u32 s12, $0x1;
	s26 =	sadd.s32 $0x480, s17;
	[dreg:$0x11] =	wrdreg s24  }
0x18: {  	s12 =	simm.s32 $0x4;
	s9 =	simm.s32 $0xA00;
	[dreg:$0x13] =	wrdreg s25  }
0x19: {  	[dreg:$0x14] =	wrdreg s26;
	s26 =	simm.s32 $0x0;
	s5 =	sadd.s32 s11, s0  }
0x1a: {  	s7 =	sadd.s32 s0, s13;
	s14 =	sadd.s32 s0, s14;
	s19 =	sadd.s32 s0, s15  }
0x1b: {  	s20 =	sadd.s32 s0, s16;
	s0 =	sshrl.u32 s0, $0x3;
	s16 =	simm.s32 $0x6  }
0x1c: {  	s15 =	simm.s32 $0xB80;
	s10 =	sshrl.u32 s5, $0x3;
	s11 =	sshrl.u32 s7, $0x3  }
0x1d: {  	s21 =	sshrl.u32 s19, $0x3;
	s22 =	sshrl.u32 s20, $0x3;
	s10 =	sadd.s32 s3, s10  }
0x1e: {  	s0 =	sadd.s32 s3, s0;
	s13 =	sadd.s32 s3, s11;
	[dreg:$0xc] =	wrdreg s10  }
0x1f: {  	s7 =	simm.s32 $0x1;
	s23 =	sadd.s32 s3, s22;
	[dreg:$0xd] =	wrdreg s13  }
0x20: {  	s20 =	simm.s32 $0x800;
	s0 =	sadd.s32 $0x27000, s0;
	[dreg:$0x10] =	wrdreg s23  }
0x21: {  	s11 =	simm.s32 $0xA80;
	s10 =	sshrl.u32 s14, $0x3;
	[dreg:$0x12] =	wrdreg s0  }
0x22: {  	s0 =	simm.s32 $0x80;
	s14 =	simm.s32 $0x5;
	s10 =	sadd.s32 s3, s10  }
0x23: {  	s23 =	simm.s32 $0x2;
	[dreg:$0xe] =	wrdreg s10;
	s10 =	sadd.s32 s3, s21  }
0x24: {  	v0 =	vimm.f32 $0.0e+00;
	v1 =	vimm.f32 $1.000000000e+00;
	s13 =	simm.s32 $0xB00;
	s21 =	simm.s32 $0x400;
	[dreg:$0xf] =	wrdreg s10  }
.LBB2_1:
0x25: {  	s10 =	simm.s32 $0x0;
	s22 =	simm.s32 $0x200  }
.LBB2_2:
0x26: {  	p3 =	sne.s32 s22, $0xFE00;
	[tilespmem:s10+$0xC70] =	vst v0  }
0x27: {  	[tilespmem:s10+$0xC00] =	vst v0  }
0x28: {  	[tilespmem:s10+$0xC10] =	vst v0  }
.Ltmp0:
0x29: {  	[tilespmem:s10+$0xC20] =	vst v0;
	(pc) =	sbr.rel @p3 .LBB2_2-.Ltmp0, $4  }
0x2a: {  	[tilespmem:s10+$0xC30] =	vst v0  }
0x2b: {  	[tilespmem:s10+$0xC40] =	vst v0  }
0x2c: {  	[tilespmem:s10+$0xC50] =	vst v0  }
0x2d: {  	[tilespmem:s10+$0xC60] =	vst v0;
	s10 =	sshra.s32 s22, $0x2;
	s22 =	sadd.s32 $0x200, s22  }
0x2e: {  	[tilespmem:s10+$0xC70] =	vst v0  }
0x2f: {  	[tilespmem:s10+$0xC00] =	vst v0  }
0x30: {  	[tilespmem:s10+$0xC10] =	vst v0  }
0x31: {  	[tilespmem:s10+$0xC20] =	vst v0  }
0x32: {  	[tilespmem:s10+$0xC30] =	vst v0  }
0x33: {  	[tilespmem:s10+$0xC40] =	vst v0  }
0x34: {  	[tilespmem:s10+$0xC50] =	vst v0  }
0x35: {  	[tilespmem:s10+$0xC60] =	vst v0  }
0x36: {  	[spmem:s4] =	stream.linear.scatter [tilespmem:s28], [sflag:$0x8], $0x4000, $0x38;
	[tilespmem:$0x18880] =	vst v63  }
0x37: {  	_ =	swait.ge [sflag:s29], $0x4000  }
0x38: {  	[sflag:s29] =	ssyncset.done $0x0  }
0x39: {  	s24 =	rddreg [dreg:$0x15];
	[sflag:s29] =	ssyncadd.s32 $0xFFFFC000  }
0x3a: {  	[spmem:s24] =	stream.linear.scatter [tilespmem:s28], [sflag:$0x8], $0x4000, $0x38;
	[tilespmem:$0x18880] =	vst v63  }
0x3b: {  	_ =	swait.ge [sflag:s29], $0x4000  }
0x3c: {  	[sflag:s29] =	ssyncset.done $0x0  }
0x3d: {  	[sflag:s29] =	ssyncadd.s32 $0xFFFFC000  }
0x3e: {  	[spmem:s6] =	stream.linear.scatter [tilespmem:s28], [sflag:$0x8], $0x4000, $0x38;
	[tilespmem:$0x18880] =	vst v63  }
0x3f: {  	_ =	swait.ge [sflag:s29], $0x4000  }
0x40: {  	[sflag:s29] =	ssyncset.done $0x0  }
0x41: {  	s25 =	rddreg [dreg:$0x16];
	[sflag:s29] =	ssyncadd.s32 $0xFFFFC000  }
0x42: {  	[spmem:s25] =	stream.linear.scatter [tilespmem:s28], [sflag:$0x8], $0x4000, $0x38;
	[tilespmem:$0x18880] =	vst v63  }
0x43: {  	_ =	swait.ge [sflag:s29], $0x4000  }
0x44: {  	[sflag:s29] =	ssyncset.done $0x0  }
0x45: {  	s10 =	simm.s32 @!p1 $0xC00;
	[sflag:s29] =	ssyncadd.s32 $0xFFFFC000  }
0x46: {  	[spmem:s8] =	stream.linear.scatter @!p1 [tilespmem:s10], [sflag:$0x8], $0x800, $0x38;
	[tilespmem:$0x18880] =	vst v63  }
0x47: {  	s10 =	simm.s32 @!p1 $0x8  }
0x48: {  	_ =	swait.ge @!p1 [sflag:s10], $0x800  }
0x49: {  	[sflag:s10] =	ssyncset.done @!p1 $0x0  }
0x4a: {  	s4 =	rddreg [dreg:$0x17];
	[sflag:s10] =	ssyncadd.s32 @!p1 $0xFFFFF800;
	s10 =	simm.s32 @!p0 $0xC00  }
0x4b: {  	[spmem:s4] =	stream.linear.scatter @!p0 [tilespmem:s10], [sflag:$0x8], $0x4000, $0x38;
	[tilespmem:$0x18880] =	vst v63  }
0x4c: {  	p4 =	por @p0 $0x0, $0x0;
	s10 =	simm.s32 @!p0 $0x8  }
0x4d: {  	p3 =	por @!p1 $0x1, $0x1;
	s22 =	simm.s32 $0x200;
	_ =	swait.ge @!p0 [sflag:s10], $0x4000  }
0x4e: {  	p3 =	por @!p2 p4, p4;
	p4 =	por @!p0 $0x0, $0x0;
	[sflag:s10] =	ssyncset.done @!p0 $0x0  }
0x4f: {  	p3 =	por @!p0 p4, p4;
	[sflag:s10] =	ssyncadd.s32 @!p0 $0xFFFFC000;
	s10 =	simm.s32 $0x0  }
.LBB2_4:
0x50: {  	p4 =	sne.s32 s22, $0xFE00;
	[tilespmem:s10+$0xC70] =	vst v1  }
0x51: {  	[tilespmem:s10+$0xC00] =	vst v1  }
0x52: {  	[tilespmem:s10+$0xC10] =	vst v1  }
.Ltmp1:
0x53: {  	[tilespmem:s10+$0xC20] =	vst v1;
	(pc) =	sbr.rel @p4 .LBB2_4-.Ltmp1, $4  }
0x54: {  	[tilespmem:s10+$0xC30] =	vst v1  }
0x55: {  	[tilespmem:s10+$0xC40] =	vst v1  }
0x56: {  	[tilespmem:s10+$0xC50] =	vst v1  }
0x57: {  	[tilespmem:s10+$0xC60] =	vst v1;
	s10 =	sshra.s32 s22, $0x2;
	s22 =	sadd.s32 $0x200, s22  }
0x58: {  	[tilespmem:s10+$0xC70] =	vst v1  }
0x59: {  	[tilespmem:s10+$0xC00] =	vst v1  }
0x5a: {  	[tilespmem:s10+$0xC10] =	vst v1  }
0x5b: {  	[tilespmem:s10+$0xC20] =	vst v1  }
0x5c: {  	[tilespmem:s10+$0xC30] =	vst v1  }
0x5d: {  	[tilespmem:s10+$0xC40] =	vst v1  }
0x5e: {  	[tilespmem:s10+$0xC50] =	vst v1  }
0x5f: {  	[tilespmem:s10+$0xC60] =	vst v1  }
0x60: {  	[bflag:$0x0] =	sbarrier.arrive $0xFFFF  }
0x61: {  	s17 =	rddreg [dreg:$0x4]  }
0x62: {  	[tilespmem:s2], [sflag:$0x1] =	stream.linear.gather [hbm4b:s17+s2], $0x400, $0x38;
	[tilespmem:$0x18880] =	vst v63  }
0x63: {  	_ =	swait.ge [sflag:s7], $0x400  }
0x64: {  	[sflag:s7] =	ssyncset.done $0x0  }
0x65: {  	s19 =	rddreg [dreg:$0x5];
	[sflag:s7] =	ssyncadd.s32 $0xFFFFFC00  }
0x66: {  	[tilespmem:s21], [sflag:$0x2] =	stream.linear.gather [hbm4b:s19+s2], $0x400, $0x38;
	[tilespmem:$0x18880] =	vst v63  }
0x67: {  	_ = 	snop  }
0x68: {  	[spmem:s1] =	stream.indirect.scatter.add.f32 [tilespmem:s28], [sflag:$0x4], $0x80, s2, s0, $0xb8;
	[tilespmem:$0x18880] =	vst v63  }
0x69: {  	_ = 	snop  }
0x6a: {  	[spmem:s1] =	stream.indirect.scatter.add.f32 [tilespmem:s28], [sflag:$0x5], $0x80, s0, s0, $0xb8;
	[tilespmem:$0x18880] =	vst v63  }
0x6b: {  	s3 =	simm.s32 $0x100  }
0x6c: {  	[spmem:s1] =	stream.indirect.scatter.add.f32 [tilespmem:s28], [sflag:$0x6], $0x80, s3, s0, $0xb8;
	[tilespmem:$0x18880] =	vst v63  }
0x6d: {  	s22 =	simm.s32 $0x180  }
0x6e: {  	[spmem:s1] =	stream.indirect.scatter.add.f32 [tilespmem:s28], [sflag:$0x7], $0x80, s22, s0, $0xb8;
	[tilespmem:$0x18880] =	vst v63  }
0x6f: {  	_ =	swait.ge [sflag:s12], $0x4000  }
0x70: {  	[sflag:s12] =	ssyncset.done $0x0  }
0x71: {  	s24 =	simm.s32 $0x200;
	[sflag:s12] =	ssyncadd.s32 $0xFFFFC000  }
0x72: {  	[spmem:s1] =	stream.indirect.scatter.add.f32 [tilespmem:s28], [sflag:$0x4], $0x80, s24, s0, $0xb8;
	[tilespmem:$0x18880] =	vst v63  }
0x73: {  	_ =	swait.ge [sflag:s14], $0x4000  }
0x74: {  	[sflag:s14] =	ssyncset.done $0x0  }
0x75: {  	s25 =	simm.s32 $0x280;
	[sflag:s14] =	ssyncadd.s32 $0xFFFFC000  }
0x76: {  	[spmem:s1] =	stream.indirect.scatter.add.f32 [tilespmem:s28], [sflag:$0x5], $0x80, s25, s0, $0xb8;
	[tilespmem:$0x18880] =	vst v63  }
0x77: {  	_ =	swait.ge [sflag:s16], $0x4000  }
0x78: {  	[sflag:s16] =	ssyncset.done $0x0  }
0x79: {  	s5 =	simm.s32 $0x300;
	[sflag:s16] =	ssyncadd.s32 $0xFFFFC000  }
0x7a: {  	[spmem:s1] =	stream.indirect.scatter.add.f32 [tilespmem:s28], [sflag:$0x6], $0x80, s5, s0, $0xb8;
	[tilespmem:$0x18880] =	vst v63  }
0x7b: {  	_ =	swait.ge [sflag:s18], $0x4000  }
0x7c: {  	[sflag:s18] =	ssyncset.done $0x0  }
0x7d: {  	s6 =	simm.s32 $0x380;
	[sflag:s18] =	ssyncadd.s32 $0xFFFFC000  }
0x7e: {  	[spmem:s1] =	stream.indirect.scatter.add.f32 [tilespmem:s28], [sflag:$0x7], $0x80, s6, s0, $0xb8;
	[tilespmem:$0x18880] =	vst v63  }
0x7f: {  	_ =	swait.ge [sflag:s23], $0x400  }
0x80: {  	[sflag:s23] =	ssyncset.done $0x0  }
0x81: {  	s8 =	rddreg [dreg:$0x6];
	[sflag:s23] =	ssyncadd.s32 $0xFFFFFC00  }
0x82: {  	[tilespmem:s20], [sflag:$0x3] =	stream.linear.gather [hbm4b:s8+s2], $0x400, $0x38;
	[tilespmem:$0x18880] =	vst v63  }
0x83: {  	_ =	swait.ge [sflag:s12], $0x4000  }
0x84: {  	[sflag:s12] =	ssyncset.done $0x0  }
0x85: {  	[sflag:s12] =	ssyncadd.s32 $0xFFFFC000  }
0x86: {  	[spmem:s1] =	stream.indirect.scatter.add.f32 [tilespmem:s28], [sflag:$0x4], $0x80, s21, s0, $0xb8;
	[tilespmem:$0x18880] =	vst v63  }
0x87: {  	_ =	swait.ge [sflag:s14], $0x4000  }
0x88: {  	[sflag:s14] =	ssyncset.done $0x0  }
0x89: {  	s22 =	simm.s32 $0x480;
	[sflag:s14] =	ssyncadd.s32 $0xFFFFC000  }
0x8a: {  	[spmem:s1] =	stream.indirect.scatter.add.f32 [tilespmem:s28], [sflag:$0x5], $0x80, s22, s0, $0xb8;
	[tilespmem:$0x18880] =	vst v63  }
0x8b: {  	_ =	swait.ge [sflag:s16], $0x4000  }
0x8c: {  	[sflag:s16] =	ssyncset.done $0x0  }
0x8d: {  	s24 =	simm.s32 $0x500;
	[sflag:s16] =	ssyncadd.s32 $0xFFFFC000  }
0x8e: {  	[spmem:s1] =	stream.indirect.scatter.add.f32 [tilespmem:s28], [sflag:$0x6], $0x80, s24, s0, $0xb8;
	[tilespmem:$0x18880] =	vst v63  }
0x8f: {  	_ =	swait.ge [sflag:s18], $0x4000  }
0x90: {  	[sflag:s18] =	ssyncset.done $0x0  }
0x91: {  	s25 =	simm.s32 $0x580;
	[sflag:s18] =	ssyncadd.s32 $0xFFFFC000  }
0x92: {  	[spmem:s1] =	stream.indirect.scatter.add.f32 [tilespmem:s28], [sflag:$0x7], $0x80, s25, s0, $0xb8;
	[tilespmem:$0x18880] =	vst v63  }
0x93: {  	_ =	swait.ge [sflag:s12], $0x4000  }
0x94: {  	[sflag:s12] =	ssyncset.done $0x0  }
0x95: {  	s17 =	simm.s32 $0x600;
	[sflag:s12] =	ssyncadd.s32 $0xFFFFC000  }
0x96: {  	[spmem:s1] =	stream.indirect.scatter.add.f32 [tilespmem:s28], [sflag:$0x4], $0x80, s17, s0, $0xb8;
	[tilespmem:$0x18880] =	vst v63  }
0x97: {  	_ =	swait.ge [sflag:s14], $0x4000  }
0x98: {  	[sflag:s14] =	ssyncset.done $0x0  }
0x99: {  	s6 =	simm.s32 $0x680;
	[sflag:s14] =	ssyncadd.s32 $0xFFFFC000  }
0x9a: {  	[spmem:s1] =	stream.indirect.scatter.add.f32 [tilespmem:s28], [sflag:$0x5], $0x80, s6, s0, $0xb8;
	[tilespmem:$0x18880] =	vst v63  }
0x9b: {  	_ =	swait.ge [sflag:s16], $0x4000  }
0x9c: {  	[sflag:s16] =	ssyncset.done $0x0  }
0x9d: {  	s8 =	simm.s32 $0x700;
	[sflag:s16] =	ssyncadd.s32 $0xFFFFC000  }
0x9e: {  	[spmem:s1] =	stream.indirect.scatter.add.f32 [tilespmem:s28], [sflag:$0x6], $0x80, s8, s0, $0xb8;
	[tilespmem:$0x18880] =	vst v63  }
0x9f: {  	_ =	swait.ge [sflag:s18], $0x4000  }
0xa0: {  	[sflag:s18] =	ssyncset.done $0x0  }
0xa1: {  	s19 =	simm.s32 $0x780;
	[sflag:s18] =	ssyncadd.s32 $0xFFFFC000  }
0xa2: {  	[spmem:s1] =	stream.indirect.scatter.add.f32 [tilespmem:s28], [sflag:$0x7], $0x80, s19, s0, $0xb8;
	[tilespmem:$0x18880] =	vst v63  }
0xa3: {  	_ =	swait.ge [sflag:s30], $0x400  }
0xa4: {  	[sflag:s30] =	ssyncset.done $0x0  }
0xa5: {  	s5 =	rddreg [dreg:$0x7];
	[sflag:s30] =	ssyncadd.s32 $0xFFFFFC00  }
0xa6: {  	[tilespmem:s2], [sflag:$0x1] =	stream.linear.gather [hbm4b:s5+s2], $0x400, $0x38;
	[tilespmem:$0x18880] =	vst v63  }
0xa7: {  	_ =	swait.ge [sflag:s12], $0x4000  }
0xa8: {  	[sflag:s12] =	ssyncset.done $0x0  }
0xa9: {  	[sflag:s12] =	ssyncadd.s32 $0xFFFFC000  }
0xaa: {  	[spmem:s1] =	stream.indirect.scatter.add.f32 [tilespmem:s28], [sflag:$0x4], $0x80, s20, s0, $0xb8;
	[tilespmem:$0x18880] =	vst v63  }
0xab: {  	_ =	swait.ge [sflag:s14], $0x4000  }
0xac: {  	[sflag:s14] =	ssyncset.done $0x0  }
0xad: {  	s17 =	simm.s32 $0x880;
	[sflag:s14] =	ssyncadd.s32 $0xFFFFC000  }
0xae: {  	[spmem:s1] =	stream.indirect.scatter.add.f32 [tilespmem:s28], [sflag:$0x5], $0x80, s17, s0, $0xb8;
	[tilespmem:$0x18880] =	vst v63  }
0xaf: {  	_ =	swait.ge [sflag:s16], $0x4000  }
0xb0: {  	[sflag:s16] =	ssyncset.done $0x0  }
0xb1: {  	s5 =	simm.s32 $0x900;
	[sflag:s16] =	ssyncadd.s32 $0xFFFFC000  }
0xb2: {  	[spmem:s1] =	stream.indirect.scatter.add.f32 [tilespmem:s28], [sflag:$0x6], $0x80, s5, s0, $0xb8;
	[tilespmem:$0x18880] =	vst v63  }
0xb3: {  	_ =	swait.ge [sflag:s18], $0x4000  }
0xb4: {  	[sflag:s18] =	ssyncset.done $0x0  }
0xb5: {  	[sflag:s18] =	ssyncadd.s32 $0xFFFFC000  }
0xb6: {  	[spmem:s1] =	stream.indirect.scatter.add.f32 [tilespmem:s28], [sflag:$0x7], $0x80, s31, s0, $0xb8;
	[tilespmem:$0x18880] =	vst v63  }
0xb7: {  	_ =	swait.ge [sflag:s12], $0x4000  }
0xb8: {  	[sflag:s12] =	ssyncset.done $0x0  }
0xb9: {  	[sflag:s12] =	ssyncadd.s32 $0xFFFFC000  }
0xba: {  	[spmem:s1] =	stream.indirect.scatter.add.f32 [tilespmem:s28], [sflag:$0x4], $0x80, s9, s0, $0xb8;
	[tilespmem:$0x18880] =	vst v63  }
0xbb: {  	_ =	swait.ge [sflag:s14], $0x4000  }
0xbc: {  	[sflag:s14] =	ssyncset.done $0x0  }
0xbd: {  	[sflag:s14] =	ssyncadd.s32 $0xFFFFC000  }
0xbe: {  	[spmem:s1] =	stream.indirect.scatter.add.f32 [tilespmem:s28], [sflag:$0x5], $0x80, s11, s0, $0xb8;
	[tilespmem:$0x18880] =	vst v63  }
0xbf: {  	_ =	swait.ge [sflag:s16], $0x4000  }
0xc0: {  	[sflag:s16] =	ssyncset.done $0x0  }
0xc1: {  	[sflag:s16] =	ssyncadd.s32 $0xFFFFC000  }
0xc2: {  	[spmem:s1] =	stream.indirect.scatter.add.f32 [tilespmem:s28], [sflag:$0x6], $0x80, s13, s0, $0xb8;
	[tilespmem:$0x18880] =	vst v63  }
0xc3: {  	_ =	swait.ge [sflag:s18], $0x4000  }
0xc4: {  	[sflag:s18] =	ssyncset.done $0x0  }
0xc5: {  	[sflag:s18] =	ssyncadd.s32 $0xFFFFC000  }
0xc6: {  	[spmem:s1] =	stream.indirect.scatter.add.f32 [tilespmem:s28], [sflag:$0x7], $0x80, s15, s0, $0xb8;
	[tilespmem:$0x18880] =	vst v63  }
0xc7: {  	_ =	swait.ge [sflag:s7], $0x400  }
0xc8: {  	[sflag:s7] =	ssyncset.done $0x0  }
0xc9: {  	s19 =	rddreg [dreg:$0x8];
	[sflag:s7] =	ssyncadd.s32 $0xFFFFFC00  }
0xca: {  	[tilespmem:s21], [sflag:$0x2] =	stream.linear.gather [hbm4b:s19+s2], $0x400, $0x38;
	[tilespmem:$0x18880] =	vst v63  }
0xcb: {  	_ =	swait.ge [sflag:s12], $0x4000  }
0xcc: {  	[sflag:s12] =	ssyncset.done $0x0  }
0xcd: {  	[sflag:s12] =	ssyncadd.s32 $0xFFFFC000  }
0xce: {  	[spmem:s1] =	stream.indirect.scatter.add.f32 [tilespmem:s28], [sflag:$0x4], $0x80, s2, s0, $0xb8;
	[tilespmem:$0x18880] =	vst v63  }
0xcf: {  	_ =	swait.ge [sflag:s14], $0x4000  }
0xd0: {  	[sflag:s14] =	ssyncset.done $0x0  }
0xd1: {  	[sflag:s14] =	ssyncadd.s32 $0xFFFFC000  }
0xd2: {  	[spmem:s1] =	stream.indirect.scatter.add.f32 [tilespmem:s28], [sflag:$0x5], $0x80, s0, s0, $0xb8;
	[tilespmem:$0x18880] =	vst v63  }
0xd3: {  	_ =	swait.ge [sflag:s16], $0x4000  }
0xd4: {  	[sflag:s16] =	ssyncset.done $0x0  }
0xd5: {  	s4 =	simm.s32 $0x100;
	[sflag:s16] =	ssyncadd.s32 $0xFFFFC000  }
0xd6: {  	[spmem:s1] =	stream.indirect.scatter.add.f32 [tilespmem:s28], [sflag:$0x6], $0x80, s4, s0, $0xb8;
	[tilespmem:$0x18880] =	vst v63  }
0xd7: {  	_ =	swait.ge [sflag:s18], $0x4000  }
0xd8: {  	[sflag:s18] =	ssyncset.done $0x0  }
0xd9: {  	s17 =	simm.s32 $0x180;
	[sflag:s18] =	ssyncadd.s32 $0xFFFFC000  }
0xda: {  	[spmem:s1] =	stream.indirect.scatter.add.f32 [tilespmem:s28], [sflag:$0x7], $0x80, s17, s0, $0xb8;
	[tilespmem:$0x18880] =	vst v63  }
0xdb: {  	_ =	swait.ge [sflag:s12], $0x4000  }
0xdc: {  	[sflag:s12] =	ssyncset.done $0x0  }
0xdd: {  	s19 =	simm.s32 $0x200;
	[sflag:s12] =	ssyncadd.s32 $0xFFFFC000  }
0xde: {  	[spmem:s1] =	stream.indirect.scatter.add.f32 [tilespmem:s28], [sflag:$0x4], $0x80, s19, s0, $0xb8;
	[tilespmem:$0x18880] =	vst v63  }
0xdf: {  	_ =	swait.ge [sflag:s14], $0x4000  }
0xe0: {  	[sflag:s14] =	ssyncset.done $0x0  }
0xe1: {  	s3 =	simm.s32 $0x280;
	[sflag:s14] =	ssyncadd.s32 $0xFFFFC000  }
0xe2: {  	[spmem:s1] =	stream.indirect.scatter.add.f32 [tilespmem:s28], [sflag:$0x5], $0x80, s3, s0, $0xb8;
	[tilespmem:$0x18880] =	vst v63  }
0xe3: {  	_ =	swait.ge [sflag:s16], $0x4000  }
0xe4: {  	[sflag:s16] =	ssyncset.done $0x0  }
0xe5: {  	s4 =	simm.s32 $0x300;
	[sflag:s16] =	ssyncadd.s32 $0xFFFFC000  }
0xe6: {  	[spmem:s1] =	stream.indirect.scatter.add.f32 [tilespmem:s28], [sflag:$0x6], $0x80, s4, s0, $0xb8;
	[tilespmem:$0x18880] =	vst v63  }
0xe7: {  	_ =	swait.ge [sflag:s18], $0x4000  }
0xe8: {  	[sflag:s18] =	ssyncset.done $0x0  }
0xe9: {  	s10 =	simm.s32 $0x380;
	[sflag:s18] =	ssyncadd.s32 $0xFFFFC000  }
0xea: {  	[spmem:s1] =	stream.indirect.scatter.add.f32 [tilespmem:s28], [sflag:$0x7], $0x80, s10, s0, $0xb8;
	[tilespmem:$0x18880] =	vst v63  }
0xeb: {  	_ =	swait.ge [sflag:s23], $0x400  }
0xec: {  	[sflag:s23] =	ssyncset.done $0x0  }
0xed: {  	s10 =	rddreg [dreg:$0x9];
	[sflag:s23] =	ssyncadd.s32 $0xFFFFFC00  }
0xee: {  	[tilespmem:s20], [sflag:$0x3] =	stream.linear.gather [hbm4b:s10+s2], $0x400, $0x38;
	[tilespmem:$0x18880] =	vst v63  }
0xef: {  	_ =	swait.ge [sflag:s12], $0x4000  }
0xf0: {  	[sflag:s12] =	ssyncset.done $0x0  }
0xf1: {  	[sflag:s12] =	ssyncadd.s32 $0xFFFFC000  }
0xf2: {  	[spmem:s1] =	stream.indirect.scatter.add.f32 [tilespmem:s28], [sflag:$0x4], $0x80, s21, s0, $0xb8;
	[tilespmem:$0x18880] =	vst v63  }
0xf3: {  	_ =	swait.ge [sflag:s14], $0x4000  }
0xf4: {  	[sflag:s14] =	ssyncset.done $0x0  }
0xf5: {  	[sflag:s14] =	ssyncadd.s32 $0xFFFFC000  }
0xf6: {  	[spmem:s1] =	stream.indirect.scatter.add.f32 [tilespmem:s28], [sflag:$0x5], $0x80, s22, s0, $0xb8;
	[tilespmem:$0x18880] =	vst v63  }
0xf7: {  	_ =	swait.ge [sflag:s16], $0x4000  }
0xf8: {  	[sflag:s16] =	ssyncset.done $0x0  }
0xf9: {  	[sflag:s16] =	ssyncadd.s32 $0xFFFFC000  }
0xfa: {  	[spmem:s1] =	stream.indirect.scatter.add.f32 [tilespmem:s28], [sflag:$0x6], $0x80, s24, s0, $0xb8;
	[tilespmem:$0x18880] =	vst v63  }
0xfb: {  	_ =	swait.ge [sflag:s18], $0x4000  }
0xfc: {  	[sflag:s18] =	ssyncset.done $0x0  }
0xfd: {  	[sflag:s18] =	ssyncadd.s32 $0xFFFFC000  }
0xfe: {  	[spmem:s1] =	stream.indirect.scatter.add.f32 [tilespmem:s28], [sflag:$0x7], $0x80, s25, s0, $0xb8;
	[tilespmem:$0x18880] =	vst v63  }
0xff: {  	_ =	swait.ge [sflag:s12], $0x4000  }
0x100: {  	[sflag:s12] =	ssyncset.done $0x0  }
0x101: {  	s10 =	simm.s32 $0x600;
	[sflag:s12] =	ssyncadd.s32 $0xFFFFC000  }
0x102: {  	[spmem:s1] =	stream.indirect.scatter.add.f32 [tilespmem:s28], [sflag:$0x4], $0x80, s10, s0, $0xb8;
	[tilespmem:$0x18880] =	vst v63  }
0x103: {  	_ =	swait.ge [sflag:s14], $0x4000  }
0x104: {  	[sflag:s14] =	ssyncset.done $0x0  }
0x105: {  	[sflag:s14] =	ssyncadd.s32 $0xFFFFC000  }
0x106: {  	[spmem:s1] =	stream.indirect.scatter.add.f32 [tilespmem:s28], [sflag:$0x5], $0x80, s6, s0, $0xb8;
	[tilespmem:$0x18880] =	vst v63  }
0x107: {  	_ =	swait.ge [sflag:s16], $0x4000  }
0x108: {  	[sflag:s16] =	ssyncset.done $0x0  }
0x109: {  	[sflag:s16] =	ssyncadd.s32 $0xFFFFC000  }
0x10a: {  	[spmem:s1] =	stream.indirect.scatter.add.f32 [tilespmem:s28], [sflag:$0x6], $0x80, s8, s0, $0xb8;
	[tilespmem:$0x18880] =	vst v63  }
0x10b: {  	_ =	swait.ge [sflag:s18], $0x4000  }
0x10c: {  	[sflag:s18] =	ssyncset.done $0x0  }
0x10d: {  	s10 =	simm.s32 $0x780;
	[sflag:s18] =	ssyncadd.s32 $0xFFFFC000  }
0x10e: {  	[spmem:s1] =	stream.indirect.scatter.add.f32 [tilespmem:s28], [sflag:$0x7], $0x80, s10, s0, $0xb8;
	[tilespmem:$0x18880] =	vst v63  }
0x10f: {  	_ =	swait.ge [sflag:s30], $0x400  }
0x110: {  	[sflag:s30] =	ssyncset.done $0x0  }
0x111: {  	s10 =	rddreg [dreg:$0xa];
	[sflag:s30] =	ssyncadd.s32 $0xFFFFFC00  }
0x112: {  	[tilespmem:s2], [sflag:$0x1] =	stream.linear.gather [hbm4b:s10+s2], $0x400, $0x38;
	[tilespmem:$0x18880] =	vst v63  }
0x113: {  	_ =	swait.ge [sflag:s12], $0x4000  }
0x114: {  	[sflag:s12] =	ssyncset.done $0x0  }
0x115: {  	[sflag:s12] =	ssyncadd.s32 $0xFFFFC000  }
0x116: {  	[spmem:s1] =	stream.indirect.scatter.add.f32 [tilespmem:s28], [sflag:$0x4], $0x80, s20, s0, $0xb8;
	[tilespmem:$0x18880] =	vst v63  }
0x117: {  	_ =	swait.ge [sflag:s14], $0x4000  }
0x118: {  	[sflag:s14] =	ssyncset.done $0x0  }
0x119: {  	s10 =	simm.s32 $0x880;
	[sflag:s14] =	ssyncadd.s32 $0xFFFFC000  }
0x11a: {  	[spmem:s1] =	stream.indirect.scatter.add.f32 [tilespmem:s28], [sflag:$0x5], $0x80, s10, s0, $0xb8;
	[tilespmem:$0x18880] =	vst v63  }
0x11b: {  	_ =	swait.ge [sflag:s16], $0x4000  }
0x11c: {  	[sflag:s16] =	ssyncset.done $0x0  }
0x11d: {  	[sflag:s16] =	ssyncadd.s32 $0xFFFFC000  }
0x11e: {  	[spmem:s1] =	stream.indirect.scatter.add.f32 [tilespmem:s28], [sflag:$0x6], $0x80, s5, s0, $0xb8;
	[tilespmem:$0x18880] =	vst v63  }
0x11f: {  	_ =	swait.ge [sflag:s18], $0x4000  }
0x120: {  	[sflag:s18] =	ssyncset.done $0x0  }
0x121: {  	[sflag:s18] =	ssyncadd.s32 $0xFFFFC000  }
0x122: {  	[spmem:s1] =	stream.indirect.scatter.add.f32 [tilespmem:s28], [sflag:$0x7], $0x80, s31, s0, $0xb8;
	[tilespmem:$0x18880] =	vst v63  }
0x123: {  	_ =	swait.ge [sflag:s12], $0x4000  }
0x124: {  	[sflag:s12] =	ssyncset.done $0x0  }
0x125: {  	[sflag:s12] =	ssyncadd.s32 $0xFFFFC000  }
0x126: {  	[spmem:s1] =	stream.indirect.scatter.add.f32 [tilespmem:s28], [sflag:$0x4], $0x80, s9, s0, $0xb8;
	[tilespmem:$0x18880] =	vst v63  }
0x127: {  	_ =	swait.ge [sflag:s14], $0x4000  }
0x128: {  	[sflag:s14] =	ssyncset.done $0x0  }
0x129: {  	[sflag:s14] =	ssyncadd.s32 $0xFFFFC000  }
0x12a: {  	[spmem:s1] =	stream.indirect.scatter.add.f32 [tilespmem:s28], [sflag:$0x5], $0x80, s11, s0, $0xb8;
	[tilespmem:$0x18880] =	vst v63  }
0x12b: {  	_ =	swait.ge [sflag:s16], $0x4000  }
0x12c: {  	[sflag:s16] =	ssyncset.done $0x0  }
0x12d: {  	[sflag:s16] =	ssyncadd.s32 $0xFFFFC000  }
0x12e: {  	[spmem:s1] =	stream.indirect.scatter.add.f32 [tilespmem:s28], [sflag:$0x6], $0x80, s13, s0, $0xb8;
	[tilespmem:$0x18880] =	vst v63  }
0x12f: {  	_ =	swait.ge [sflag:s18], $0x4000  }
0x130: {  	[sflag:s18] =	ssyncset.done $0x0  }
0x131: {  	[sflag:s18] =	ssyncadd.s32 $0xFFFFC000  }
0x132: {  	[spmem:s1] =	stream.indirect.scatter.add.f32 [tilespmem:s28], [sflag:$0x7], $0x80, s15, s0, $0xb8;
	[tilespmem:$0x18880] =	vst v63  }
0x133: {  	_ =	swait.ge [sflag:s7], $0x400  }
0x134: {  	[sflag:s7] =	ssyncset.done $0x0  }
0x135: {  	s10 =	rddreg [dreg:$0xb];
	[sflag:s7] =	ssyncadd.s32 $0xFFFFFC00  }
0x136: {  	[tilespmem:s21], [sflag:$0x2] =	stream.linear.gather [hbm4b:s10+s2], $0x400, $0x38;
	[tilespmem:$0x18880] =	vst v63  }
0x137: {  	_ =	swait.ge [sflag:s12], $0x4000  }
0x138: {  	[sflag:s12] =	ssyncset.done $0x0  }
0x139: {  	[sflag:s12] =	ssyncadd.s32 $0xFFFFC000  }
0x13a: {  	[spmem:s1] =	stream.indirect.scatter.add.f32 [tilespmem:s28], [sflag:$0x4], $0x80, s2, s0, $0xb8;
	[tilespmem:$0x18880] =	vst v63  }
0x13b: {  	_ =	swait.ge [sflag:s14], $0x4000  }
0x13c: {  	[sflag:s14] =	ssyncset.done $0x0  }
0x13d: {  	[sflag:s14] =	ssyncadd.s32 $0xFFFFC000  }
0x13e: {  	[spmem:s1] =	stream.indirect.scatter.add.f32 [tilespmem:s28], [sflag:$0x5], $0x80, s0, s0, $0xb8;
	[tilespmem:$0x18880] =	vst v63  }
0x13f: {  	_ =	swait.ge [sflag:s16], $0x4000  }
0x140: {  	[sflag:s16] =	ssyncset.done $0x0  }
0x141: {  	s10 =	simm.s32 $0x100;
	[sflag:s16] =	ssyncadd.s32 $0xFFFFC000  }
0x142: {  	[spmem:s1] =	stream.indirect.scatter.add.f32 [tilespmem:s28], [sflag:$0x6], $0x80, s10, s0, $0xb8;
	[tilespmem:$0x18880] =	vst v63  }
0x143: {  	_ =	swait.ge [sflag:s18], $0x4000  }
0x144: {  	[sflag:s18] =	ssyncset.done $0x0  }
0x145: {  	[sflag:s18] =	ssyncadd.s32 $0xFFFFC000  }
0x146: {  	[spmem:s1] =	stream.indirect.scatter.add.f32 [tilespmem:s28], [sflag:$0x7], $0x80, s17, s0, $0xb8;
	[tilespmem:$0x18880] =	vst v63  }
0x147: {  	_ =	swait.ge [sflag:s12], $0x4000  }
0x148: {  	[sflag:s12] =	ssyncset.done $0x0  }
0x149: {  	[sflag:s12] =	ssyncadd.s32 $0xFFFFC000  }
0x14a: {  	[spmem:s1] =	stream.indirect.scatter.add.f32 [tilespmem:s28], [sflag:$0x4], $0x80, s19, s0, $0xb8;
	[tilespmem:$0x18880] =	vst v63  }
0x14b: {  	_ =	swait.ge [sflag:s14], $0x4000  }
0x14c: {  	[sflag:s14] =	ssyncset.done $0x0  }
0x14d: {  	[sflag:s14] =	ssyncadd.s32 $0xFFFFC000  }
0x14e: {  	[spmem:s1] =	stream.indirect.scatter.add.f32 [tilespmem:s28], [sflag:$0x5], $0x80, s3, s0, $0xb8;
	[tilespmem:$0x18880] =	vst v63  }
0x14f: {  	_ =	swait.ge [sflag:s16], $0x4000  }
0x150: {  	[sflag:s16] =	ssyncset.done $0x0  }
0x151: {  	[sflag:s16] =	ssyncadd.s32 $0xFFFFC000  }
0x152: {  	[spmem:s1] =	stream.indirect.scatter.add.f32 [tilespmem:s28], [sflag:$0x6], $0x80, s4, s0, $0xb8;
	[tilespmem:$0x18880] =	vst v63  }
0x153: {  	_ =	swait.ge [sflag:s18], $0x4000  }
0x154: {  	[sflag:s18] =	ssyncset.done $0x0  }
0x155: {  	s10 =	simm.s32 $0x380;
	[sflag:s18] =	ssyncadd.s32 $0xFFFFC000  }
0x156: {  	[spmem:s1] =	stream.indirect.scatter.add.f32 [tilespmem:s28], [sflag:$0x7], $0x80, s10, s0, $0xb8;
	[tilespmem:$0x18880] =	vst v63  }
0x157: {  	_ =	swait.ge [sflag:s23], $0x400  }
0x158: {  	[sflag:s23] =	ssyncset.done $0x0  }
0x159: {  	s10 =	rddreg [dreg:$0x11];
	[sflag:s23] =	ssyncadd.s32 $0xFFFFFC00  }
0x15a: {  	[tilespmem:s20], [sflag:$0x3] =	stream.linear.gather [hbm4b:s10+s2], $0x400, $0x38;
	[tilespmem:$0x18880] =	vst v63  }
0x15b: {  	_ =	swait.ge [sflag:s12], $0x4000  }
0x15c: {  	[sflag:s12] =	ssyncset.done $0x0  }
0x15d: {  	[sflag:s12] =	ssyncadd.s32 $0xFFFFC000  }
0x15e: {  	[spmem:s1] =	stream.indirect.scatter.add.f32 [tilespmem:s28], [sflag:$0x4], $0x80, s21, s0, $0xb8;
	[tilespmem:$0x18880] =	vst v63  }
0x15f: {  	_ =	swait.ge [sflag:s14], $0x4000  }
0x160: {  	[sflag:s14] =	ssyncset.done $0x0  }
0x161: {  	[sflag:s14] =	ssyncadd.s32 $0xFFFFC000  }
0x162: {  	[spmem:s1] =	stream.indirect.scatter.add.f32 [tilespmem:s28], [sflag:$0x5], $0x80, s22, s0, $0xb8;
	[tilespmem:$0x18880] =	vst v63  }
0x163: {  	_ =	swait.ge [sflag:s16], $0x4000  }
0x164: {  	[sflag:s16] =	ssyncset.done $0x0  }
0x165: {  	[sflag:s16] =	ssyncadd.s32 $0xFFFFC000  }
0x166: {  	[spmem:s1] =	stream.indirect.scatter.add.f32 [tilespmem:s28], [sflag:$0x6], $0x80, s24, s0, $0xb8;
	[tilespmem:$0x18880] =	vst v63  }
0x167: {  	_ =	swait.ge [sflag:s18], $0x4000  }
0x168: {  	[sflag:s18] =	ssyncset.done $0x0  }
0x169: {  	[sflag:s18] =	ssyncadd.s32 $0xFFFFC000  }
0x16a: {  	[spmem:s1] =	stream.indirect.scatter.add.f32 [tilespmem:s28], [sflag:$0x7], $0x80, s25, s0, $0xb8;
	[tilespmem:$0x18880] =	vst v63  }
0x16b: {  	_ =	swait.ge [sflag:s12], $0x4000  }
0x16c: {  	[sflag:s12] =	ssyncset.done $0x0  }
0x16d: {  	s25 =	simm.s32 $0x600;
	[sflag:s12] =	ssyncadd.s32 $0xFFFFC000  }
0x16e: {  	[spmem:s1] =	stream.indirect.scatter.add.f32 [tilespmem:s28], [sflag:$0x4], $0x80, s25, s0, $0xb8;
	[tilespmem:$0x18880] =	vst v63  }
0x16f: {  	_ =	swait.ge [sflag:s14], $0x4000  }
0x170: {  	[sflag:s14] =	ssyncset.done $0x0  }
0x171: {  	[sflag:s14] =	ssyncadd.s32 $0xFFFFC000  }
0x172: {  	[spmem:s1] =	stream.indirect.scatter.add.f32 [tilespmem:s28], [sflag:$0x5], $0x80, s6, s0, $0xb8;
	[tilespmem:$0x18880] =	vst v63  }
0x173: {  	_ =	swait.ge [sflag:s16], $0x4000  }
0x174: {  	[sflag:s16] =	ssyncset.done $0x0  }
0x175: {  	[sflag:s16] =	ssyncadd.s32 $0xFFFFC000  }
0x176: {  	[spmem:s1] =	stream.indirect.scatter.add.f32 [tilespmem:s28], [sflag:$0x6], $0x80, s8, s0, $0xb8;
	[tilespmem:$0x18880] =	vst v63  }
0x177: {  	_ =	swait.ge [sflag:s18], $0x4000  }
0x178: {  	[sflag:s18] =	ssyncset.done $0x0  }
0x179: {  	s10 =	simm.s32 $0x780;
	[sflag:s18] =	ssyncadd.s32 $0xFFFFC000  }
0x17a: {  	[spmem:s1] =	stream.indirect.scatter.add.f32 [tilespmem:s28], [sflag:$0x7], $0x80, s10, s0, $0xb8;
	[tilespmem:$0x18880] =	vst v63  }
0x17b: {  	_ =	swait.ge [sflag:s30], $0x400  }
0x17c: {  	[sflag:s30] =	ssyncset.done $0x0  }
0x17d: {  	s22 =	rddreg [dreg:$0x14];
	[sflag:s30] =	ssyncadd.s32 $0xFFFFFC00  }
0x17e: {  	[tilespmem:s2], [sflag:$0x1] =	stream.linear.gather [hbm4b:s22+s2], $0x400, $0x38;
	[tilespmem:$0x18880] =	vst v63  }
0x17f: {  	_ =	swait.ge [sflag:s12], $0x4000  }
0x180: {  	[sflag:s12] =	ssyncset.done $0x0  }
0x181: {  	[sflag:s12] =	ssyncadd.s32 $0xFFFFC000  }
0x182: {  	[spmem:s1] =	stream.indirect.scatter.add.f32 [tilespmem:s28], [sflag:$0x4], $0x80, s20, s0, $0xb8;
	[tilespmem:$0x18880] =	vst v63  }
0x183: {  	_ =	swait.ge [sflag:s14], $0x4000  }
0x184: {  	[sflag:s14] =	ssyncset.done $0x0  }
0x185: {  	s24 =	simm.s32 $0x880;
	[sflag:s14] =	ssyncadd.s32 $0xFFFFC000  }
0x186: {  	[spmem:s1] =	stream.indirect.scatter.add.f32 [tilespmem:s28], [sflag:$0x5], $0x80, s24, s0, $0xb8;
	[tilespmem:$0x18880] =	vst v63  }
0x187: {  	_ =	swait.ge [sflag:s16], $0x4000  }
0x188: {  	[sflag:s16] =	ssyncset.done $0x0  }
0x189: {  	[sflag:s16] =	ssyncadd.s32 $0xFFFFC000  }
0x18a: {  	[spmem:s1] =	stream.indirect.scatter.add.f32 [tilespmem:s28], [sflag:$0x6], $0x80, s5, s0, $0xb8;
	[tilespmem:$0x18880] =	vst v63  }
0x18b: {  	_ =	swait.ge [sflag:s18], $0x4000  }
0x18c: {  	[sflag:s18] =	ssyncset.done $0x0  }
0x18d: {  	[sflag:s18] =	ssyncadd.s32 $0xFFFFC000  }
0x18e: {  	[spmem:s1] =	stream.indirect.scatter.add.f32 [tilespmem:s28], [sflag:$0x7], $0x80, s31, s0, $0xb8;
	[tilespmem:$0x18880] =	vst v63  }
0x18f: {  	_ =	swait.ge [sflag:s12], $0x4000  }
0x190: {  	[sflag:s12] =	ssyncset.done $0x0  }
0x191: {  	[sflag:s12] =	ssyncadd.s32 $0xFFFFC000  }
0x192: {  	[spmem:s1] =	stream.indirect.scatter.add.f32 [tilespmem:s28], [sflag:$0x4], $0x80, s9, s0, $0xb8;
	[tilespmem:$0x18880] =	vst v63  }
0x193: {  	_ =	swait.ge [sflag:s14], $0x4000  }
0x194: {  	[sflag:s14] =	ssyncset.done $0x0  }
0x195: {  	[sflag:s14] =	ssyncadd.s32 $0xFFFFC000  }
0x196: {  	[spmem:s1] =	stream.indirect.scatter.add.f32 [tilespmem:s28], [sflag:$0x5], $0x80, s11, s0, $0xb8;
	[tilespmem:$0x18880] =	vst v63  }
0x197: {  	_ =	swait.ge [sflag:s16], $0x4000  }
0x198: {  	[sflag:s16] =	ssyncset.done $0x0  }
0x199: {  	[sflag:s16] =	ssyncadd.s32 $0xFFFFC000  }
0x19a: {  	[spmem:s1] =	stream.indirect.scatter.add.f32 [tilespmem:s28], [sflag:$0x6], $0x80, s13, s0, $0xb8;
	[tilespmem:$0x18880] =	vst v63  }
0x19b: {  	_ =	swait.ge [sflag:s18], $0x4000  }
0x19c: {  	[sflag:s18] =	ssyncset.done $0x0  }
0x19d: {  	[sflag:s18] =	ssyncadd.s32 $0xFFFFC000  }
0x19e: {  	[spmem:s1] =	stream.indirect.scatter.add.f32 [tilespmem:s28], [sflag:$0x7], $0x80, s15, s0, $0xb8;
	[tilespmem:$0x18880] =	vst v63  }
0x19f: {  	_ =	swait.ge [sflag:s7], $0x400  }
0x1a0: {  	[sflag:s7] =	ssyncset.done $0x0  }
0x1a1: {  	[sflag:s7] =	ssyncadd.s32 $0xFFFFFC00  }
0x1a2: {  	_ =	swait.ge [sflag:s12], $0x4000  }
0x1a3: {  	[sflag:s12] =	ssyncset.done $0x0  }
0x1a4: {  	[sflag:s12] =	ssyncadd.s32 $0xFFFFC000  }
0x1a5: {  	[spmem:s1] =	stream.indirect.scatter.add.f32 [tilespmem:s28], [sflag:$0x4], $0x80, s2, s0, $0xb8;
	[tilespmem:$0x18880] =	vst v63  }
0x1a6: {  	_ =	swait.ge [sflag:s14], $0x4000  }
0x1a7: {  	[sflag:s14] =	ssyncset.done $0x0  }
0x1a8: {  	[sflag:s14] =	ssyncadd.s32 $0xFFFFC000  }
0x1a9: {  	[spmem:s1] =	stream.indirect.scatter.add.f32 [tilespmem:s28], [sflag:$0x5], $0x80, s0, s0, $0xb8;
	[tilespmem:$0x18880] =	vst v63  }
0x1aa: {  	_ =	swait.ge [sflag:s16], $0x4000  }
0x1ab: {  	[sflag:s16] =	ssyncset.done $0x0  }
0x1ac: {  	s25 =	simm.s32 $0x100;
	[sflag:s16] =	ssyncadd.s32 $0xFFFFC000  }
0x1ad: {  	[spmem:s1] =	stream.indirect.scatter.add.f32 [tilespmem:s28], [sflag:$0x6], $0x80, s25, s0, $0xb8;
	[tilespmem:$0x18880] =	vst v63  }
0x1ae: {  	_ =	swait.ge [sflag:s18], $0x4000  }
0x1af: {  	[sflag:s18] =	ssyncset.done $0x0  }
0x1b0: {  	s17 =	simm.s32 $0x180;
	[sflag:s18] =	ssyncadd.s32 $0xFFFFC000  }
0x1b1: {  	[spmem:s1] =	stream.indirect.scatter.add.f32 [tilespmem:s28], [sflag:$0x7], $0x80, s17, s0, $0xb8;
	[tilespmem:$0x18880] =	vst v63  }
0x1b2: {  	_ =	swait.ge [sflag:s12], $0x4000  }
0x1b3: {  	[sflag:s12] =	ssyncset.done $0x0  }
0x1b4: {  	s19 =	simm.s32 $0x200;
	[sflag:s12] =	ssyncadd.s32 $0xFFFFC000  }
0x1b5: {  	[spmem:s1] =	stream.indirect.scatter.add.f32 [tilespmem:s28], [sflag:$0x4], $0x80, s19, s0, $0xb8;
	[tilespmem:$0x18880] =	vst v63  }
0x1b6: {  	_ =	swait.ge [sflag:s14], $0x4000  }
0x1b7: {  	[sflag:s14] =	ssyncset.done $0x0  }
0x1b8: {  	s3 =	simm.s32 $0x280;
	[sflag:s14] =	ssyncadd.s32 $0xFFFFC000  }
0x1b9: {  	[spmem:s1] =	stream.indirect.scatter.add.f32 [tilespmem:s28], [sflag:$0x5], $0x80, s3, s0, $0xb8;
	[tilespmem:$0x18880] =	vst v63  }
0x1ba: {  	_ =	swait.ge [sflag:s16], $0x4000  }
0x1bb: {  	[sflag:s16] =	ssyncset.done $0x0  }
0x1bc: {  	s4 =	simm.s32 $0x300;
	[sflag:s16] =	ssyncadd.s32 $0xFFFFC000  }
0x1bd: {  	[spmem:s1] =	stream.indirect.scatter.add.f32 [tilespmem:s28], [sflag:$0x6], $0x80, s4, s0, $0xb8;
	[tilespmem:$0x18880] =	vst v63  }
0x1be: {  	_ =	swait.ge [sflag:s18], $0x4000  }
0x1bf: {  	[sflag:s18] =	ssyncset.done $0x0  }
0x1c0: {  	s6 =	simm.s32 $0x380;
	[sflag:s18] =	ssyncadd.s32 $0xFFFFC000  }
0x1c1: {  	[spmem:s1] =	stream.indirect.scatter.add.f32 [tilespmem:s28], [sflag:$0x7], $0x80, s6, s0, $0xb8;
	[tilespmem:$0x18880] =	vst v63  }
0x1c2: {  	_ =	swait.ge [sflag:s12], $0x4000  }
0x1c3: {  	[sflag:s12] =	ssyncset.done $0x0  }
0x1c4: {  	[sflag:s12] =	ssyncadd.s32 $0xFFFFC000  }
0x1c5: {  	_ =	swait.ge [sflag:s14], $0x4000  }
0x1c6: {  	[sflag:s14] =	ssyncset.done $0x0  }
0x1c7: {  	[sflag:s14] =	ssyncadd.s32 $0xFFFFC000  }
0x1c8: {  	_ =	swait.ge [sflag:s16], $0x4000  }
0x1c9: {  	[sflag:s16] =	ssyncset.done $0x0  }
0x1ca: {  	[sflag:s16] =	ssyncadd.s32 $0xFFFFC000  }
0x1cb: {  	_ =	swait.ge [sflag:s18], $0x4000  }
0x1cc: {  	[sflag:s18] =	ssyncset.done $0x0  }
0x1cd: {  	[sflag:s18] =	ssyncadd.s32 $0xFFFFC000  }
0x1ce: {  	[bflag:$0x0] =	sbarrier.arrive $0xFFFF  }
0x1cf: {  	s4 =	rddreg [dreg:$0x1a]  }
0x1d0: {  	[tilespmem:s28], [sflag:$0x8] =	stream.linear.gather [spmem:s4], $0x4000, $0x38;
	[tilespmem:$0x18880] =	vst v63  }
0x1d1: {  	_ =	swait.ge [sflag:s29], $0x4000  }
0x1d2: {  	[sflag:s29] =	ssyncset.done $0x0  }
0x1d3: {  	s8 =	rddreg [dreg:$0xc];
	[sflag:s29] =	ssyncadd.s32 $0xFFFFC000  }
0x1d4: {  	[hbm4b:s8+s2] =	stream.linear.scatter [tilespmem:s28], [sflag:$0x8], $0x4000, $0x38;
	[tilespmem:$0x18880] =	vst v63  }
0x1d5: {  	_ =	swait.ge [sflag:s29], $0x4000  }
0x1d6: {  	[sflag:s29] =	ssyncset.done $0x0  }
0x1d7: {  	s10 =	rddreg [dreg:$0x15];
	[sflag:s29] =	ssyncadd.s32 $0xFFFFC000  }
0x1d8: {  	[tilespmem:s28], [sflag:$0x8] =	stream.linear.gather [spmem:s10], $0x4000, $0x38;
	[tilespmem:$0x18880] =	vst v63  }
0x1d9: {  	_ =	swait.ge [sflag:s29], $0x4000  }
0x1da: {  	[sflag:s29] =	ssyncset.done $0x0  }
0x1db: {  	s17 =	rddreg [dreg:$0xd];
	[sflag:s29] =	ssyncadd.s32 $0xFFFFC000  }
0x1dc: {  	[hbm4b:s17+s2] =	stream.linear.scatter [tilespmem:s28], [sflag:$0x8], $0x4000, $0x38;
	[tilespmem:$0x18880] =	vst v63  }
0x1dd: {  	_ =	swait.ge [sflag:s29], $0x4000  }
0x1de: {  	[sflag:s29] =	ssyncset.done $0x0  }
0x1df: {  	s6 =	rddreg [dreg:$0x19];
	[sflag:s29] =	ssyncadd.s32 $0xFFFFC000  }
0x1e0: {  	[tilespmem:s28], [sflag:$0x8] =	stream.linear.gather [spmem:s6], $0x4000, $0x38;
	[tilespmem:$0x18880] =	vst v63  }
0x1e1: {  	_ =	swait.ge [sflag:s29], $0x4000  }
0x1e2: {  	[sflag:s29] =	ssyncset.done $0x0  }
0x1e3: {  	s19 =	rddreg [dreg:$0xe];
	[sflag:s29] =	ssyncadd.s32 $0xFFFFC000  }
0x1e4: {  	[hbm4b:s19+s2] =	stream.linear.scatter [tilespmem:s28], [sflag:$0x8], $0x4000, $0x38;
	[tilespmem:$0x18880] =	vst v63  }
0x1e5: {  	_ =	swait.ge [sflag:s29], $0x4000  }
0x1e6: {  	[sflag:s29] =	ssyncset.done $0x0  }
0x1e7: {  	s22 =	rddreg [dreg:$0x16];
	[sflag:s29] =	ssyncadd.s32 $0xFFFFC000  }
0x1e8: {  	[tilespmem:s28], [sflag:$0x8] =	stream.linear.gather [spmem:s22], $0x4000, $0x38;
	[tilespmem:$0x18880] =	vst v63  }
0x1e9: {  	_ =	swait.ge [sflag:s29], $0x4000  }
0x1ea: {  	[sflag:s29] =	ssyncset.done $0x0  }
0x1eb: {  	s24 =	rddreg [dreg:$0xf];
	[sflag:s29] =	ssyncadd.s32 $0xFFFFC000  }
0x1ec: {  	[hbm4b:s24+s2] =	stream.linear.scatter [tilespmem:s28], [sflag:$0x8], $0x4000, $0x38;
	[tilespmem:$0x18880] =	vst v63  }
0x1ed: {  	_ =	swait.ge [sflag:s29], $0x4000  }
0x1ee: {  	s10 =	simm.s32 @!p0 $0xC00;
	[sflag:s29] =	ssyncset.done $0x0  }
0x1ef: {  	s22 =	simm.s32 @!p0 $0x8;
	s5 =	rddreg [dreg:$0x17];
	[sflag:s29] =	ssyncadd.s32 $0xFFFFC000  }
0x1f0: {  	[tilespmem:s10], [sflag:$0x8] =	stream.linear.gather @!p0 [spmem:s5], $0x4000, $0x38;
	[tilespmem:$0x18880] =	vst v63  }
0x1f1: {  	_ =	swait.ge @!p0 [sflag:s22], $0x4000  }
0x1f2: {  	[sflag:s22] =	ssyncset.done @!p0 $0x0  }
0x1f3: {  	s24 =	simm.s32 @!p0 $0x0;
	s25 =	rddreg [dreg:$0x10];
	[sflag:s22] =	ssyncadd.s32 @!p0 $0xFFFFC000  }
0x1f4: {  	[hbm4b:s25+s24] =	stream.linear.scatter @!p0 [tilespmem:s10], [sflag:$0x8], $0x4000, $0x38;
	[tilespmem:$0x18880] =	vst v63  }
0x1f5: {  	_ =	swait.ge @!p0 [sflag:s22], $0x4000  }
0x1f6: {  	s10 =	simm.s32 @p3 $0xC00;
	[sflag:s22] =	ssyncset.done @!p0 $0x0  }
0x1f7: {  	s8 =	rddreg [dreg:$0x18];
	[sflag:s22] =	ssyncadd.s32 @!p0 $0xFFFFC000;
	s22 =	simm.s32 @p3 $0x8  }
0x1f8: {  	[tilespmem:s10], [sflag:$0x8] =	stream.linear.gather @p3 [spmem:s8], $0x800, $0x38;
	[tilespmem:$0x18880] =	vst v63  }
0x1f9: {  	_ =	swait.ge @p3 [sflag:s22], $0x800  }
0x1fa: {  	[sflag:s22] =	ssyncset.done @p3 $0x0  }
0x1fb: {  	s24 =	simm.s32 @p3 $0x0;
	s25 =	rddreg [dreg:$0x12];
	[sflag:s22] =	ssyncadd.s32 @p3 $0xFFFFF800  }
0x1fc: {  	[hbm4b:s25+s24] =	stream.linear.scatter @p3 [tilespmem:s10], [sflag:$0x8], $0x800, $0x38;
	[tilespmem:$0x18880] =	vst v63  }
0x1fd: {  	_ =	swait.ge @p3 [sflag:s22], $0x800  }
0x1fe: {  	s26 =	sadd.s32 $0x1, s26;
	s25 =	rddreg [dreg:$0x13]  }
0x1ff: {  	p4 =	sne.s32 s26, s25  }
.Ltmp2:
0x200: {  	_ = 	snop;
	(pc) =	sbr.rel @p4 .LBB2_1-.Ltmp2, $3  }
0x201: {  	_ =	sdelay $0x1  }
0x202: {  	[sflag:s22] =	ssyncset.done @p3 $0x0  }
0x203: {  	[sflag:s22] =	ssyncadd.s32 @p3 $0xFFFFF800  }
0x204: {  	_ =	sfence.sel $0x180000  }
0x205: {  	[bflag:$0x0] =	sbarrier.arrive $0xFFFF  }
0x206: {  	_ =	strace $0x90000047  }
0x207: {  	s0 =	stileid.u32;
	[bflag:$0x2] =	sbarrier.arrive $0xFFFF  }
0x208: {  	p0 =	sne.s32 s0, $0x0;
	s0 =	rddreg [dreg:$0x3]  }
0x209: {  	s0 =	sadd.s32 @!p0 $0x100000, s0  }
0x20a: {  	[sflag:s0] =	ssyncadd.tile.s32 @!p0 $0x1;
	_ =	shalt  }
.Lfunc_end2:
_tile_overlayer_lowered:
.L_overlay_start_2:
0x20b: {  	(tag) =	ssettag $0x2  }
0x20c: {  	s0 =	rddreg [dreg:$0x0];
	s2 =	stileid.u32  }
0x20d: {  	s1 =	rddreg [dreg:$0x1];
	p0 =	sne.s32 s2, $0x0  }
0x20e: {  	s3 =	rddreg [dreg:$0x2];
	[bflag:$0x3] =	sbarrier.arrive $0xFFFF;
	s2 =	simm.s32 @!p0 $0x1C08  }
0x20f: {  	[timem:s3], [sflag:s2] =	dma.local @!p0 [hbm:s0], s1  }
0x210: {  	s0 =	simm.s32 @!p0 $0x8  }
0x211: {  	_ =	swait.ge @!p0 [sflag:s0], s1  }
0x212: {  	s1 =	ssub.s32 @!p0 $0x0, s1;
	[sflag:s0] =	ssyncset.done @!p0 $0x0  }
0x213: {  	[sflag:s0] =	ssyncadd.s32 @!p0 s1  }
0x214: {  	[bflag:$0x3] =	sbarrier.arrive $0xFFFF  }
0x215: {  	_ =	shalt  }

</sc_bundles>
